<compile_context>
chip_gen: v7x
topology: tpu7x:2x2x1
jax: 0.10.2.dev20260603
libtpu: 0.0.44.dev20260713+nightly
codegen_flags: <defaults>
</compile_context>

<pallas_src>
import jax
import jax.numpy as jnp
from jax import lax
from jax.experimental import pallas as pl
from jax.experimental.pallas import tpu as pltpu
from jax.experimental.pallas import tpu_sc as plsc

_T = 0.0025
_M = 0.6
_K = 16
_N = 256
_L = 16
_NC = 2
_NS = 16
_NW = _NC * _NS
_NTC = 0
_NSC = _N - _NTC
_RPW = _NSC // _NW
_NCHUNK = _N // _L


def _tc_dist_body(yi_ref, yit_ref, comb_ref, e2_ref):
    yi = yi_ref[...]
    yit = yit_ref[...]
    yin = yi * lax.rsqrt(jnp.sum(yi * yi, axis=1, keepdims=True) + 1e-12)
    yitn = yit * lax.rsqrt(jnp.sum(yit * yit, axis=1, keepdims=True) + 1e-12)
    g = lax.dot_general(yin, yin, (((1,), (1,)), ((), ())),
                        preferred_element_type=jnp.float32)
    c = lax.dot_general(yitn, yin, (((1,), (1,)), ((), ())),
                        preferred_element_type=jnp.float32)
    dii = 0.5 * jnp.sqrt(jnp.maximum(2.0 - 2.0 * g, 0.0) + 1e-12)
    dt = 0.5 * jnp.sqrt(jnp.maximum(2.0 - 2.0 * c, 0.0) + 1e-12)
    diag = (lax.broadcasted_iota(jnp.int32, (_N, _N), 0)
            == lax.broadcasted_iota(jnp.int32, (_N, _N), 1))
    dii_s = jnp.where(diag, 2.0, dii)
    comb_ref[:, : _N] = dii_s
    comb_ref[:, _N:] = dt
    d1 = jnp.min(dii_s, axis=1)
    diag_t = jnp.sum(jnp.where(diag, dt, 0.0), axis=1)
    e2 = jnp.sum(jnp.maximum(diag_t + _M - d1, 0.0))
    e2_ref[...] = jnp.reshape(e2 - _T * (_K * _N), (1, 1))


def _sc_body(comb_hbm, out_hbm, comb_v, acc_v):
    cid = lax.axis_index("c")
    sid = lax.axis_index("s")
    wid = sid * _NC + cid
    base = wid * _RPW
    pltpu.sync_copy(comb_hbm.at[pl.ds(base, _RPW)], comb_v)
    total = jnp.zeros((_L,), jnp.float32)
    for r in range(_RPW):
        bk = bv = None
        for c in range(_NCHUNK):
            key = comb_v[r, pl.ds(c * _L, _L)]
            val = comb_v[r, pl.ds(_N + c * _L, _L)]
            if c == 0:
                bk, bv = plsc.sort_key_val(key, val)
            else:
                ck, cv = plsc.sort_key_val(key, val, descending=True)
                keep = bk <= ck
                lk = jnp.where(keep, bk, ck)
                lv = jnp.where(keep, bv, cv)
                bk, bv = plsc.sort_key_val(lk, lv)
        diff = bk - bv
        total = total + diff * diff
    acc_v[...] = total
    pltpu.sync_copy(acc_v, out_hbm.at[wid])


_sc_knn = pl.kernel(
    _sc_body,
    out_type=jax.ShapeDtypeStruct((_NW, _L), jnp.float32),
    mesh=plsc.VectorSubcoreMesh(core_axis_name="c", subcore_axis_name="s",
                                num_cores=_NC, num_subcores=_NS),
    scratch_types=[
        pltpu.VMEM((_RPW, 2 * _N), jnp.float32),
        pltpu.VMEM((_L,), jnp.float32),
    ],
    compiler_params=pltpu.CompilerParams(needs_layout_passes=False),
)


@jax.jit
def kernel(yi, yi_t):
    comb, e2 = pl.pallas_call(
        _tc_dist_body,
        out_shape=[jax.ShapeDtypeStruct((_N, 2 * _N), jnp.float32),
                   jax.ShapeDtypeStruct((1, 1), jnp.float32)],
    )(yi, yi_t)
    parts = _sc_knn(comb)
    return jnp.sum(parts) + e2[0, 0]

# --- scband reference (transcript-rebuilt; emitter-appended) ---
"""Pipeline reference for scband-blcd-loss-87076166960013 (READ-ONLY COPY).

The authoritative reference and input builder live on the scoring server;
editing this copy changes nothing except your own understanding.
"""

import jax, jax.numpy as jnp
import numpy as np

T = 0.0025
M = 0.6
K = 16

def setup_inputs(seed: int = 0) -> dict:
    key = jax.random.key(seed)
    k1, k2 = jax.random.split(key)
    yi = jax.random.normal(k1, (256, 256), dtype=jnp.float32)
    yi_t = jax.random.normal(k2, (256, 256), dtype=jnp.float32)
    return {"yi": yi, "yi_t": yi_t}

def _forward(yi, yi_t):
    # row-wise L2 normalize
    yi = yi / jnp.sqrt(jnp.sum(yi ** 2, axis=-1, keepdims=True) + 1e-12)
    yii = yi[:, None, :] - yi[None, :, :]
    dis_yii = 0.5 * jnp.sqrt(jnp.sum(yii ** 2, axis=-1) + 1e-12)
    yi_t = yi_t / jnp.sqrt(jnp.sum(yi_t ** 2, axis=-1, keepdims=True) + 1e-12)
    # smallest K+1 distances per row (torch.topk largest=False)
    neg_topk, topk_index_yi = jax.lax.top_k(-dis_yii, K + 1)
    # gather K nearest neighbors (exclude self at index 0)
    yj = yi[topk_index_yi[:, 1:]]  # [256, K, 256]
    dis_yij = 0.5 * jnp.sqrt(jnp.sum((yi[:, None, :] - yj) ** 2, axis=-1) + 1e-12)
    dis_yi_tj = 0.5 * jnp.sqrt(jnp.sum((yi_t[:, None, :] - yj) ** 2, axis=-1) + 1e-12)
    out1 = (dis_yij - dis_yi_tj) ** 2 - T
    e1 = jnp.sum(out1)
    dis_yi_yi_t = 0.5 * jnp.sqrt(jnp.sum((yi - yi_t) ** 2, axis=-1) + 1e-12)
    neg_top2, _ = jax.lax.top_k(-dis_yii, 2)
    yij_value = -neg_top2[:, 1]  # second-smallest distance per row
    out = dis_yi_yi_t + M - yij_value
    e2 = jnp.sum(jnp.where(out > 0, out, jnp.zeros_like(out)))
    return e1 + e2

def reference(yi, yi_t):
    return _forward(yi, yi_t)

if __name__ == "__main__":
    import jax
    _d = setup_inputs()
    print(jax.jit(kernel)(*tuple(_d.values())))

</pallas_src>

<mosaic_0001>
#map = affine_map<(d0, d1) -> (0, 0)>
module attributes {stable_mosaic.version = 14 : i64} {
  func.func @_sc_body(%arg0: i32, %arg1: i32, %arg2: memref<256x512xf32, #tpu.memory_space<hbm>>, %arg3: memref<32x16xf32, #tpu.memory_space<hbm>>, %arg4: memref<8x512xf32, #tpu.memory_space<vmem>>, %arg5: memref<16xf32, #tpu.memory_space<vmem>>) attributes {dimension_semantics = [#tpu.dimension_semantics<core_parallel>, #tpu.dimension_semantics<subcore_parallel>], iteration_bounds = array<i64: 2, 16>, scalar_prefetch = 0 : i64, scratch_operands = 2 : i64, tpu.core_type = #tpu.core_type<sc_vector_subcore>, window_params = [{transform_indices = #map}, {transform_indices = #map}]} {
    %mul3A = arith.constant 2 : i32
    %mul3A_0 = arith.muli %arg1, %mul3A : i32
    %add3A = arith.addi %mul3A_0, %arg0 : i32
    %mul3A_1 = arith.constant 8 : i32
    %mul3A_2 = arith.muli %add3A, %mul3A_1 : i32
    "tpu.region"() ({
      %run_scoped3A = tpu.sem_alloc : memref<!tpu.dma_semaphore, #tpu.memory_space<semaphore_mem>>
      %dma_start3A = arith.constant 0 : i32
      %dma_start3A_2400 = tpu.memref_slice %arg2[%mul3A_2, %dma_start3A] : memref<256x512xf32, #tpu.memory_space<hbm>> -> memref<8x512xf32, #tpu.memory_space<hbm>>
      %dma_start3A_2401 = arith.constant 0 : i32
      %dma_start3A_2402 = tpu.memref_slice %arg2[%mul3A_2, %dma_start3A_2401] : memref<256x512xf32, #tpu.memory_space<hbm>> -> memref<8x512xf32, #tpu.memory_space<hbm>>
      tpu.enqueue_dma source(%dma_start3A_2402 : memref<8x512xf32, #tpu.memory_space<hbm>>) target(%arg4 : memref<8x512xf32, #tpu.memory_space<vmem>>) target_semaphore(%run_scoped3A : memref<!tpu.dma_semaphore, #tpu.memory_space<semaphore_mem>>)
      %dma_wait3A = arith.constant 0 : i32
      %dma_wait3A_2403 = tpu.memref_slice %arg2[%mul3A_2, %dma_wait3A] : memref<256x512xf32, #tpu.memory_space<hbm>> -> memref<8x512xf32, #tpu.memory_space<hbm>>
      %dma_wait3A_2404 = arith.constant 0 : i32
      %dma_wait3A_2405 = tpu.memref_slice %arg2[%mul3A_2, %dma_wait3A_2404] : memref<256x512xf32, #tpu.memory_space<hbm>> -> memref<8x512xf32, #tpu.memory_space<hbm>>
      tpu.wait_dma2 semaphore(%run_scoped3A : memref<!tpu.dma_semaphore, #tpu.memory_space<semaphore_mem>>) src(%dma_wait3A_2405 : memref<8x512xf32, #tpu.memory_space<hbm>>) dst(%arg4 : memref<8x512xf32, #tpu.memory_space<vmem>>)
      tpu.yield
    }) : () -> ()
    %broadcast_in_dim3A = arith.constant 0.000000e+00 : f32
    %broadcast_in_dim3A_3 = vector.broadcast %broadcast_in_dim3A : f32 to vector<16xf32>
    %get3A = arith.constant 0 : i32
    %get3A_4 = arith.index_cast %get3A : i32 to index
    %get3A_5 = arith.constant 0 : index
    %get3A_6 = tpu.vector_load %arg4[%get3A_4, %get3A_5] {strides = array<i32>} : memref<8x512xf32, #tpu.memory_space<vmem>>, vector<16xf32>,
    %get3A_7 = arith.constant 0 : i32
    %get3A_8 = arith.index_cast %get3A_7 : i32 to index
    %get3A_9 = arith.constant 256 : index
    %get3A_10 = tpu.vector_load %arg4[%get3A_8, %get3A_9] {strides = array<i32>} : memref<8x512xf32, #tpu.memory_space<vmem>>, vector<16xf32>,
    %masked_sort3A = arith.constant dense<true> : vector<16xi1>
    %masked_sort3A_11, %masked_sort3A_12, %masked_sort3A_13 = tpu.sort %get3A_6, %get3A_10 masked %masked_sort3A : (vector<16xf32>, vector<16xf32>, vector<16xi1>) -> (vector<16xi1>, vector<16xf32>, vector<16xf32>)
    %get3A_14 = arith.constant 0 : i32
    %get3A_15 = arith.index_cast %get3A_14 : i32 to index
    %get3A_16 = arith.constant 16 : index
    %get3A_17 = tpu.vector_load %arg4[%get3A_15, %get3A_16] {strides = array<i32>} : memref<8x512xf32, #tpu.memory_space<vmem>>, vector<16xf32>,
    %get3A_18 = arith.constant 0 : i32
    %get3A_19 = arith.index_cast %get3A_18 : i32 to index
    %get3A_20 = arith.constant 272 : index
    %get3A_21 = tpu.vector_load %arg4[%get3A_19, %get3A_20] {strides = array<i32>} : memref<8x512xf32, #tpu.memory_space<vmem>>, vector<16xf32>,
    %masked_sort3A_22 = arith.constant dense<true> : vector<16xi1>
    %masked_sort3A_23, %masked_sort3A_24, %masked_sort3A_25 = tpu.sort %get3A_17, %get3A_21 masked %masked_sort3A_22 {descending = true} : (vector<16xf32>, vector<16xf32>, vector<16xi1>) -> (vector<16xi1>, vector<16xf32>, vector<16xf32>)
    %le3A = arith.cmpf ole, %masked_sort3A_12, %masked_sort3A_24 : vector<16xf32>
    %select_n3A = arith.select %le3A, %masked_sort3A_12, %masked_sort3A_24 : vector<16xi1>, vector<16xf32>
    %select_n3A_26 = arith.select %le3A, %masked_sort3A_13, %masked_sort3A_25 : vector<16xi1>, vector<16xf32>
    %masked_sort3A_27 = arith.constant dense<true> : vector<16xi1>
    %masked_sort3A_28, %masked_sort3A_29, %masked_sort3A_30 = tpu.sort %select_n3A, %select_n3A_26 masked %masked_sort3A_27 : (vector<16xf32>, vector<16xf32>, vector<16xi1>) -> (vector<16xi1>, vector<16xf32>, vector<16xf32>)
    %get3A_31 = arith.constant 0 : i32
    %get3A_32 = arith.index_cast %get3A_31 : i32 to index
    %get3A_33 = arith.constant 32 : index
    %get3A_34 = tpu.vector_load %arg4[%get3A_32, %get3A_33] {strides = array<i32>} : memref<8x512xf32, #tpu.memory_space<vmem>>, vector<16xf32>,
    %get3A_35 = arith.constant 0 : i32
    %get3A_36 = arith.index_cast %get3A_35 : i32 to index
    %get3A_37 = arith.constant 288 : index
    %get3A_38 = tpu.vector_load %arg4[%get3A_36, %get3A_37] {strides = array<i32>} : memref<8x512xf32, #tpu.memory_space<vmem>>, vector<16xf32>,
    %masked_sort3A_39 = arith.constant dense<true> : vector<16xi1>
    %masked_sort3A_40, %masked_sort3A_41, %masked_sort3A_42 = tpu.sort %get3A_34, %get3A_38 masked %masked_sort3A_39 {descending = true} : (vector<16xf32>, vector<16xf32>, vector<16xi1>) -> (vector<16xi1>, vector<16xf32>, vector<16xf32>)
    %le3A_43 = arith.cmpf ole, %masked_sort3A_29, %masked_sort3A_41 : vector<16xf32>
    %select_n3A_44 = arith.select %le3A_43, %masked_sort3A_29, %masked_sort3A_41 : vector<16xi1>, vector<16xf32>
    %select_n3A_45 = arith.select %le3A_43, %masked_sort3A_30, %masked_sort3A_42 : vector<16xi1>, vector<16xf32>
    %masked_sort3A_46 = arith.constant dense<true> : vector<16xi1>
    %masked_sort3A_47, %masked_sort3A_48, %masked_sort3A_49 = tpu.sort %select_n3A_44, %select_n3A_45 masked %masked_sort3A_46 : (vector<16xf32>, vector<16xf32>, vector<16xi1>) -> (vector<16xi1>, vector<16xf32>, vector<16xf32>)
    %get3A_50 = arith.constant 0 : i32
    %get3A_51 = arith.index_cast %get3A_50 : i32 to index
    %get3A_52 = arith.constant 48 : index
    %get3A_53 = tpu.vector_load %arg4[%get3A_51, %get3A_52] {strides = array<i32>} : memref<8x512xf32, #tpu.memory_space<vmem>>, vector<16xf32>,
    %get3A_54 = arith.constant 0 : i32
    %get3A_55 = arith.index_cast %get3A_54 : i32 to index
    %get3A_56 = arith.constant 304 : index
    %get3A_57 = tpu.vector_load %arg4[%get3A_55, %get3A_56] {strides = array<i32>} : memref<8x512xf32, #tpu.memory_space<vmem>>, vector<16xf32>,
    %masked_sort3A_58 = arith.constant dense<true> : vector<16xi1>
    %masked_sort3A_59, %masked_sort3A_60, %masked_sort3A_61 = tpu.sort %get3A_53, %get3A_57 masked %masked_sort3A_58 {descending = true} : (vector<16xf32>, vector<16xf32>, vector<16xi1>) -> (vector<16xi1>, vector<16xf32>, vector<16xf32>)
    %le3A_62 = arith.cmpf ole, %masked_sort3A_48, %masked_sort3A_60 : vector<16xf32>
    %select_n3A_63 = arith.select %le3A_62, %masked_sort3A_48, %masked_sort3A_60 : vector<16xi1>, vector<16xf32>
    %select_n3A_64 = arith.select %le3A_62, %masked_sort3A_49, %masked_sort3A_61 : vector<16xi1>, vector<16xf32>
    %masked_sort3A_65 = arith.constant dense<true> : vector<16xi1>
    %masked_sort3A_66, %masked_sort3A_67, %masked_sort3A_68 = tpu.sort %select_n3A_63, %select_n3A_64 masked %masked_sort3A_65 : (vector<16xf32>, vector<16xf32>, vector<16xi1>) -> (vector<16xi1>, vector<16xf32>, vector<16xf32>)
    %get3A_69 = arith.constant 0 : i32
    %get3A_70 = arith.index_cast %get3A_69 : i32 to index
    %get3A_71 = arith.constant 64 : index
    %get3A_72 = tpu.vector_load %arg4[%get3A_70, %get3A_71] {strides = array<i32>} : memref<8x512xf32, #tpu.memory_space<vmem>>, vector<16xf32>,
    %get3A_73 = arith.constant 0 : i32
    %get3A_74 = arith.index_cast %get3A_73 : i32 to index
    %get3A_75 = arith.constant 320 : index
    %get3A_76 = tpu.vector_load %arg4[%get3A_74, %get3A_75] {strides = array<i32>} : memref<8x512xf32, #tpu.memory_space<vmem>>, vector<16xf32>,
    %masked_sort3A_77 = arith.constant dense<true> : vector<16xi1>
    %masked_sort3A_78, %masked_sort3A_79, %masked_sort3A_80 = tpu.sort %get3A_72, %get3A_76 masked %masked_sort3A_77 {descending = true} : (vector<16xf32>, vector<16xf32>, vector<16xi1>) -> (vector<16xi1>, vector<16xf32>, vector<16xf32>)
    %le3A_81 = arith.cmpf ole, %masked_sort3A_67, %masked_sort3A_79 : vector<16xf32>
    %select_n3A_82 = arith.select %le3A_81, %masked_sort3A_67, %masked_sort3A_79 : vector<16xi1>, vector<16xf32>
    %select_n3A_83 = arith.select %le3A_81, %masked_sort3A_68, %masked_sort3A_80 : vector<16xi1>, vector<16xf32>
    %masked_sort3A_84 = arith.constant dense<true> : vector<16xi1>
    %masked_sort3A_85, %masked_sort3A_86, %masked_sort3A_87 = tpu.sort %select_n3A_82, %select_n3A_83 masked %masked_sort3A_84 : (vector<16xf32>, vector<16xf32>, vector<16xi1>) -> (vector<16xi1>, vector<16xf32>, vector<16xf32>)
    %get3A_88 = arith.constant 0 : i32
    %get3A_89 = arith.index_cast %get3A_88 : i32 to index
    %get3A_90 = arith.constant 80 : index
    %get3A_91 = tpu.vector_load %arg4[%get3A_89, %get3A_90] {strides = array<i32>} : memref<8x512xf32, #tpu.memory_space<vmem>>, vector<16xf32>,
    %get3A_92 = arith.constant 0 : i32
    %get3A_93 = arith.index_cast %get3A_92 : i32 to index
    %get3A_94 = arith.constant 336 : index
    %get3A_95 = tpu.vector_load %arg4[%get3A_93, %get3A_94] {strides = array<i32>} : memref<8x512xf32, #tpu.memory_space<vmem>>, vector<16xf32>,
    %masked_sort3A_96 = arith.constant dense<true> : vector<16xi1>
    %masked_sort3A_97, %masked_sort3A_98, %masked_sort3A_99 = tpu.sort %get3A_91, %get3A_95 masked %masked_sort3A_96 {descending = true} : (vector<16xf32>, vector<16xf32>, vector<16xi1>) -> (vector<16xi1>, vector<16xf32>, vector<16xf32>)
    %le3A_100 = arith.cmpf ole, %masked_sort3A_86, %masked_sort3A_98 : vector<16xf32>
    %select_n3A_101 = arith.select %le3A_100, %masked_sort3A_86, %masked_sort3A_98 : vector<16xi1>, vector<16xf32>
    %select_n3A_102 = arith.select %le3A_100, %masked_sort3A_87, %masked_sort3A_99 : vector<16xi1>, vector<16xf32>
    %masked_sort3A_103 = arith.constant dense<true> : vector<16xi1>
    %masked_sort3A_104, %masked_sort3A_105, %masked_sort3A_106 = tpu.sort %select_n3A_101, %select_n3A_102 masked %masked_sort3A_103 : (vector<16xf32>, vector<16xf32>, vector<16xi1>) -> (vector<16xi1>, vector<16xf32>, vector<16xf32>)
    %get3A_107 = arith.constant 0 : i32
    %get3A_108 = arith.index_cast %get3A_107 : i32 to index
    %get3A_109 = arith.constant 96 : index
    %get3A_110 = tpu.vector_load %arg4[%get3A_108, %get3A_109] {strides = array<i32>} : memref<8x512xf32, #tpu.memory_space<vmem>>, vector<16xf32>,
    %get3A_111 = arith.constant 0 : i32
    %get3A_112 = arith.index_cast %get3A_111 : i32 to index
    %get3A_113 = arith.constant 352 : index
    %get3A_114 = tpu.vector_load %arg4[%get3A_112, %get3A_113] {strides = array<i32>} : memref<8x512xf32, #tpu.memory_space<vmem>>, vector<16xf32>,
    %masked_sort3A_115 = arith.constant dense<true> : vector<16xi1>
    %masked_sort3A_116, %masked_sort3A_117, %masked_sort3A_118 = tpu.sort %get3A_110, %get3A_114 masked %masked_sort3A_115 {descending = true} : (vector<16xf32>, vector<16xf32>, vector<16xi1>) -> (vector<16xi1>, vector<16xf32>, vector<16xf32>)
    %le3A_119 = arith.cmpf ole, %masked_sort3A_105, %masked_sort3A_117 : vector<16xf32>
    %select_n3A_120 = arith.select %le3A_119, %masked_sort3A_105, %masked_sort3A_117 : vector<16xi1>, vector<16xf32>
    %select_n3A_121 = arith.select %le3A_119, %masked_sort3A_106, %masked_sort3A_118 : vector<16xi1>, vector<16xf32>
    %masked_sort3A_122 = arith.constant dense<true> : vector<16xi1>
    %masked_sort3A_123, %masked_sort3A_124, %masked_sort3A_125 = tpu.sort %select_n3A_120, %select_n3A_121 masked %masked_sort3A_122 : (vector<16xf32>, vector<16xf32>, vector<16xi1>) -> (vector<16xi1>, vector<16xf32>, vector<16xf32>)
    %get3A_126 = arith.constant 0 : i32
    %get3A_127 = arith.index_cast %get3A_126 : i32 to index
    %get3A_128 = arith.constant 112 : index
    %get3A_129 = tpu.vector_load %arg4[%get3A_127, %get3A_128] {strides = array<i32>} : memref<8x512xf32, #tpu.memory_space<vmem>>, vector<16xf32>,
    %get3A_130 = arith.constant 0 : i32
    %get3A_131 = arith.index_cast %get3A_130 : i32 to index
    %get3A_132 = arith.constant 368 : index
    %get3A_133 = tpu.vector_load %arg4[%get3A_131, %get3A_132] {strides = array<i32>} : memref<8x512xf32, #tpu.memory_space<vmem>>, vector<16xf32>,
    %masked_sort3A_134 = arith.constant dense<true> : vector<16xi1>
    %masked_sort3A_135, %masked_sort3A_136, %masked_sort3A_137 = tpu.sort %get3A_129, %get3A_133 masked %masked_sort3A_134 {descending = true} : (vector<16xf32>, vector<16xf32>, vector<16xi1>) -> (vector<16xi1>, vector<16xf32>, vector<16xf32>)
    %le3A_138 = arith.cmpf ole, %masked_sort3A_124, %masked_sort3A_136 : vector<16xf32>
    %select_n3A_139 = arith.select %le3A_138, %masked_sort3A_124, %masked_sort3A_136 : vector<16xi1>, vector<16xf32>
    %select_n3A_140 = arith.select %le3A_138, %masked_sort3A_125, %masked_sort3A_137 : vector<16xi1>, vector<16xf32>
    %masked_sort3A_141 = arith.constant dense<true> : vector<16xi1>
    %masked_sort3A_142, %masked_sort3A_143, %masked_sort3A_144 = tpu.sort %select_n3A_139, %select_n3A_140 masked %masked_sort3A_141 : (vector<16xf32>, vector<16xf32>, vector<16xi1>) -> (vector<16xi1>, vector<16xf32>, vector<16xf32>)
    %get3A_145 = arith.constant 0 : i32
    %get3A_146 = arith.index_cast %get3A_145 : i32 to index
    %get3A_147 = arith.constant 128 : index
    %get3A_148 = tpu.vector_load %arg4[%get3A_146, %get3A_147] {strides = array<i32>} : memref<8x512xf32, #tpu.memory_space<vmem>>, vector<16xf32>,
    %get3A_149 = arith.constant 0 : i32
    %get3A_150 = arith.index_cast %get3A_149 : i32 to index
    %get3A_151 = arith.constant 384 : index
    %get3A_152 = tpu.vector_load %arg4[%get3A_150, %get3A_151] {strides = array<i32>} : memref<8x512xf32, #tpu.memory_space<vmem>>, vector<16xf32>,
    %masked_sort3A_153 = arith.constant dense<true> : vector<16xi1>
    %masked_sort3A_154, %masked_sort3A_155, %masked_sort3A_156 = tpu.sort %get3A_148, %get3A_152 masked %masked_sort3A_153 {descending = true} : (vector<16xf32>, vector<16xf32>, vector<16xi1>) -> (vector<16xi1>, vector<16xf32>, vector<16xf32>)
    %le3A_157 = arith.cmpf ole, %masked_sort3A_143, %masked_sort3A_155 : vector<16xf32>
    %select_n3A_158 = arith.select %le3A_157, %masked_sort3A_143, %masked_sort3A_155 : vector<16xi1>, vector<16xf32>
    %select_n3A_159 = arith.select %le3A_157, %masked_sort3A_144, %masked_sort3A_156 : vector<16xi1>, vector<16xf32>
    %masked_sort3A_160 = arith.constant dense<true> : vector<16xi1>
    %masked_sort3A_161, %masked_sort3A_162, %masked_sort3A_163 = tpu.sort %select_n3A_158, %select_n3A_159 masked %masked_sort3A_160 : (vector<16xf32>, vector<16xf32>, vector<16xi1>) -> (vector<16xi1>, vector<16xf32>, vector<16xf32>)
    %get3A_164 = arith.constant 0 : i32
    %get3A_165 = arith.index_cast %get3A_164 : i32 to index
    %get3A_166 = arith.constant 144 : index
    %get3A_167 = tpu.vector_load %arg4[%get3A_165, %get3A_166] {strides = array<i32>} : memref<8x512xf32, #tpu.memory_space<vmem>>, vector<16xf32>,
    %get3A_168 = arith.constant 0 : i32
    %get3A_169 = arith.index_cast %get3A_168 : i32 to index
    %get3A_170 = arith.constant 400 : index
    %get3A_171 = tpu.vector_load %arg4[%get3A_169, %get3A_170] {strides = array<i32>} : memref<8x512xf32, #tpu.memory_space<vmem>>, vector<16xf32>,
    %masked_sort3A_172 = arith.constant dense<true> : vector<16xi1>
    %masked_sort3A_173, %masked_sort3A_174, %masked_sort3A_175 = tpu.sort %get3A_167, %get3A_171 masked %masked_sort3A_172 {descending = true} : (vector<16xf32>, vector<16xf32>, vector<16xi1>) -> (vector<16xi1>, vector<16xf32>, vector<16xf32>)
    %le3A_176 = arith.cmpf ole, %masked_sort3A_162, %masked_sort3A_174 : vector<16xf32>
    %select_n3A_177 = arith.select %le3A_176, %masked_sort3A_162, %masked_sort3A_174 : vector<16xi1>, vector<16xf32>
    %select_n3A_178 = arith.select %le3A_176, %masked_sort3A_163, %masked_sort3A_175 : vector<16xi1>, vector<16xf32>
    %masked_sort3A_179 = arith.constant dense<true> : vector<16xi1>
    %masked_sort3A_180, %masked_sort3A_181, %masked_sort3A_182 = tpu.sort %select_n3A_177, %select_n3A_178 masked %masked_sort3A_179 : (vector<16xf32>, vector<16xf32>, vector<16xi1>) -> (vector<16xi1>, vector<16xf32>, vector<16xf32>)
    %get3A_183 = arith.constant 0 : i32
    %get3A_184 = arith.index_cast %get3A_183 : i32 to index
    %get3A_185 = arith.constant 160 : index
    %get3A_186 = tpu.vector_load %arg4[%get3A_184, %get3A_185] {strides = array<i32>} : memref<8x512xf32, #tpu.memory_space<vmem>>, vector<16xf32>,
    %get3A_187 = arith.constant 0 : i32
    %get3A_188 = arith.index_cast %get3A_187 : i32 to index
    %get3A_189 = arith.constant 416 : index
    %get3A_190 = tpu.vector_load %arg4[%get3A_188, %get3A_189] {strides = array<i32>} : memref<8x512xf32, #tpu.memory_space<vmem>>, vector<16xf32>,
    %masked_sort3A_191 = arith.constant dense<true> : vector<16xi1>
    %masked_sort3A_192, %masked_sort3A_193, %masked_sort3A_194 = tpu.sort %get3A_186, %get3A_190 masked %masked_sort3A_191 {descending = true} : (vector<16xf32>, vector<16xf32>, vector<16xi1>) -> (vector<16xi1>, vector<16xf32>, vector<16xf32>)
    %le3A_195 = arith.cmpf ole, %masked_sort3A_181, %masked_sort3A_193 : vector<16xf32>
    %select_n3A_196 = arith.select %le3A_195, %masked_sort3A_181, %masked_sort3A_193 : vector<16xi1>, vector<16xf32>
    %select_n3A_197 = arith.select %le3A_195, %masked_sort3A_182, %masked_sort3A_194 : vector<16xi1>, vector<16xf32>
    %masked_sort3A_198 = arith.constant dense<true> : vector<16xi1>
    %masked_sort3A_199, %masked_sort3A_200, %masked_sort3A_201 = tpu.sort %select_n3A_196, %select_n3A_197 masked %masked_sort3A_198 : (vector<16xf32>, vector<16xf32>, vector<16xi1>) -> (vector<16xi1>, vector<16xf32>, vector<16xf32>)
    %get3A_202 = arith.constant 0 : i32
    %get3A_203 = arith.index_cast %get3A_202 : i32 to index
    %get3A_204 = arith.constant 176 : index
    %get3A_205 = tpu.vector_load %arg4[%get3A_203, %get3A_204] {strides = array<i32>} : memref<8x512xf32, #tpu.memory_space<vmem>>, vector<16xf32>,
    %get3A_206 = arith.constant 0 : i32
    %get3A_207 = arith.index_cast %get3A_206 : i32 to index
    %get3A_208 = arith.constant 432 : index
    %get3A_209 = tpu.vector_load %arg4[%get3A_207, %get3A_208] {strides = array<i32>} : memref<8x512xf32, #tpu.memory_space<vmem>>, vector<16xf32>,
    %masked_sort3A_210 = arith.constant dense<true> : vector<16xi1>
    %masked_sort3A_211, %masked_sort3A_212, %masked_sort3A_213 = tpu.sort %get3A_205, %get3A_209 masked %masked_sort3A_210 {descending = true} : (vector<16xf32>, vector<16xf32>, vector<16xi1>) -> (vector<16xi1>, vector<16xf32>, vector<16xf32>)
    %le3A_214 = arith.cmpf ole, %masked_sort3A_200, %masked_sort3A_212 : vector<16xf32>
    %select_n3A_215 = arith.select %le3A_214, %masked_sort3A_200, %masked_sort3A_212 : vector<16xi1>, vector<16xf32>
    %select_n3A_216 = arith.select %le3A_214, %masked_sort3A_201, %masked_sort3A_213 : vector<16xi1>, vector<16xf32>
    %masked_sort3A_217 = arith.constant dense<true> : vector<16xi1>
    %masked_sort3A_218, %masked_sort3A_219, %masked_sort3A_220 = tpu.sort %select_n3A_215, %select_n3A_216 masked %masked_sort3A_217 : (vector<16xf32>, vector<16xf32>, vector<16xi1>) -> (vector<16xi1>, vector<16xf32>, vector<16xf32>)
    %get3A_221 = arith.constant 0 : i32
    %get3A_222 = arith.index_cast %get3A_221 : i32 to index
    %get3A_223 = arith.constant 192 : index
    %get3A_224 = tpu.vector_load %arg4[%get3A_222, %get3A_223] {strides = array<i32>} : memref<8x512xf32, #tpu.memory_space<vmem>>, vector<16xf32>,
    %get3A_225 = arith.constant 0 : i32
    %get3A_226 = arith.index_cast %get3A_225 : i32 to index
    %get3A_227 = arith.constant 448 : index
    %get3A_228 = tpu.vector_load %arg4[%get3A_226, %get3A_227] {strides = array<i32>} : memref<8x512xf32, #tpu.memory_space<vmem>>, vector<16xf32>,
    %masked_sort3A_229 = arith.constant dense<true> : vector<16xi1>
    %masked_sort3A_230, %masked_sort3A_231, %masked_sort3A_232 = tpu.sort %get3A_224, %get3A_228 masked %masked_sort3A_229 {descending = true} : (vector<16xf32>, vector<16xf32>, vector<16xi1>) -> (vector<16xi1>, vector<16xf32>, vector<16xf32>)
    %le3A_233 = arith.cmpf ole, %masked_sort3A_219, %masked_sort3A_231 : vector<16xf32>
    %select_n3A_234 = arith.select %le3A_233, %masked_sort3A_219, %masked_sort3A_231 : vector<16xi1>, vector<16xf32>
    %select_n3A_235 = arith.select %le3A_233, %masked_sort3A_220, %masked_sort3A_232 : vector<16xi1>, vector<16xf32>
    %masked_sort3A_236 = arith.constant dense<true> : vector<16xi1>
    %masked_sort3A_237, %masked_sort3A_238, %masked_sort3A_239 = tpu.sort %select_n3A_234, %select_n3A_235 masked %masked_sort3A_236 : (vector<16xf32>, vector<16xf32>, vector<16xi1>) -> (vector<16xi1>, vector<16xf32>, vector<16xf32>)
    %get3A_240 = arith.constant 0 : i32
    %get3A_241 = arith.index_cast %get3A_240 : i32 to index
    %get3A_242 = arith.constant 208 : index
    %get3A_243 = tpu.vector_load %arg4[%get3A_241, %get3A_242] {strides = array<i32>} : memref<8x512xf32, #tpu.memory_space<vmem>>, vector<16xf32>,
    %get3A_244 = arith.constant 0 : i32
    %get3A_245 = arith.index_cast %get3A_244 : i32 to index
    %get3A_246 = arith.constant 464 : index
    %get3A_247 = tpu.vector_load %arg4[%get3A_245, %get3A_246] {strides = array<i32>} : memref<8x512xf32, #tpu.memory_space<vmem>>, vector<16xf32>,
    %masked_sort3A_248 = arith.constant dense<true> : vector<16xi1>
    %masked_sort3A_249, %masked_sort3A_250, %masked_sort3A_251 = tpu.sort %get3A_243, %get3A_247 masked %masked_sort3A_248 {descending = true} : (vector<16xf32>, vector<16xf32>, vector<16xi1>) -> (vector<16xi1>, vector<16xf32>, vector<16xf32>)
    %le3A_252 = arith.cmpf ole, %masked_sort3A_238, %masked_sort3A_250 : vector<16xf32>
    %select_n3A_253 = arith.select %le3A_252, %masked_sort3A_238, %masked_sort3A_250 : vector<16xi1>, vector<16xf32>
    %select_n3A_254 = arith.select %le3A_252, %masked_sort3A_239, %masked_sort3A_251 : vector<16xi1>, vector<16xf32>
    %masked_sort3A_255 = arith.constant dense<true> : vector<16xi1>
    %masked_sort3A_256, %masked_sort3A_257, %masked_sort3A_258 = tpu.sort %select_n3A_253, %select_n3A_254 masked %masked_sort3A_255 : (vector<16xf32>, vector<16xf32>, vector<16xi1>) -> (vector<16xi1>, vector<16xf32>, vector<16xf32>)
    %get3A_259 = arith.constant 0 : i32
    %get3A_260 = arith.index_cast %get3A_259 : i32 to index
    %get3A_261 = arith.constant 224 : index
    %get3A_262 = tpu.vector_load %arg4[%get3A_260, %get3A_261] {strides = array<i32>} : memref<8x512xf32, #tpu.memory_space<vmem>>, vector<16xf32>,
    %get3A_263 = arith.constant 0 : i32
    %get3A_264 = arith.index_cast %get3A_263 : i32 to index
    %get3A_265 = arith.constant 480 : index
    %get3A_266 = tpu.vector_load %arg4[%get3A_264, %get3A_265] {strides = array<i32>} : memref<8x512xf32, #tpu.memory_space<vmem>>, vector<16xf32>,
    %masked_sort3A_267 = arith.constant dense<true> : vector<16xi1>
    %masked_sort3A_268, %masked_sort3A_269, %masked_sort3A_270 = tpu.sort %get3A_262, %get3A_266 masked %masked_sort3A_267 {descending = true} : (vector<16xf32>, vector<16xf32>, vector<16xi1>) -> (vector<16xi1>, vector<16xf32>, vector<16xf32>)
    %le3A_271 = arith.cmpf ole, %masked_sort3A_257, %masked_sort3A_269 : vector<16xf32>
    %select_n3A_272 = arith.select %le3A_271, %masked_sort3A_257, %masked_sort3A_269 : vector<16xi1>, vector<16xf32>
    %select_n3A_273 = arith.select %le3A_271, %masked_sort3A_258, %masked_sort3A_270 : vector<16xi1>, vector<16xf32>
    %masked_sort3A_274 = arith.constant dense<true> : vector<16xi1>
    %masked_sort3A_275, %masked_sort3A_276, %masked_sort3A_277 = tpu.sort %select_n3A_272, %select_n3A_273 masked %masked_sort3A_274 : (vector<16xf32>, vector<16xf32>, vector<16xi1>) -> (vector<16xi1>, vector<16xf32>, vector<16xf32>)
    %get3A_278 = arith.constant 0 : i32
    %get3A_279 = arith.index_cast %get3A_278 : i32 to index
    %get3A_280 = arith.constant 240 : index
    %get3A_281 = tpu.vector_load %arg4[%get3A_279, %get3A_280] {strides = array<i32>} : memref<8x512xf32, #tpu.memory_space<vmem>>, vector<16xf32>,
    %get3A_282 = arith.constant 0 : i32
    %get3A_283 = arith.index_cast %get3A_282 : i32 to index
    %get3A_284 = arith.constant 496 : index
    %get3A_285 = tpu.vector_load %arg4[%get3A_283, %get3A_284] {strides = array<i32>} : memref<8x512xf32, #tpu.memory_space<vmem>>, vector<16xf32>,
    %masked_sort3A_286 = arith.constant dense<true> : vector<16xi1>
    %masked_sort3A_287, %masked_sort3A_288, %masked_sort3A_289 = tpu.sort %get3A_281, %get3A_285 masked %masked_sort3A_286 {descending = true} : (vector<16xf32>, vector<16xf32>, vector<16xi1>) -> (vector<16xi1>, vector<16xf32>, vector<16xf32>)
    %le3A_290 = arith.cmpf ole, %masked_sort3A_276, %masked_sort3A_288 : vector<16xf32>
    %select_n3A_291 = arith.select %le3A_290, %masked_sort3A_276, %masked_sort3A_288 : vector<16xi1>, vector<16xf32>
    %select_n3A_292 = arith.select %le3A_290, %masked_sort3A_277, %masked_sort3A_289 : vector<16xi1>, vector<16xf32>
    %masked_sort3A_293 = arith.constant dense<true> : vector<16xi1>
    %masked_sort3A_294, %masked_sort3A_295, %masked_sort3A_296 = tpu.sort %select_n3A_291, %select_n3A_292 masked %masked_sort3A_293 : (vector<16xf32>, vector<16xf32>, vector<16xi1>) -> (vector<16xi1>, vector<16xf32>, vector<16xf32>)
    %sub3A = arith.subf %masked_sort3A_295, %masked_sort3A_296 : vector<16xf32>
    %mul3A_297 = arith.mulf %sub3A, %sub3A : vector<16xf32>
    %add3A_298 = arith.addf %broadcast_in_dim3A_3, %mul3A_297 : vector<16xf32>
    %get3A_299 = arith.constant 1 : i32
    %get3A_300 = arith.index_cast %get3A_299 : i32 to index
    %get3A_301 = arith.constant 0 : index
    %get3A_302 = tpu.vector_load %arg4[%get3A_300, %get3A_301] {strides = array<i32>} : memref<8x512xf32, #tpu.memory_space<vmem>>, vector<16xf32>,
    %get3A_303 = arith.constant 1 : i32
    %get3A_304 = arith.index_cast %get3A_303 : i32 to index
    %get3A_305 = arith.constant 256 : index
    %get3A_306 = tpu.vector_load %arg4[%get3A_304, %get3A_305] {strides = array<i32>} : memref<8x512xf32, #tpu.memory_space<vmem>>, vector<16xf32>,
    %masked_sort3A_307 = arith.constant dense<true> : vector<16xi1>
    %masked_sort3A_308, %masked_sort3A_309, %masked_sort3A_310 = tpu.sort %get3A_302, %get3A_306 masked %masked_sort3A_307 : (vector<16xf32>, vector<16xf32>, vector<16xi1>) -> (vector<16xi1>, vector<16xf32>, vector<16xf32>)
    %get3A_311 = arith.constant 1 : i32
    %get3A_312 = arith.index_cast %get3A_311 : i32 to index
    %get3A_313 = arith.constant 16 : index
    %get3A_314 = tpu.vector_load %arg4[%get3A_312, %get3A_313] {strides = array<i32>} : memref<8x512xf32, #tpu.memory_space<vmem>>, vector<16xf32>,
    %get3A_315 = arith.constant 1 : i32
    %get3A_316 = arith.index_cast %get3A_315 : i32 to index
    %get3A_317 = arith.constant 272 : index
    %get3A_318 = tpu.vector_load %arg4[%get3A_316, %get3A_317] {strides = array<i32>} : memref<8x512xf32, #tpu.memory_space<vmem>>, vector<16xf32>,
    %masked_sort3A_319 = arith.constant dense<true> : vector<16xi1>
    %masked_sort3A_320, %masked_sort3A_321, %masked_sort3A_322 = tpu.sort %get3A_314, %get3A_318 masked %masked_sort3A_319 {descending = true} : (vector<16xf32>, vector<16xf32>, vector<16xi1>) -> (vector<16xi1>, vector<16xf32>, vector<16xf32>)
    %le3A_323 = arith.cmpf ole, %masked_sort3A_309, %masked_sort3A_321 : vector<16xf32>
    %select_n3A_324 = arith.select %le3A_323, %masked_sort3A_309, %masked_sort3A_321 : vector<16xi1>, vector<16xf32>
    %select_n3A_325 = arith.select %le3A_323, %masked_sort3A_310, %masked_sort3A_322 : vector<16xi1>, vector<16xf32>
    %masked_sort3A_326 = arith.constant dense<true> : vector<16xi1>
    %masked_sort3A_327, %masked_sort3A_328, %masked_sort3A_329 = tpu.sort %select_n3A_324, %select_n3A_325 masked %masked_sort3A_326 : (vector<16xf32>, vector<16xf32>, vector<16xi1>) -> (vector<16xi1>, vector<16xf32>, vector<16xf32>)
    %get3A_330 = arith.constant 1 : i32
    %get3A_331 = arith.index_cast %get3A_330 : i32 to index
    %get3A_332 = arith.constant 32 : index
    %get3A_333 = tpu.vector_load %arg4[%get3A_331, %get3A_332] {strides = array<i32>} : memref<8x512xf32, #tpu.memory_space<vmem>>, vector<16xf32>,
    %get3A_334 = arith.constant 1 : i32
    %get3A_335 = arith.index_cast %get3A_334 : i32 to index
    %get3A_336 = arith.constant 288 : index
    %get3A_337 = tpu.vector_load %arg4[%get3A_335, %get3A_336] {strides = array<i32>} : memref<8x512xf32, #tpu.memory_space<vmem>>, vector<16xf32>,
    %masked_sort3A_338 = arith.constant dense<true> : vector<16xi1>
    %masked_sort3A_339, %masked_sort3A_340, %masked_sort3A_341 = tpu.sort %get3A_333, %get3A_337 masked %masked_sort3A_338 {descending = true} : (vector<16xf32>, vector<16xf32>, vector<16xi1>) -> (vector<16xi1>, vector<16xf32>, vector<16xf32>)
    %le3A_342 = arith.cmpf ole, %masked_sort3A_328, %masked_sort3A_340 : vector<16xf32>
    %select_n3A_343 = arith.select %le3A_342, %masked_sort3A_328, %masked_sort3A_340 : vector<16xi1>, vector<16xf32>
    %select_n3A_344 = arith.select %le3A_342, %masked_sort3A_329, %masked_sort3A_341 : vector<16xi1>, vector<16xf32>
    %masked_sort3A_345 = arith.constant dense<true> : vector<16xi1>
    %masked_sort3A_346, %masked_sort3A_347, %masked_sort3A_348 = tpu.sort %select_n3A_343, %select_n3A_344 masked %masked_sort3A_345 : (vector<16xf32>, vector<16xf32>, vector<16xi1>) -> (vector<16xi1>, vector<16xf32>, vector<16xf32>)
    %get3A_349 = arith.constant 1 : i32
    %get3A_350 = arith.index_cast %get3A_349 : i32 to index
    %get3A_351 = arith.constant 48 : index
    %get3A_352 = tpu.vector_load %arg4[%get3A_350, %get3A_351] {strides = array<i32>} : memref<8x512xf32, #tpu.memory_space<vmem>>, vector<16xf32>,
    %get3A_353 = arith.constant 1 : i32
    %get3A_354 = arith.index_cast %get3A_353 : i32 to index
    %get3A_355 = arith.constant 304 : index
    %get3A_356 = tpu.vector_load %arg4[%get3A_354, %get3A_355] {strides = array<i32>} : memref<8x512xf32, #tpu.memory_space<vmem>>, vector<16xf32>,
    %masked_sort3A_357 = arith.constant dense<true> : vector<16xi1>
    %masked_sort3A_358, %masked_sort3A_359, %masked_sort3A_360 = tpu.sort %get3A_352, %get3A_356 masked %masked_sort3A_357 {descending = true} : (vector<16xf32>, vector<16xf32>, vector<16xi1>) -> (vector<16xi1>, vector<16xf32>, vector<16xf32>)
    %le3A_361 = arith.cmpf ole, %masked_sort3A_347, %masked_sort3A_359 : vector<16xf32>
    %select_n3A_362 = arith.select %le3A_361, %masked_sort3A_347, %masked_sort3A_359 : vector<16xi1>, vector<16xf32>
    %select_n3A_363 = arith.select %le3A_361, %masked_sort3A_348, %masked_sort3A_360 : vector<16xi1>, vector<16xf32>
    %masked_sort3A_364 = arith.constant dense<true> : vector<16xi1>
    %masked_sort3A_365, %masked_sort3A_366, %masked_sort3A_367 = tpu.sort %select_n3A_362, %select_n3A_363 masked %masked_sort3A_364 : (vector<16xf32>, vector<16xf32>, vector<16xi1>) -> (vector<16xi1>, vector<16xf32>, vector<16xf32>)
    %get3A_368 = arith.constant 1 : i32
    %get3A_369 = arith.index_cast %get3A_368 : i32 to index
    %get3A_370 = arith.constant 64 : index
    %get3A_371 = tpu.vector_load %arg4[%get3A_369, %get3A_370] {strides = array<i32>} : memref<8x512xf32, #tpu.memory_space<vmem>>, vector<16xf32>,
    %get3A_372 = arith.constant 1 : i32
    %get3A_373 = arith.index_cast %get3A_372 : i32 to index
    %get3A_374 = arith.constant 320 : index
    %get3A_375 = tpu.vector_load %arg4[%get3A_373, %get3A_374] {strides = array<i32>} : memref<8x512xf32, #tpu.memory_space<vmem>>, vector<16xf32>,
    %masked_sort3A_376 = arith.constant dense<true> : vector<16xi1>
    %masked_sort3A_377, %masked_sort3A_378, %masked_sort3A_379 = tpu.sort %get3A_371, %get3A_375 masked %masked_sort3A_376 {descending = true} : (vector<16xf32>, vector<16xf32>, vector<16xi1>) -> (vector<16xi1>, vector<16xf32>, vector<16xf32>)
    %le3A_380 = arith.cmpf ole, %masked_sort3A_366, %masked_sort3A_378 : vector<16xf32>
    %select_n3A_381 = arith.select %le3A_380, %masked_sort3A_366, %masked_sort3A_378 : vector<16xi1>, vector<16xf32>
    %select_n3A_382 = arith.select %le3A_380, %masked_sort3A_367, %masked_sort3A_379 : vector<16xi1>, vector<16xf32>
    %masked_sort3A_383 = arith.constant dense<true> : vector<16xi1>
    %masked_sort3A_384, %masked_sort3A_385, %masked_sort3A_386 = tpu.sort %select_n3A_381, %select_n3A_382 masked %masked_sort3A_383 : (vector<16xf32>, vector<16xf32>, vector<16xi1>) -> (vector<16xi1>, vector<16xf32>, vector<16xf32>)
    %get3A_387 = arith.constant 1 : i32
    %get3A_388 = arith.index_cast %get3A_387 : i32 to index
    %get3A_389 = arith.constant 80 : index
    %get3A_390 = tpu.vector_load %arg4[%get3A_388, %get3A_389] {strides = array<i32>} : memref<8x512xf32, #tpu.memory_space<vmem>>, vector<16xf32>,
    %get3A_391 = arith.constant 1 : i32
    %get3A_392 = arith.index_cast %get3A_391 : i32 to index
    %get3A_393 = arith.constant 336 : index
    %get3A_394 = tpu.vector_load %arg4[%get3A_392, %get3A_393] {strides = array<i32>} : memref<8x512xf32, #tpu.memory_space<vmem>>, vector<16xf32>,
    %masked_sort3A_395 = arith.constant dense<true> : vector<16xi1>
    %masked_sort3A_396, %masked_sort3A_397, %masked_sort3A_398 = tpu.sort %get3A_390, %get3A_394 masked %masked_sort3A_395 {descending = true} : (vector<16xf32>, vector<16xf32>, vector<16xi1>) -> (vector<16xi1>, vector<16xf32>, vector<16xf32>)
    %le3A_399 = arith.cmpf ole, %masked_sort3A_385, %masked_sort3A_397 : vector<16xf32>
    %select_n3A_400 = arith.select %le3A_399, %masked_sort3A_385, %masked_sort3A_397 : vector<16xi1>, vector<16xf32>
    %select_n3A_401 = arith.select %le3A_399, %masked_sort3A_386, %masked_sort3A_398 : vector<16xi1>, vector<16xf32>
    %masked_sort3A_402 = arith.constant dense<true> : vector<16xi1>
    %masked_sort3A_403, %masked_sort3A_404, %masked_sort3A_405 = tpu.sort %select_n3A_400, %select_n3A_401 masked %masked_sort3A_402 : (vector<16xf32>, vector<16xf32>, vector<16xi1>) -> (vector<16xi1>, vector<16xf32>, vector<16xf32>)
    %get3A_406 = arith.constant 1 : i32
    %get3A_407 = arith.index_cast %get3A_406 : i32 to index
    %get3A_408 = arith.constant 96 : index
    %get3A_409 = tpu.vector_load %arg4[%get3A_407, %get3A_408] {strides = array<i32>} : memref<8x512xf32, #tpu.memory_space<vmem>>, vector<16xf32>,
    %get3A_410 = arith.constant 1 : i32
    %get3A_411 = arith.index_cast %get3A_410 : i32 to index
    %get3A_412 = arith.constant 352 : index
    %get3A_413 = tpu.vector_load %arg4[%get3A_411, %get3A_412] {strides = array<i32>} : memref<8x512xf32, #tpu.memory_space<vmem>>, vector<16xf32>,
    %masked_sort3A_414 = arith.constant dense<true> : vector<16xi1>
    %masked_sort3A_415, %masked_sort3A_416, %masked_sort3A_417 = tpu.sort %get3A_409, %get3A_413 masked %masked_sort3A_414 {descending = true} : (vector<16xf32>, vector<16xf32>, vector<16xi1>) -> (vector<16xi1>, vector<16xf32>, vector<16xf32>)
    %le3A_418 = arith.cmpf ole, %masked_sort3A_404, %masked_sort3A_416 : vector<16xf32>
    %select_n3A_419 = arith.select %le3A_418, %masked_sort3A_404, %masked_sort3A_416 : vector<16xi1>, vector<16xf32>
    %select_n3A_420 = arith.select %le3A_418, %masked_sort3A_405, %masked_sort3A_417 : vector<16xi1>, vector<16xf32>
    %masked_sort3A_421 = arith.constant dense<true> : vector<16xi1>
    %masked_sort3A_422, %masked_sort3A_423, %masked_sort3A_424 = tpu.sort %select_n3A_419, %select_n3A_420 masked %masked_sort3A_421 : (vector<16xf32>, vector<16xf32>, vector<16xi1>) -> (vector<16xi1>, vector<16xf32>, vector<16xf32>)
    %get3A_425 = arith.constant 1 : i32
    %get3A_426 = arith.index_cast %get3A_425 : i32 to index
    %get3A_427 = arith.constant 112 : index
    %get3A_428 = tpu.vector_load %arg4[%get3A_426, %get3A_427] {strides = array<i32>} : memref<8x512xf32, #tpu.memory_space<vmem>>, vector<16xf32>,
    %get3A_429 = arith.constant 1 : i32
    %get3A_430 = arith.index_cast %get3A_429 : i32 to index
    %get3A_431 = arith.constant 368 : index
    %get3A_432 = tpu.vector_load %arg4[%get3A_430, %get3A_431] {strides = array<i32>} : memref<8x512xf32, #tpu.memory_space<vmem>>, vector<16xf32>,
    %masked_sort3A_433 = arith.constant dense<true> : vector<16xi1>
    %masked_sort3A_434, %masked_sort3A_435, %masked_sort3A_436 = tpu.sort %get3A_428, %get3A_432 masked %masked_sort3A_433 {descending = true} : (vector<16xf32>, vector<16xf32>, vector<16xi1>) -> (vector<16xi1>, vector<16xf32>, vector<16xf32>)
    %le3A_437 = arith.cmpf ole, %masked_sort3A_423, %masked_sort3A_435 : vector<16xf32>
    %select_n3A_438 = arith.select %le3A_437, %masked_sort3A_423, %masked_sort3A_435 : vector<16xi1>, vector<16xf32>
    %select_n3A_439 = arith.select %le3A_437, %masked_sort3A_424, %masked_sort3A_436 : vector<16xi1>, vector<16xf32>
    %masked_sort3A_440 = arith.constant dense<true> : vector<16xi1>
    %masked_sort3A_441, %masked_sort3A_442, %masked_sort3A_443 = tpu.sort %select_n3A_438, %select_n3A_439 masked %masked_sort3A_440 : (vector<16xf32>, vector<16xf32>, vector<16xi1>) -> (vector<16xi1>, vector<16xf32>, vector<16xf32>)
    %get3A_444 = arith.constant 1 : i32
    %get3A_445 = arith.index_cast %get3A_444 : i32 to index
    %get3A_446 = arith.constant 128 : index
    %get3A_447 = tpu.vector_load %arg4[%get3A_445, %get3A_446] {strides = array<i32>} : memref<8x512xf32, #tpu.memory_space<vmem>>, vector<16xf32>,
    %get3A_448 = arith.constant 1 : i32
    %get3A_449 = arith.index_cast %get3A_448 : i32 to index
    %get3A_450 = arith.constant 384 : index
    %get3A_451 = tpu.vector_load %arg4[%get3A_449, %get3A_450] {strides = array<i32>} : memref<8x512xf32, #tpu.memory_space<vmem>>, vector<16xf32>,
    %masked_sort3A_452 = arith.constant dense<true> : vector<16xi1>
    %masked_sort3A_453, %masked_sort3A_454, %masked_sort3A_455 = tpu.sort %get3A_447, %get3A_451 masked %masked_sort3A_452 {descending = true} : (vector<16xf32>, vector<16xf32>, vector<16xi1>) -> (vector<16xi1>, vector<16xf32>, vector<16xf32>)
    %le3A_456 = arith.cmpf ole, %masked_sort3A_442, %masked_sort3A_454 : vector<16xf32>
    %select_n3A_457 = arith.select %le3A_456, %masked_sort3A_442, %masked_sort3A_454 : vector<16xi1>, vector<16xf32>
    %select_n3A_458 = arith.select %le3A_456, %masked_sort3A_443, %masked_sort3A_455 : vector<16xi1>, vector<16xf32>
    %masked_sort3A_459 = arith.constant dense<true> : vector<16xi1>
    %masked_sort3A_460, %masked_sort3A_461, %masked_sort3A_462 = tpu.sort %select_n3A_457, %select_n3A_458 masked %masked_sort3A_459 : (vector<16xf32>, vector<16xf32>, vector<16xi1>) -> (vector<16xi1>, vector<16xf32>, vector<16xf32>)
    %get3A_463 = arith.constant 1 : i32
    %get3A_464 = arith.index_cast %get3A_463 : i32 to index
    %get3A_465 = arith.constant 144 : index
    %get3A_466 = tpu.vector_load %arg4[%get3A_464, %get3A_465] {strides = array<i32>} : memref<8x512xf32, #tpu.memory_space<vmem>>, vector<16xf32>,
    %get3A_467 = arith.constant 1 : i32
    %get3A_468 = arith.index_cast %get3A_467 : i32 to index
    %get3A_469 = arith.constant 400 : index
    %get3A_470 = tpu.vector_load %arg4[%get3A_468, %get3A_469] {strides = array<i32>} : memref<8x512xf32, #tpu.memory_space<vmem>>, vector<16xf32>,
    %masked_sort3A_471 = arith.constant dense<true> : vector<16xi1>
    %masked_sort3A_472, %masked_sort3A_473, %masked_sort3A_474 = tpu.sort %get3A_466, %get3A_470 masked %masked_sort3A_471 {descending = true} : (vector<16xf32>, vector<16xf32>, vector<16xi1>) -> (vector<16xi1>, vector<16xf32>, vector<16xf32>)
    %le3A_475 = arith.cmpf ole, %masked_sort3A_461, %masked_sort3A_473 : vector<16xf32>
    %select_n3A_476 = arith.select %le3A_475, %masked_sort3A_461, %masked_sort3A_473 : vector<16xi1>, vector<16xf32>
    %select_n3A_477 = arith.select %le3A_475, %masked_sort3A_462, %masked_sort3A_474 : vector<16xi1>, vector<16xf32>
    %masked_sort3A_478 = arith.constant dense<true> : vector<16xi1>
    %masked_sort3A_479, %masked_sort3A_480, %masked_sort3A_481 = tpu.sort %select_n3A_476, %select_n3A_477 masked %masked_sort3A_478 : (vector<16xf32>, vector<16xf32>, vector<16xi1>) -> (vector<16xi1>, vector<16xf32>, vector<16xf32>)
    %get3A_482 = arith.constant 1 : i32
    %get3A_483 = arith.index_cast %get3A_482 : i32 to index
    %get3A_484 = arith.constant 160 : index
    %get3A_485 = tpu.vector_load %arg4[%get3A_483, %get3A_484] {strides = array<i32>} : memref<8x512xf32, #tpu.memory_space<vmem>>, vector<16xf32>,
    %get3A_486 = arith.constant 1 : i32
    %get3A_487 = arith.index_cast %get3A_486 : i32 to index
    %get3A_488 = arith.constant 416 : index
    %get3A_489 = tpu.vector_load %arg4[%get3A_487, %get3A_488] {strides = array<i32>} : memref<8x512xf32, #tpu.memory_space<vmem>>, vector<16xf32>,
    %masked_sort3A_490 = arith.constant dense<true> : vector<16xi1>
    %masked_sort3A_491, %masked_sort3A_492, %masked_sort3A_493 = tpu.sort %get3A_485, %get3A_489 masked %masked_sort3A_490 {descending = true} : (vector<16xf32>, vector<16xf32>, vector<16xi1>) -> (vector<16xi1>, vector<16xf32>, vector<16xf32>)
    %le3A_494 = arith.cmpf ole, %masked_sort3A_480, %masked_sort3A_492 : vector<16xf32>
    %select_n3A_495 = arith.select %le3A_494, %masked_sort3A_480, %masked_sort3A_492 : vector<16xi1>, vector<16xf32>
    %select_n3A_496 = arith.select %le3A_494, %masked_sort3A_481, %masked_sort3A_493 : vector<16xi1>, vector<16xf32>
    %masked_sort3A_497 = arith.constant dense<true> : vector<16xi1>
    %masked_sort3A_498, %masked_sort3A_499, %masked_sort3A_500 = tpu.sort %select_n3A_495, %select_n3A_496 masked %masked_sort3A_497 : (vector<16xf32>, vector<16xf32>, vector<16xi1>) -> (vector<16xi1>, vector<16xf32>, vector<16xf32>)
    %get3A_501 = arith.constant 1 : i32
    %get3A_502 = arith.index_cast %get3A_501 : i32 to index
    %get3A_503 = arith.constant 176 : index
    %get3A_504 = tpu.vector_load %arg4[%get3A_502, %get3A_503] {strides = array<i32>} : memref<8x512xf32, #tpu.memory_space<vmem>>, vector<16xf32>,
    %get3A_505 = arith.constant 1 : i32
    %get3A_506 = arith.index_cast %get3A_505 : i32 to index
    %get3A_507 = arith.constant 432 : index
    %get3A_508 = tpu.vector_load %arg4[%get3A_506, %get3A_507] {strides = array<i32>} : memref<8x512xf32, #tpu.memory_space<vmem>>, vector<16xf32>,
    %masked_sort3A_509 = arith.constant dense<true> : vector<16xi1>
    %masked_sort3A_510, %masked_sort3A_511, %masked_sort3A_512 = tpu.sort %get3A_504, %get3A_508 masked %masked_sort3A_509 {descending = true} : (vector<16xf32>, vector<16xf32>, vector<16xi1>) -> (vector<16xi1>, vector<16xf32>, vector<16xf32>)
    %le3A_513 = arith.cmpf ole, %masked_sort3A_499, %masked_sort3A_511 : vector<16xf32>
    %select_n3A_514 = arith.select %le3A_513, %masked_sort3A_499, %masked_sort3A_511 : vector<16xi1>, vector<16xf32>
    %select_n3A_515 = arith.select %le3A_513, %masked_sort3A_500, %masked_sort3A_512 : vector<16xi1>, vector<16xf32>
    %masked_sort3A_516 = arith.constant dense<true> : vector<16xi1>
    %masked_sort3A_517, %masked_sort3A_518, %masked_sort3A_519 = tpu.sort %select_n3A_514, %select_n3A_515 masked %masked_sort3A_516 : (vector<16xf32>, vector<16xf32>, vector<16xi1>) -> (vector<16xi1>, vector<16xf32>, vector<16xf32>)
    %get3A_520 = arith.constant 1 : i32
    %get3A_521 = arith.index_cast %get3A_520 : i32 to index
    %get3A_522 = arith.constant 192 : index
    %get3A_523 = tpu.vector_load %arg4[%get3A_521, %get3A_522] {strides = array<i32>} : memref<8x512xf32, #tpu.memory_space<vmem>>, vector<16xf32>,
    %get3A_524 = arith.constant 1 : i32
    %get3A_525 = arith.index_cast %get3A_524 : i32 to index
    %get3A_526 = arith.constant 448 : index
    %get3A_527 = tpu.vector_load %arg4[%get3A_525, %get3A_526] {strides = array<i32>} : memref<8x512xf32, #tpu.memory_space<vmem>>, vector<16xf32>,
    %masked_sort3A_528 = arith.constant dense<true> : vector<16xi1>
    %masked_sort3A_529, %masked_sort3A_530, %masked_sort3A_531 = tpu.sort %get3A_523, %get3A_527 masked %masked_sort3A_528 {descending = true} : (vector<16xf32>, vector<16xf32>, vector<16xi1>) -> (vector<16xi1>, vector<16xf32>, vector<16xf32>)
    %le3A_532 = arith.cmpf ole, %masked_sort3A_518, %masked_sort3A_530 : vector<16xf32>
    %select_n3A_533 = arith.select %le3A_532, %masked_sort3A_518, %masked_sort3A_530 : vector<16xi1>, vector<16xf32>
    %select_n3A_534 = arith.select %le3A_532, %masked_sort3A_519, %masked_sort3A_531 : vector<16xi1>, vector<16xf32>
    %masked_sort3A_535 = arith.constant dense<true> : vector<16xi1>
    %masked_sort3A_536, %masked_sort3A_537, %masked_sort3A_538 = tpu.sort %select_n3A_533, %select_n3A_534 masked %masked_sort3A_535 : (vector<16xf32>, vector<16xf32>, vector<16xi1>) -> (vector<16xi1>, vector<16xf32>, vector<16xf32>)
    %get3A_539 = arith.constant 1 : i32
    %get3A_540 = arith.index_cast %get3A_539 : i32 to index
    %get3A_541 = arith.constant 208 : index
    %get3A_542 = tpu.vector_load %arg4[%get3A_540, %get3A_541] {strides = array<i32>} : memref<8x512xf32, #tpu.memory_space<vmem>>, vector<16xf32>,
    %get3A_543 = arith.constant 1 : i32
    %get3A_544 = arith.index_cast %get3A_543 : i32 to index
    %get3A_545 = arith.constant 464 : index
    %get3A_546 = tpu.vector_load %arg4[%get3A_544, %get3A_545] {strides = array<i32>} : memref<8x512xf32, #tpu.memory_space<vmem>>, vector<16xf32>,
    %masked_sort3A_547 = arith.constant dense<true> : vector<16xi1>
    %masked_sort3A_548, %masked_sort3A_549, %masked_sort3A_550 = tpu.sort %get3A_542, %get3A_546 masked %masked_sort3A_547 {descending = true} : (vector<16xf32>, vector<16xf32>, vector<16xi1>) -> (vector<16xi1>, vector<16xf32>, vector<16xf32>)
    %le3A_551 = arith.cmpf ole, %masked_sort3A_537, %masked_sort3A_549 : vector<16xf32>
    %select_n3A_552 = arith.select %le3A_551, %masked_sort3A_537, %masked_sort3A_549 : vector<16xi1>, vector<16xf32>
    %select_n3A_553 = arith.select %le3A_551, %masked_sort3A_538, %masked_sort3A_550 : vector<16xi1>, vector<16xf32>
    %masked_sort3A_554 = arith.constant dense<true> : vector<16xi1>
    %masked_sort3A_555, %masked_sort3A_556, %masked_sort3A_557 = tpu.sort %select_n3A_552, %select_n3A_553 masked %masked_sort3A_554 : (vector<16xf32>, vector<16xf32>, vector<16xi1>) -> (vector<16xi1>, vector<16xf32>, vector<16xf32>)
    %get3A_558 = arith.constant 1 : i32
    %get3A_559 = arith.index_cast %get3A_558 : i32 to index
    %get3A_560 = arith.constant 224 : index
    %get3A_561 = tpu.vector_load %arg4[%get3A_559, %get3A_560] {strides = array<i32>} : memref<8x512xf32, #tpu.memory_space<vmem>>, vector<16xf32>,
    %get3A_562 = arith.constant 1 : i32
    %get3A_563 = arith.index_cast %get3A_562 : i32 to index
    %get3A_564 = arith.constant 480 : index
    %get3A_565 = tpu.vector_load %arg4[%get3A_563, %get3A_564] {strides = array<i32>} : memref<8x512xf32, #tpu.memory_space<vmem>>, vector<16xf32>,
    %masked_sort3A_566 = arith.constant dense<true> : vector<16xi1>
    %masked_sort3A_567, %masked_sort3A_568, %masked_sort3A_569 = tpu.sort %get3A_561, %get3A_565 masked %masked_sort3A_566 {descending = true} : (vector<16xf32>, vector<16xf32>, vector<16xi1>) -> (vector<16xi1>, vector<16xf32>, vector<16xf32>)
    %le3A_570 = arith.cmpf ole, %masked_sort3A_556, %masked_sort3A_568 : vector<16xf32>
    %select_n3A_571 = arith.select %le3A_570, %masked_sort3A_556, %masked_sort3A_568 : vector<16xi1>, vector<16xf32>
    %select_n3A_572 = arith.select %le3A_570, %masked_sort3A_557, %masked_sort3A_569 : vector<16xi1>, vector<16xf32>
    %masked_sort3A_573 = arith.constant dense<true> : vector<16xi1>
    %masked_sort3A_574, %masked_sort3A_575, %masked_sort3A_576 = tpu.sort %select_n3A_571, %select_n3A_572 masked %masked_sort3A_573 : (vector<16xf32>, vector<16xf32>, vector<16xi1>) -> (vector<16xi1>, vector<16xf32>, vector<16xf32>)
    %get3A_577 = arith.constant 1 : i32
    %get3A_578 = arith.index_cast %get3A_577 : i32 to index
    %get3A_579 = arith.constant 240 : index
    %get3A_580 = tpu.vector_load %arg4[%get3A_578, %get3A_579] {strides = array<i32>} : memref<8x512xf32, #tpu.memory_space<vmem>>, vector<16xf32>,
    %get3A_581 = arith.constant 1 : i32
    %get3A_582 = arith.index_cast %get3A_581 : i32 to index
    %get3A_583 = arith.constant 496 : index
    %get3A_584 = tpu.vector_load %arg4[%get3A_582, %get3A_583] {strides = array<i32>} : memref<8x512xf32, #tpu.memory_space<vmem>>, vector<16xf32>,
    %masked_sort3A_585 = arith.constant dense<true> : vector<16xi1>
    %masked_sort3A_586, %masked_sort3A_587, %masked_sort3A_588 = tpu.sort %get3A_580, %get3A_584 masked %masked_sort3A_585 {descending = true} : (vector<16xf32>, vector<16xf32>, vector<16xi1>) -> (vector<16xi1>, vector<16xf32>, vector<16xf32>)
    %le3A_589 = arith.cmpf ole, %masked_sort3A_575, %masked_sort3A_587 : vector<16xf32>
    %select_n3A_590 = arith.select %le3A_589, %masked_sort3A_575, %masked_sort3A_587 : vector<16xi1>, vector<16xf32>
    %select_n3A_591 = arith.select %le3A_589, %masked_sort3A_576, %masked_sort3A_588 : vector<16xi1>, vector<16xf32>
    %masked_sort3A_592 = arith.constant dense<true> : vector<16xi1>
    %masked_sort3A_593, %masked_sort3A_594, %masked_sort3A_595 = tpu.sort %select_n3A_590, %select_n3A_591 masked %masked_sort3A_592 : (vector<16xf32>, vector<16xf32>, vector<16xi1>) -> (vector<16xi1>, vector<16xf32>, vector<16xf32>)
    %sub3A_596 = arith.subf %masked_sort3A_594, %masked_sort3A_595 : vector<16xf32>
    %mul3A_597 = arith.mulf %sub3A_596, %sub3A_596 : vector<16xf32>
    %add3A_598 = arith.addf %add3A_298, %mul3A_597 : vector<16xf32>
    %get3A_599 = arith.constant 2 : i32
    %get3A_600 = arith.index_cast %get3A_599 : i32 to index
    %get3A_601 = arith.constant 0 : index
    %get3A_602 = tpu.vector_load %arg4[%get3A_600, %get3A_601] {strides = array<i32>} : memref<8x512xf32, #tpu.memory_space<vmem>>, vector<16xf32>,
    %get3A_603 = arith.constant 2 : i32
    %get3A_604 = arith.index_cast %get3A_603 : i32 to index
    %get3A_605 = arith.constant 256 : index
    %get3A_606 = tpu.vector_load %arg4[%get3A_604, %get3A_605] {strides = array<i32>} : memref<8x512xf32, #tpu.memory_space<vmem>>, vector<16xf32>,
    %masked_sort3A_607 = arith.constant dense<true> : vector<16xi1>
    %masked_sort3A_608, %masked_sort3A_609, %masked_sort3A_610 = tpu.sort %get3A_602, %get3A_606 masked %masked_sort3A_607 : (vector<16xf32>, vector<16xf32>, vector<16xi1>) -> (vector<16xi1>, vector<16xf32>, vector<16xf32>)
    %get3A_611 = arith.constant 2 : i32
    %get3A_612 = arith.index_cast %get3A_611 : i32 to index
    %get3A_613 = arith.constant 16 : index
    %get3A_614 = tpu.vector_load %arg4[%get3A_612, %get3A_613] {strides = array<i32>} : memref<8x512xf32, #tpu.memory_space<vmem>>, vector<16xf32>,
    %get3A_615 = arith.constant 2 : i32
    %get3A_616 = arith.index_cast %get3A_615 : i32 to index
    %get3A_617 = arith.constant 272 : index
    %get3A_618 = tpu.vector_load %arg4[%get3A_616, %get3A_617] {strides = array<i32>} : memref<8x512xf32, #tpu.memory_space<vmem>>, vector<16xf32>,
    %masked_sort3A_619 = arith.constant dense<true> : vector<16xi1>
    %masked_sort3A_620, %masked_sort3A_621, %masked_sort3A_622 = tpu.sort %get3A_614, %get3A_618 masked %masked_sort3A_619 {descending = true} : (vector<16xf32>, vector<16xf32>, vector<16xi1>) -> (vector<16xi1>, vector<16xf32>, vector<16xf32>)
    %le3A_623 = arith.cmpf ole, %masked_sort3A_609, %masked_sort3A_621 : vector<16xf32>
    %select_n3A_624 = arith.select %le3A_623, %masked_sort3A_609, %masked_sort3A_621 : vector<16xi1>, vector<16xf32>
    %select_n3A_625 = arith.select %le3A_623, %masked_sort3A_610, %masked_sort3A_622 : vector<16xi1>, vector<16xf32>
    %masked_sort3A_626 = arith.constant dense<true> : vector<16xi1>
    %masked_sort3A_627, %masked_sort3A_628, %masked_sort3A_629 = tpu.sort %select_n3A_624, %select_n3A_625 masked %masked_sort3A_626 : (vector<16xf32>, vector<16xf32>, vector<16xi1>) -> (vector<16xi1>, vector<16xf32>, vector<16xf32>)
    %get3A_630 = arith.constant 2 : i32
    %get3A_631 = arith.index_cast %get3A_630 : i32 to index
    %get3A_632 = arith.constant 32 : index
    %get3A_633 = tpu.vector_load %arg4[%get3A_631, %get3A_632] {strides = array<i32>} : memref<8x512xf32, #tpu.memory_space<vmem>>, vector<16xf32>,
    %get3A_634 = arith.constant 2 : i32
    %get3A_635 = arith.index_cast %get3A_634 : i32 to index
    %get3A_636 = arith.constant 288 : index
    %get3A_637 = tpu.vector_load %arg4[%get3A_635, %get3A_636] {strides = array<i32>} : memref<8x512xf32, #tpu.memory_space<vmem>>, vector<16xf32>,
    %masked_sort3A_638 = arith.constant dense<true> : vector<16xi1>
    %masked_sort3A_639, %masked_sort3A_640, %masked_sort3A_641 = tpu.sort %get3A_633, %get3A_637 masked %masked_sort3A_638 {descending = true} : (vector<16xf32>, vector<16xf32>, vector<16xi1>) -> (vector<16xi1>, vector<16xf32>, vector<16xf32>)
    %le3A_642 = arith.cmpf ole, %masked_sort3A_628, %masked_sort3A_640 : vector<16xf32>
    %select_n3A_643 = arith.select %le3A_642, %masked_sort3A_628, %masked_sort3A_640 : vector<16xi1>, vector<16xf32>
    %select_n3A_644 = arith.select %le3A_642, %masked_sort3A_629, %masked_sort3A_641 : vector<16xi1>, vector<16xf32>
    %masked_sort3A_645 = arith.constant dense<true> : vector<16xi1>
    %masked_sort3A_646, %masked_sort3A_647, %masked_sort3A_648 = tpu.sort %select_n3A_643, %select_n3A_644 masked %masked_sort3A_645 : (vector<16xf32>, vector<16xf32>, vector<16xi1>) -> (vector<16xi1>, vector<16xf32>, vector<16xf32>)
    %get3A_649 = arith.constant 2 : i32
    %get3A_650 = arith.index_cast %get3A_649 : i32 to index
    %get3A_651 = arith.constant 48 : index
    %get3A_652 = tpu.vector_load %arg4[%get3A_650, %get3A_651] {strides = array<i32>} : memref<8x512xf32, #tpu.memory_space<vmem>>, vector<16xf32>,
    %get3A_653 = arith.constant 2 : i32
    %get3A_654 = arith.index_cast %get3A_653 : i32 to index
    %get3A_655 = arith.constant 304 : index
    %get3A_656 = tpu.vector_load %arg4[%get3A_654, %get3A_655] {strides = array<i32>} : memref<8x512xf32, #tpu.memory_space<vmem>>, vector<16xf32>,
    %masked_sort3A_657 = arith.constant dense<true> : vector<16xi1>
    %masked_sort3A_658, %masked_sort3A_659, %masked_sort3A_660 = tpu.sort %get3A_652, %get3A_656 masked %masked_sort3A_657 {descending = true} : (vector<16xf32>, vector<16xf32>, vector<16xi1>) -> (vector<16xi1>, vector<16xf32>, vector<16xf32>)
    %le3A_661 = arith.cmpf ole, %masked_sort3A_647, %masked_sort3A_659 : vector<16xf32>
    %select_n3A_662 = arith.select %le3A_661, %masked_sort3A_647, %masked_sort3A_659 : vector<16xi1>, vector<16xf32>
    %select_n3A_663 = arith.select %le3A_661, %masked_sort3A_648, %masked_sort3A_660 : vector<16xi1>, vector<16xf32>
    %masked_sort3A_664 = arith.constant dense<true> : vector<16xi1>
    %masked_sort3A_665, %masked_sort3A_666, %masked_sort3A_667 = tpu.sort %select_n3A_662, %select_n3A_663 masked %masked_sort3A_664 : (vector<16xf32>, vector<16xf32>, vector<16xi1>) -> (vector<16xi1>, vector<16xf32>, vector<16xf32>)
    %get3A_668 = arith.constant 2 : i32
    %get3A_669 = arith.index_cast %get3A_668 : i32 to index
    %get3A_670 = arith.constant 64 : index
    %get3A_671 = tpu.vector_load %arg4[%get3A_669, %get3A_670] {strides = array<i32>} : memref<8x512xf32, #tpu.memory_space<vmem>>, vector<16xf32>,
    %get3A_672 = arith.constant 2 : i32
    %get3A_673 = arith.index_cast %get3A_672 : i32 to index
    %get3A_674 = arith.constant 320 : index
    %get3A_675 = tpu.vector_load %arg4[%get3A_673, %get3A_674] {strides = array<i32>} : memref<8x512xf32, #tpu.memory_space<vmem>>, vector<16xf32>,
    %masked_sort3A_676 = arith.constant dense<true> : vector<16xi1>
    %masked_sort3A_677, %masked_sort3A_678, %masked_sort3A_679 = tpu.sort %get3A_671, %get3A_675 masked %masked_sort3A_676 {descending = true} : (vector<16xf32>, vector<16xf32>, vector<16xi1>) -> (vector<16xi1>, vector<16xf32>, vector<16xf32>)
    %le3A_680 = arith.cmpf ole, %masked_sort3A_666, %masked_sort3A_678 : vector<16xf32>
    %select_n3A_681 = arith.select %le3A_680, %masked_sort3A_666, %masked_sort3A_678 : vector<16xi1>, vector<16xf32>
    %select_n3A_682 = arith.select %le3A_680, %masked_sort3A_667, %masked_sort3A_679 : vector<16xi1>, vector<16xf32>
    %masked_sort3A_683 = arith.constant dense<true> : vector<16xi1>
    %masked_sort3A_684, %masked_sort3A_685, %masked_sort3A_686 = tpu.sort %select_n3A_681, %select_n3A_682 masked %masked_sort3A_683 : (vector<16xf32>, vector<16xf32>, vector<16xi1>) -> (vector<16xi1>, vector<16xf32>, vector<16xf32>)
    %get3A_687 = arith.constant 2 : i32
    %get3A_688 = arith.index_cast %get3A_687 : i32 to index
    %get3A_689 = arith.constant 80 : index
    %get3A_690 = tpu.vector_load %arg4[%get3A_688, %get3A_689] {strides = array<i32>} : memref<8x512xf32, #tpu.memory_space<vmem>>, vector<16xf32>,
    %get3A_691 = arith.constant 2 : i32
    %get3A_692 = arith.index_cast %get3A_691 : i32 to index
    %get3A_693 = arith.constant 336 : index
    %get3A_694 = tpu.vector_load %arg4[%get3A_692, %get3A_693] {strides = array<i32>} : memref<8x512xf32, #tpu.memory_space<vmem>>, vector<16xf32>,
    %masked_sort3A_695 = arith.constant dense<true> : vector<16xi1>
    %masked_sort3A_696, %masked_sort3A_697, %masked_sort3A_698 = tpu.sort %get3A_690, %get3A_694 masked %masked_sort3A_695 {descending = true} : (vector<16xf32>, vector<16xf32>, vector<16xi1>) -> (vector<16xi1>, vector<16xf32>, vector<16xf32>)
    %le3A_699 = arith.cmpf ole, %masked_sort3A_685, %masked_sort3A_697 : vector<16xf32>
    %select_n3A_700 = arith.select %le3A_699, %masked_sort3A_685, %masked_sort3A_697 : vector<16xi1>, vector<16xf32>
    %select_n3A_701 = arith.select %le3A_699, %masked_sort3A_686, %masked_sort3A_698 : vector<16xi1>, vector<16xf32>
    %masked_sort3A_702 = arith.constant dense<true> : vector<16xi1>
    %masked_sort3A_703, %masked_sort3A_704, %masked_sort3A_705 = tpu.sort %select_n3A_700, %select_n3A_701 masked %masked_sort3A_702 : (vector<16xf32>, vector<16xf32>, vector<16xi1>) -> (vector<16xi1>, vector<16xf32>, vector<16xf32>)
    %get3A_706 = arith.constant 2 : i32
    %get3A_707 = arith.index_cast %get3A_706 : i32 to index
    %get3A_708 = arith.constant 96 : index
    %get3A_709 = tpu.vector_load %arg4[%get3A_707, %get3A_708] {strides = array<i32>} : memref<8x512xf32, #tpu.memory_space<vmem>>, vector<16xf32>,
    %get3A_710 = arith.constant 2 : i32
    %get3A_711 = arith.index_cast %get3A_710 : i32 to index
    %get3A_712 = arith.constant 352 : index
    %get3A_713 = tpu.vector_load %arg4[%get3A_711, %get3A_712] {strides = array<i32>} : memref<8x512xf32, #tpu.memory_space<vmem>>, vector<16xf32>,
    %masked_sort3A_714 = arith.constant dense<true> : vector<16xi1>
    %masked_sort3A_715, %masked_sort3A_716, %masked_sort3A_717 = tpu.sort %get3A_709, %get3A_713 masked %masked_sort3A_714 {descending = true} : (vector<16xf32>, vector<16xf32>, vector<16xi1>) -> (vector<16xi1>, vector<16xf32>, vector<16xf32>)
    %le3A_718 = arith.cmpf ole, %masked_sort3A_704, %masked_sort3A_716 : vector<16xf32>
    %select_n3A_719 = arith.select %le3A_718, %masked_sort3A_704, %masked_sort3A_716 : vector<16xi1>, vector<16xf32>
    %select_n3A_720 = arith.select %le3A_718, %masked_sort3A_705, %masked_sort3A_717 : vector<16xi1>, vector<16xf32>
    %masked_sort3A_721 = arith.constant dense<true> : vector<16xi1>
    %masked_sort3A_722, %masked_sort3A_723, %masked_sort3A_724 = tpu.sort %select_n3A_719, %select_n3A_720 masked %masked_sort3A_721 : (vector<16xf32>, vector<16xf32>, vector<16xi1>) -> (vector<16xi1>, vector<16xf32>, vector<16xf32>)
    %get3A_725 = arith.constant 2 : i32
    %get3A_726 = arith.index_cast %get3A_725 : i32 to index
    %get3A_727 = arith.constant 112 : index
    %get3A_728 = tpu.vector_load %arg4[%get3A_726, %get3A_727] {strides = array<i32>} : memref<8x512xf32, #tpu.memory_space<vmem>>, vector<16xf32>,
    %get3A_729 = arith.constant 2 : i32
    %get3A_730 = arith.index_cast %get3A_729 : i32 to index
    %get3A_731 = arith.constant 368 : index
    %get3A_732 = tpu.vector_load %arg4[%get3A_730, %get3A_731] {strides = array<i32>} : memref<8x512xf32, #tpu.memory_space<vmem>>, vector<16xf32>,
    %masked_sort3A_733 = arith.constant dense<true> : vector<16xi1>
    %masked_sort3A_734, %masked_sort3A_735, %masked_sort3A_736 = tpu.sort %get3A_728, %get3A_732 masked %masked_sort3A_733 {descending = true} : (vector<16xf32>, vector<16xf32>, vector<16xi1>) -> (vector<16xi1>, vector<16xf32>, vector<16xf32>)
    %le3A_737 = arith.cmpf ole, %masked_sort3A_723, %masked_sort3A_735 : vector<16xf32>
    %select_n3A_738 = arith.select %le3A_737, %masked_sort3A_723, %masked_sort3A_735 : vector<16xi1>, vector<16xf32>
    %select_n3A_739 = arith.select %le3A_737, %masked_sort3A_724, %masked_sort3A_736 : vector<16xi1>, vector<16xf32>
    %masked_sort3A_740 = arith.constant dense<true> : vector<16xi1>
    %masked_sort3A_741, %masked_sort3A_742, %masked_sort3A_743 = tpu.sort %select_n3A_738, %select_n3A_739 masked %masked_sort3A_740 : (vector<16xf32>, vector<16xf32>, vector<16xi1>) -> (vector<16xi1>, vector<16xf32>, vector<16xf32>)
    %get3A_744 = arith.constant 2 : i32
    %get3A_745 = arith.index_cast %get3A_744 : i32 to index
    %get3A_746 = arith.constant 128 : index
    %get3A_747 = tpu.vector_load %arg4[%get3A_745, %get3A_746] {strides = array<i32>} : memref<8x512xf32, #tpu.memory_space<vmem>>, vector<16xf32>,
    %get3A_748 = arith.constant 2 : i32
    %get3A_749 = arith.index_cast %get3A_748 : i32 to index
    %get3A_750 = arith.constant 384 : index
    %get3A_751 = tpu.vector_load %arg4[%get3A_749, %get3A_750] {strides = array<i32>} : memref<8x512xf32, #tpu.memory_space<vmem>>, vector<16xf32>,
    %masked_sort3A_752 = arith.constant dense<true> : vector<16xi1>
    %masked_sort3A_753, %masked_sort3A_754, %masked_sort3A_755 = tpu.sort %get3A_747, %get3A_751 masked %masked_sort3A_752 {descending = true} : (vector<16xf32>, vector<16xf32>, vector<16xi1>) -> (vector<16xi1>, vector<16xf32>, vector<16xf32>)
    %le3A_756 = arith.cmpf ole, %masked_sort3A_742, %masked_sort3A_754 : vector<16xf32>
    %select_n3A_757 = arith.select %le3A_756, %masked_sort3A_742, %masked_sort3A_754 : vector<16xi1>, vector<16xf32>
    %select_n3A_758 = arith.select %le3A_756, %masked_sort3A_743, %masked_sort3A_755 : vector<16xi1>, vector<16xf32>
    %masked_sort3A_759 = arith.constant dense<true> : vector<16xi1>
    %masked_sort3A_760, %masked_sort3A_761, %masked_sort3A_762 = tpu.sort %select_n3A_757, %select_n3A_758 masked %masked_sort3A_759 : (vector<16xf32>, vector<16xf32>, vector<16xi1>) -> (vector<16xi1>, vector<16xf32>, vector<16xf32>)
    %get3A_763 = arith.constant 2 : i32
    %get3A_764 = arith.index_cast %get3A_763 : i32 to index
    %get3A_765 = arith.constant 144 : index
    %get3A_766 = tpu.vector_load %arg4[%get3A_764, %get3A_765] {strides = array<i32>} : memref<8x512xf32, #tpu.memory_space<vmem>>, vector<16xf32>,
    %get3A_767 = arith.constant 2 : i32
    %get3A_768 = arith.index_cast %get3A_767 : i32 to index
    %get3A_769 = arith.constant 400 : index
    %get3A_770 = tpu.vector_load %arg4[%get3A_768, %get3A_769] {strides = array<i32>} : memref<8x512xf32, #tpu.memory_space<vmem>>, vector<16xf32>,
    %masked_sort3A_771 = arith.constant dense<true> : vector<16xi1>
    %masked_sort3A_772, %masked_sort3A_773, %masked_sort3A_774 = tpu.sort %get3A_766, %get3A_770 masked %masked_sort3A_771 {descending = true} : (vector<16xf32>, vector<16xf32>, vector<16xi1>) -> (vector<16xi1>, vector<16xf32>, vector<16xf32>)
    %le3A_775 = arith.cmpf ole, %masked_sort3A_761, %masked_sort3A_773 : vector<16xf32>
    %select_n3A_776 = arith.select %le3A_775, %masked_sort3A_761, %masked_sort3A_773 : vector<16xi1>, vector<16xf32>
    %select_n3A_777 = arith.select %le3A_775, %masked_sort3A_762, %masked_sort3A_774 : vector<16xi1>, vector<16xf32>
    %masked_sort3A_778 = arith.constant dense<true> : vector<16xi1>
    %masked_sort3A_779, %masked_sort3A_780, %masked_sort3A_781 = tpu.sort %select_n3A_776, %select_n3A_777 masked %masked_sort3A_778 : (vector<16xf32>, vector<16xf32>, vector<16xi1>) -> (vector<16xi1>, vector<16xf32>, vector<16xf32>)
    %get3A_782 = arith.constant 2 : i32
    %get3A_783 = arith.index_cast %get3A_782 : i32 to index
    %get3A_784 = arith.constant 160 : index
    %get3A_785 = tpu.vector_load %arg4[%get3A_783, %get3A_784] {strides = array<i32>} : memref<8x512xf32, #tpu.memory_space<vmem>>, vector<16xf32>,
    %get3A_786 = arith.constant 2 : i32
    %get3A_787 = arith.index_cast %get3A_786 : i32 to index
    %get3A_788 = arith.constant 416 : index
    %get3A_789 = tpu.vector_load %arg4[%get3A_787, %get3A_788] {strides = array<i32>} : memref<8x512xf32, #tpu.memory_space<vmem>>, vector<16xf32>,
    %masked_sort3A_790 = arith.constant dense<true> : vector<16xi1>
    %masked_sort3A_791, %masked_sort3A_792, %masked_sort3A_793 = tpu.sort %get3A_785, %get3A_789 masked %masked_sort3A_790 {descending = true} : (vector<16xf32>, vector<16xf32>, vector<16xi1>) -> (vector<16xi1>, vector<16xf32>, vector<16xf32>)
    %le3A_794 = arith.cmpf ole, %masked_sort3A_780, %masked_sort3A_792 : vector<16xf32>
    %select_n3A_795 = arith.select %le3A_794, %masked_sort3A_780, %masked_sort3A_792 : vector<16xi1>, vector<16xf32>
    %select_n3A_796 = arith.select %le3A_794, %masked_sort3A_781, %masked_sort3A_793 : vector<16xi1>, vector<16xf32>
    %masked_sort3A_797 = arith.constant dense<true> : vector<16xi1>
    %masked_sort3A_798, %masked_sort3A_799, %masked_sort3A_800 = tpu.sort %select_n3A_795, %select_n3A_796 masked %masked_sort3A_797 : (vector<16xf32>, vector<16xf32>, vector<16xi1>) -> (vector<16xi1>, vector<16xf32>, vector<16xf32>)
    %get3A_801 = arith.constant 2 : i32
    %get3A_802 = arith.index_cast %get3A_801 : i32 to index
    %get3A_803 = arith.constant 176 : index
    %get3A_804 = tpu.vector_load %arg4[%get3A_802, %get3A_803] {strides = array<i32>} : memref<8x512xf32, #tpu.memory_space<vmem>>, vector<16xf32>,
    %get3A_805 = arith.constant 2 : i32
    %get3A_806 = arith.index_cast %get3A_805 : i32 to index
    %get3A_807 = arith.constant 432 : index
    %get3A_808 = tpu.vector_load %arg4[%get3A_806, %get3A_807] {strides = array<i32>} : memref<8x512xf32, #tpu.memory_space<vmem>>, vector<16xf32>,
    %masked_sort3A_809 = arith.constant dense<true> : vector<16xi1>
    %masked_sort3A_810, %masked_sort3A_811, %masked_sort3A_812 = tpu.sort %get3A_804, %get3A_808 masked %masked_sort3A_809 {descending = true} : (vector<16xf32>, vector<16xf32>, vector<16xi1>) -> (vector<16xi1>, vector<16xf32>, vector<16xf32>)
    %le3A_813 = arith.cmpf ole, %masked_sort3A_799, %masked_sort3A_811 : vector<16xf32>
    %select_n3A_814 = arith.select %le3A_813, %masked_sort3A_799, %masked_sort3A_811 : vector<16xi1>, vector<16xf32>
    %select_n3A_815 = arith.select %le3A_813, %masked_sort3A_800, %masked_sort3A_812 : vector<16xi1>, vector<16xf32>
    %masked_sort3A_816 = arith.constant dense<true> : vector<16xi1>
    %masked_sort3A_817, %masked_sort3A_818, %masked_sort3A_819 = tpu.sort %select_n3A_814, %select_n3A_815 masked %masked_sort3A_816 : (vector<16xf32>, vector<16xf32>, vector<16xi1>) -> (vector<16xi1>, vector<16xf32>, vector<16xf32>)
    %get3A_820 = arith.constant 2 : i32
    %get3A_821 = arith.index_cast %get3A_820 : i32 to index
    %get3A_822 = arith.constant 192 : index
    %get3A_823 = tpu.vector_load %arg4[%get3A_821, %get3A_822] {strides = array<i32>} : memref<8x512xf32, #tpu.memory_space<vmem>>, vector<16xf32>,
    %get3A_824 = arith.constant 2 : i32
    %get3A_825 = arith.index_cast %get3A_824 : i32 to index
    %get3A_826 = arith.constant 448 : index
    %get3A_827 = tpu.vector_load %arg4[%get3A_825, %get3A_826] {strides = array<i32>} : memref<8x512xf32, #tpu.memory_space<vmem>>, vector<16xf32>,
    %masked_sort3A_828 = arith.constant dense<true> : vector<16xi1>
    %masked_sort3A_829, %masked_sort3A_830, %masked_sort3A_831 = tpu.sort %get3A_823, %get3A_827 masked %masked_sort3A_828 {descending = true} : (vector<16xf32>, vector<16xf32>, vector<16xi1>) -> (vector<16xi1>, vector<16xf32>, vector<16xf32>)
    %le3A_832 = arith.cmpf ole, %masked_sort3A_818, %masked_sort3A_830 : vector<16xf32>
    %select_n3A_833 = arith.select %le3A_832, %masked_sort3A_818, %masked_sort3A_830 : vector<16xi1>, vector<16xf32>
    %select_n3A_834 = arith.select %le3A_832, %masked_sort3A_819, %masked_sort3A_831 : vector<16xi1>, vector<16xf32>
    %masked_sort3A_835 = arith.constant dense<true> : vector<16xi1>
    %masked_sort3A_836, %masked_sort3A_837, %masked_sort3A_838 = tpu.sort %select_n3A_833, %select_n3A_834 masked %masked_sort3A_835 : (vector<16xf32>, vector<16xf32>, vector<16xi1>) -> (vector<16xi1>, vector<16xf32>, vector<16xf32>)
    %get3A_839 = arith.constant 2 : i32
    %get3A_840 = arith.index_cast %get3A_839 : i32 to index
    %get3A_841 = arith.constant 208 : index
    %get3A_842 = tpu.vector_load %arg4[%get3A_840, %get3A_841] {strides = array<i32>} : memref<8x512xf32, #tpu.memory_space<vmem>>, vector<16xf32>,
    %get3A_843 = arith.constant 2 : i32
    %get3A_844 = arith.index_cast %get3A_843 : i32 to index
    %get3A_845 = arith.constant 464 : index
    %get3A_846 = tpu.vector_load %arg4[%get3A_844, %get3A_845] {strides = array<i32>} : memref<8x512xf32, #tpu.memory_space<vmem>>, vector<16xf32>,
    %masked_sort3A_847 = arith.constant dense<true> : vector<16xi1>
    %masked_sort3A_848, %masked_sort3A_849, %masked_sort3A_850 = tpu.sort %get3A_842, %get3A_846 masked %masked_sort3A_847 {descending = true} : (vector<16xf32>, vector<16xf32>, vector<16xi1>) -> (vector<16xi1>, vector<16xf32>, vector<16xf32>)
    %le3A_851 = arith.cmpf ole, %masked_sort3A_837, %masked_sort3A_849 : vector<16xf32>
    %select_n3A_852 = arith.select %le3A_851, %masked_sort3A_837, %masked_sort3A_849 : vector<16xi1>, vector<16xf32>
    %select_n3A_853 = arith.select %le3A_851, %masked_sort3A_838, %masked_sort3A_850 : vector<16xi1>, vector<16xf32>
    %masked_sort3A_854 = arith.constant dense<true> : vector<16xi1>
    %masked_sort3A_855, %masked_sort3A_856, %masked_sort3A_857 = tpu.sort %select_n3A_852, %select_n3A_853 masked %masked_sort3A_854 : (vector<16xf32>, vector<16xf32>, vector<16xi1>) -> (vector<16xi1>, vector<16xf32>, vector<16xf32>)
    %get3A_858 = arith.constant 2 : i32
    %get3A_859 = arith.index_cast %get3A_858 : i32 to index
    %get3A_860 = arith.constant 224 : index
    %get3A_861 = tpu.vector_load %arg4[%get3A_859, %get3A_860] {strides = array<i32>} : memref<8x512xf32, #tpu.memory_space<vmem>>, vector<16xf32>,
    %get3A_862 = arith.constant 2 : i32
    %get3A_863 = arith.index_cast %get3A_862 : i32 to index
    %get3A_864 = arith.constant 480 : index
    %get3A_865 = tpu.vector_load %arg4[%get3A_863, %get3A_864] {strides = array<i32>} : memref<8x512xf32, #tpu.memory_space<vmem>>, vector<16xf32>,
    %masked_sort3A_866 = arith.constant dense<true> : vector<16xi1>
    %masked_sort3A_867, %masked_sort3A_868, %masked_sort3A_869 = tpu.sort %get3A_861, %get3A_865 masked %masked_sort3A_866 {descending = true} : (vector<16xf32>, vector<16xf32>, vector<16xi1>) -> (vector<16xi1>, vector<16xf32>, vector<16xf32>)
    %le3A_870 = arith.cmpf ole, %masked_sort3A_856, %masked_sort3A_868 : vector<16xf32>
    %select_n3A_871 = arith.select %le3A_870, %masked_sort3A_856, %masked_sort3A_868 : vector<16xi1>, vector<16xf32>
    %select_n3A_872 = arith.select %le3A_870, %masked_sort3A_857, %masked_sort3A_869 : vector<16xi1>, vector<16xf32>
    %masked_sort3A_873 = arith.constant dense<true> : vector<16xi1>
    %masked_sort3A_874, %masked_sort3A_875, %masked_sort3A_876 = tpu.sort %select_n3A_871, %select_n3A_872 masked %masked_sort3A_873 : (vector<16xf32>, vector<16xf32>, vector<16xi1>) -> (vector<16xi1>, vector<16xf32>, vector<16xf32>)
    %get3A_877 = arith.constant 2 : i32
    %get3A_878 = arith.index_cast %get3A_877 : i32 to index
    %get3A_879 = arith.constant 240 : index
    %get3A_880 = tpu.vector_load %arg4[%get3A_878, %get3A_879] {strides = array<i32>} : memref<8x512xf32, #tpu.memory_space<vmem>>, vector<16xf32>,
    %get3A_881 = arith.constant 2 : i32
    %get3A_882 = arith.index_cast %get3A_881 : i32 to index
    %get3A_883 = arith.constant 496 : index
    %get3A_884 = tpu.vector_load %arg4[%get3A_882, %get3A_883] {strides = array<i32>} : memref<8x512xf32, #tpu.memory_space<vmem>>, vector<16xf32>,
    %masked_sort3A_885 = arith.constant dense<true> : vector<16xi1>
    %masked_sort3A_886, %masked_sort3A_887, %masked_sort3A_888 = tpu.sort %get3A_880, %get3A_884 masked %masked_sort3A_885 {descending = true} : (vector<16xf32>, vector<16xf32>, vector<16xi1>) -> (vector<16xi1>, vector<16xf32>, vector<16xf32>)
    %le3A_889 = arith.cmpf ole, %masked_sort3A_875, %masked_sort3A_887 : vector<16xf32>
    %select_n3A_890 = arith.select %le3A_889, %masked_sort3A_875, %masked_sort3A_887 : vector<16xi1>, vector<16xf32>
    %select_n3A_891 = arith.select %le3A_889, %masked_sort3A_876, %masked_sort3A_888 : vector<16xi1>, vector<16xf32>
    %masked_sort3A_892 = arith.constant dense<true> : vector<16xi1>
    %masked_sort3A_893, %masked_sort3A_894, %masked_sort3A_895 = tpu.sort %select_n3A_890, %select_n3A_891 masked %masked_sort3A_892 : (vector<16xf32>, vector<16xf32>, vector<16xi1>) -> (vector<16xi1>, vector<16xf32>, vector<16xf32>)
    %sub3A_896 = arith.subf %masked_sort3A_894, %masked_sort3A_895 : vector<16xf32>
    %mul3A_897 = arith.mulf %sub3A_896, %sub3A_896 : vector<16xf32>
    %add3A_898 = arith.addf %add3A_598, %mul3A_897 : vector<16xf32>
    %get3A_899 = arith.constant 3 : i32
    %get3A_900 = arith.index_cast %get3A_899 : i32 to index
    %get3A_901 = arith.constant 0 : index
    %get3A_902 = tpu.vector_load %arg4[%get3A_900, %get3A_901] {strides = array<i32>} : memref<8x512xf32, #tpu.memory_space<vmem>>, vector<16xf32>,
    %get3A_903 = arith.constant 3 : i32
    %get3A_904 = arith.index_cast %get3A_903 : i32 to index
    %get3A_905 = arith.constant 256 : index
    %get3A_906 = tpu.vector_load %arg4[%get3A_904, %get3A_905] {strides = array<i32>} : memref<8x512xf32, #tpu.memory_space<vmem>>, vector<16xf32>,
    %masked_sort3A_907 = arith.constant dense<true> : vector<16xi1>
    %masked_sort3A_908, %masked_sort3A_909, %masked_sort3A_910 = tpu.sort %get3A_902, %get3A_906 masked %masked_sort3A_907 : (vector<16xf32>, vector<16xf32>, vector<16xi1>) -> (vector<16xi1>, vector<16xf32>, vector<16xf32>)
    %get3A_911 = arith.constant 3 : i32
    %get3A_912 = arith.index_cast %get3A_911 : i32 to index
    %get3A_913 = arith.constant 16 : index
    %get3A_914 = tpu.vector_load %arg4[%get3A_912, %get3A_913] {strides = array<i32>} : memref<8x512xf32, #tpu.memory_space<vmem>>, vector<16xf32>,
    %get3A_915 = arith.constant 3 : i32
    %get3A_916 = arith.index_cast %get3A_915 : i32 to index
    %get3A_917 = arith.constant 272 : index
    %get3A_918 = tpu.vector_load %arg4[%get3A_916, %get3A_917] {strides = array<i32>} : memref<8x512xf32, #tpu.memory_space<vmem>>, vector<16xf32>,
    %masked_sort3A_919 = arith.constant dense<true> : vector<16xi1>
    %masked_sort3A_920, %masked_sort3A_921, %masked_sort3A_922 = tpu.sort %get3A_914, %get3A_918 masked %masked_sort3A_919 {descending = true} : (vector<16xf32>, vector<16xf32>, vector<16xi1>) -> (vector<16xi1>, vector<16xf32>, vector<16xf32>)
    %le3A_923 = arith.cmpf ole, %masked_sort3A_909, %masked_sort3A_921 : vector<16xf32>
    %select_n3A_924 = arith.select %le3A_923, %masked_sort3A_909, %masked_sort3A_921 : vector<16xi1>, vector<16xf32>
    %select_n3A_925 = arith.select %le3A_923, %masked_sort3A_910, %masked_sort3A_922 : vector<16xi1>, vector<16xf32>
    %masked_sort3A_926 = arith.constant dense<true> : vector<16xi1>
    %masked_sort3A_927, %masked_sort3A_928, %masked_sort3A_929 = tpu.sort %select_n3A_924, %select_n3A_925 masked %masked_sort3A_926 : (vector<16xf32>, vector<16xf32>, vector<16xi1>) -> (vector<16xi1>, vector<16xf32>, vector<16xf32>)
    %get3A_930 = arith.constant 3 : i32
    %get3A_931 = arith.index_cast %get3A_930 : i32 to index
    %get3A_932 = arith.constant 32 : index
    %get3A_933 = tpu.vector_load %arg4[%get3A_931, %get3A_932] {strides = array<i32>} : memref<8x512xf32, #tpu.memory_space<vmem>>, vector<16xf32>,
    %get3A_934 = arith.constant 3 : i32
    %get3A_935 = arith.index_cast %get3A_934 : i32 to index
    %get3A_936 = arith.constant 288 : index
    %get3A_937 = tpu.vector_load %arg4[%get3A_935, %get3A_936] {strides = array<i32>} : memref<8x512xf32, #tpu.memory_space<vmem>>, vector<16xf32>,
    %masked_sort3A_938 = arith.constant dense<true> : vector<16xi1>
    %masked_sort3A_939, %masked_sort3A_940, %masked_sort3A_941 = tpu.sort %get3A_933, %get3A_937 masked %masked_sort3A_938 {descending = true} : (vector<16xf32>, vector<16xf32>, vector<16xi1>) -> (vector<16xi1>, vector<16xf32>, vector<16xf32>)
    %le3A_942 = arith.cmpf ole, %masked_sort3A_928, %masked_sort3A_940 : vector<16xf32>
    %select_n3A_943 = arith.select %le3A_942, %masked_sort3A_928, %masked_sort3A_940 : vector<16xi1>, vector<16xf32>
    %select_n3A_944 = arith.select %le3A_942, %masked_sort3A_929, %masked_sort3A_941 : vector<16xi1>, vector<16xf32>
    %masked_sort3A_945 = arith.constant dense<true> : vector<16xi1>
    %masked_sort3A_946, %masked_sort3A_947, %masked_sort3A_948 = tpu.sort %select_n3A_943, %select_n3A_944 masked %masked_sort3A_945 : (vector<16xf32>, vector<16xf32>, vector<16xi1>) -> (vector<16xi1>, vector<16xf32>, vector<16xf32>)
    %get3A_949 = arith.constant 3 : i32
    %get3A_950 = arith.index_cast %get3A_949 : i32 to index
    %get3A_951 = arith.constant 48 : index
    %get3A_952 = tpu.vector_load %arg4[%get3A_950, %get3A_951] {strides = array<i32>} : memref<8x512xf32, #tpu.memory_space<vmem>>, vector<16xf32>,
    %get3A_953 = arith.constant 3 : i32
    %get3A_954 = arith.index_cast %get3A_953 : i32 to index
    %get3A_955 = arith.constant 304 : index
    %get3A_956 = tpu.vector_load %arg4[%get3A_954, %get3A_955] {strides = array<i32>} : memref<8x512xf32, #tpu.memory_space<vmem>>, vector<16xf32>,
    %masked_sort3A_957 = arith.constant dense<true> : vector<16xi1>
    %masked_sort3A_958, %masked_sort3A_959, %masked_sort3A_960 = tpu.sort %get3A_952, %get3A_956 masked %masked_sort3A_957 {descending = true} : (vector<16xf32>, vector<16xf32>, vector<16xi1>) -> (vector<16xi1>, vector<16xf32>, vector<16xf32>)
    %le3A_961 = arith.cmpf ole, %masked_sort3A_947, %masked_sort3A_959 : vector<16xf32>
    %select_n3A_962 = arith.select %le3A_961, %masked_sort3A_947, %masked_sort3A_959 : vector<16xi1>, vector<16xf32>
    %select_n3A_963 = arith.select %le3A_961, %masked_sort3A_948, %masked_sort3A_960 : vector<16xi1>, vector<16xf32>
    %masked_sort3A_964 = arith.constant dense<true> : vector<16xi1>
    %masked_sort3A_965, %masked_sort3A_966, %masked_sort3A_967 = tpu.sort %select_n3A_962, %select_n3A_963 masked %masked_sort3A_964 : (vector<16xf32>, vector<16xf32>, vector<16xi1>) -> (vector<16xi1>, vector<16xf32>, vector<16xf32>)
    %get3A_968 = arith.constant 3 : i32
    %get3A_969 = arith.index_cast %get3A_968 : i32 to index
    %get3A_970 = arith.constant 64 : index
    %get3A_971 = tpu.vector_load %arg4[%get3A_969, %get3A_970] {strides = array<i32>} : memref<8x512xf32, #tpu.memory_space<vmem>>, vector<16xf32>,
    %get3A_972 = arith.constant 3 : i32
    %get3A_973 = arith.index_cast %get3A_972 : i32 to index
    %get3A_974 = arith.constant 320 : index
    %get3A_975 = tpu.vector_load %arg4[%get3A_973, %get3A_974] {strides = array<i32>} : memref<8x512xf32, #tpu.memory_space<vmem>>, vector<16xf32>,
    %masked_sort3A_976 = arith.constant dense<true> : vector<16xi1>
    %masked_sort3A_977, %masked_sort3A_978, %masked_sort3A_979 = tpu.sort %get3A_971, %get3A_975 masked %masked_sort3A_976 {descending = true} : (vector<16xf32>, vector<16xf32>, vector<16xi1>) -> (vector<16xi1>, vector<16xf32>, vector<16xf32>)
    %le3A_980 = arith.cmpf ole, %masked_sort3A_966, %masked_sort3A_978 : vector<16xf32>
    %select_n3A_981 = arith.select %le3A_980, %masked_sort3A_966, %masked_sort3A_978 : vector<16xi1>, vector<16xf32>
    %select_n3A_982 = arith.select %le3A_980, %masked_sort3A_967, %masked_sort3A_979 : vector<16xi1>, vector<16xf32>
    %masked_sort3A_983 = arith.constant dense<true> : vector<16xi1>
    %masked_sort3A_984, %masked_sort3A_985, %masked_sort3A_986 = tpu.sort %select_n3A_981, %select_n3A_982 masked %masked_sort3A_983 : (vector<16xf32>, vector<16xf32>, vector<16xi1>) -> (vector<16xi1>, vector<16xf32>, vector<16xf32>)
    %get3A_987 = arith.constant 3 : i32
    %get3A_988 = arith.index_cast %get3A_987 : i32 to index
    %get3A_989 = arith.constant 80 : index
    %get3A_990 = tpu.vector_load %arg4[%get3A_988, %get3A_989] {strides = array<i32>} : memref<8x512xf32, #tpu.memory_space<vmem>>, vector<16xf32>,
    %get3A_991 = arith.constant 3 : i32
    %get3A_992 = arith.index_cast %get3A_991 : i32 to index
    %get3A_993 = arith.constant 336 : index
    %get3A_994 = tpu.vector_load %arg4[%get3A_992, %get3A_993] {strides = array<i32>} : memref<8x512xf32, #tpu.memory_space<vmem>>, vector<16xf32>,
    %masked_sort3A_995 = arith.constant dense<true> : vector<16xi1>
    %masked_sort3A_996, %masked_sort3A_997, %masked_sort3A_998 = tpu.sort %get3A_990, %get3A_994 masked %masked_sort3A_995 {descending = true} : (vector<16xf32>, vector<16xf32>, vector<16xi1>) -> (vector<16xi1>, vector<16xf32>, vector<16xf32>)
    %le3A_999 = arith.cmpf ole, %masked_sort3A_985, %masked_sort3A_997 : vector<16xf32>
    %select_n3A_1000 = arith.select %le3A_999, %masked_sort3A_985, %masked_sort3A_997 : vector<16xi1>, vector<16xf32>
    %select_n3A_1001 = arith.select %le3A_999, %masked_sort3A_986, %masked_sort3A_998 : vector<16xi1>, vector<16xf32>
    %masked_sort3A_1002 = arith.constant dense<true> : vector<16xi1>
    %masked_sort3A_1003, %masked_sort3A_1004, %masked_sort3A_1005 = tpu.sort %select_n3A_1000, %select_n3A_1001 masked %masked_sort3A_1002 : (vector<16xf32>, vector<16xf32>, vector<16xi1>) -> (vector<16xi1>, vector<16xf32>, vector<16xf32>)
    %get3A_1006 = arith.constant 3 : i32
    %get3A_1007 = arith.index_cast %get3A_1006 : i32 to index
    %get3A_1008 = arith.constant 96 : index
    %get3A_1009 = tpu.vector_load %arg4[%get3A_1007, %get3A_1008] {strides = array<i32>} : memref<8x512xf32, #tpu.memory_space<vmem>>, vector<16xf32>,
    %get3A_1010 = arith.constant 3 : i32
    %get3A_1011 = arith.index_cast %get3A_1010 : i32 to index
    %get3A_1012 = arith.constant 352 : index
    %get3A_1013 = tpu.vector_load %arg4[%get3A_1011, %get3A_1012] {strides = array<i32>} : memref<8x512xf32, #tpu.memory_space<vmem>>, vector<16xf32>,
    %masked_sort3A_1014 = arith.constant dense<true> : vector<16xi1>
    %masked_sort3A_1015, %masked_sort3A_1016, %masked_sort3A_1017 = tpu.sort %get3A_1009, %get3A_1013 masked %masked_sort3A_1014 {descending = true} : (vector<16xf32>, vector<16xf32>, vector<16xi1>) -> (vector<16xi1>, vector<16xf32>, vector<16xf32>)
    %le3A_1018 = arith.cmpf ole, %masked_sort3A_1004, %masked_sort3A_1016 : vector<16xf32>
    %select_n3A_1019 = arith.select %le3A_1018, %masked_sort3A_1004, %masked_sort3A_1016 : vector<16xi1>, vector<16xf32>
    %select_n3A_1020 = arith.select %le3A_1018, %masked_sort3A_1005, %masked_sort3A_1017 : vector<16xi1>, vector<16xf32>
    %masked_sort3A_1021 = arith.constant dense<true> : vector<16xi1>
    %masked_sort3A_1022, %masked_sort3A_1023, %masked_sort3A_1024 = tpu.sort %select_n3A_1019, %select_n3A_1020 masked %masked_sort3A_1021 : (vector<16xf32>, vector<16xf32>, vector<16xi1>) -> (vector<16xi1>, vector<16xf32>, vector<16xf32>)
    %get3A_1025 = arith.constant 3 : i32
    %get3A_1026 = arith.index_cast %get3A_1025 : i32 to index
    %get3A_1027 = arith.constant 112 : index
    %get3A_1028 = tpu.vector_load %arg4[%get3A_1026, %get3A_1027] {strides = array<i32>} : memref<8x512xf32, #tpu.memory_space<vmem>>, vector<16xf32>,
    %get3A_1029 = arith.constant 3 : i32
    %get3A_1030 = arith.index_cast %get3A_1029 : i32 to index
    %get3A_1031 = arith.constant 368 : index
    %get3A_1032 = tpu.vector_load %arg4[%get3A_1030, %get3A_1031] {strides = array<i32>} : memref<8x512xf32, #tpu.memory_space<vmem>>, vector<16xf32>,
    %masked_sort3A_1033 = arith.constant dense<true> : vector<16xi1>
    %masked_sort3A_1034, %masked_sort3A_1035, %masked_sort3A_1036 = tpu.sort %get3A_1028, %get3A_1032 masked %masked_sort3A_1033 {descending = true} : (vector<16xf32>, vector<16xf32>, vector<16xi1>) -> (vector<16xi1>, vector<16xf32>, vector<16xf32>)
    %le3A_1037 = arith.cmpf ole, %masked_sort3A_1023, %masked_sort3A_1035 : vector<16xf32>
    %select_n3A_1038 = arith.select %le3A_1037, %masked_sort3A_1023, %masked_sort3A_1035 : vector<16xi1>, vector<16xf32>
    %select_n3A_1039 = arith.select %le3A_1037, %masked_sort3A_1024, %masked_sort3A_1036 : vector<16xi1>, vector<16xf32>
    %masked_sort3A_1040 = arith.constant dense<true> : vector<16xi1>
    %masked_sort3A_1041, %masked_sort3A_1042, %masked_sort3A_1043 = tpu.sort %select_n3A_1038, %select_n3A_1039 masked %masked_sort3A_1040 : (vector<16xf32>, vector<16xf32>, vector<16xi1>) -> (vector<16xi1>, vector<16xf32>, vector<16xf32>)
    %get3A_1044 = arith.constant 3 : i32
    %get3A_1045 = arith.index_cast %get3A_1044 : i32 to index
    %get3A_1046 = arith.constant 128 : index
    %get3A_1047 = tpu.vector_load %arg4[%get3A_1045, %get3A_1046] {strides = array<i32>} : memref<8x512xf32, #tpu.memory_space<vmem>>, vector<16xf32>,
    %get3A_1048 = arith.constant 3 : i32
    %get3A_1049 = arith.index_cast %get3A_1048 : i32 to index
    %get3A_1050 = arith.constant 384 : index
    %get3A_1051 = tpu.vector_load %arg4[%get3A_1049, %get3A_1050] {strides = array<i32>} : memref<8x512xf32, #tpu.memory_space<vmem>>, vector<16xf32>,
    %masked_sort3A_1052 = arith.constant dense<true> : vector<16xi1>
    %masked_sort3A_1053, %masked_sort3A_1054, %masked_sort3A_1055 = tpu.sort %get3A_1047, %get3A_1051 masked %masked_sort3A_1052 {descending = true} : (vector<16xf32>, vector<16xf32>, vector<16xi1>) -> (vector<16xi1>, vector<16xf32>, vector<16xf32>)
    %le3A_1056 = arith.cmpf ole, %masked_sort3A_1042, %masked_sort3A_1054 : vector<16xf32>
    %select_n3A_1057 = arith.select %le3A_1056, %masked_sort3A_1042, %masked_sort3A_1054 : vector<16xi1>, vector<16xf32>
    %select_n3A_1058 = arith.select %le3A_1056, %masked_sort3A_1043, %masked_sort3A_1055 : vector<16xi1>, vector<16xf32>
    %masked_sort3A_1059 = arith.constant dense<true> : vector<16xi1>
    %masked_sort3A_1060, %masked_sort3A_1061, %masked_sort3A_1062 = tpu.sort %select_n3A_1057, %select_n3A_1058 masked %masked_sort3A_1059 : (vector<16xf32>, vector<16xf32>, vector<16xi1>) -> (vector<16xi1>, vector<16xf32>, vector<16xf32>)
    %get3A_1063 = arith.constant 3 : i32
    %get3A_1064 = arith.index_cast %get3A_1063 : i32 to index
    %get3A_1065 = arith.constant 144 : index
    %get3A_1066 = tpu.vector_load %arg4[%get3A_1064, %get3A_1065] {strides = array<i32>} : memref<8x512xf32, #tpu.memory_space<vmem>>, vector<16xf32>,
    %get3A_1067 = arith.constant 3 : i32
    %get3A_1068 = arith.index_cast %get3A_1067 : i32 to index
    %get3A_1069 = arith.constant 400 : index
    %get3A_1070 = tpu.vector_load %arg4[%get3A_1068, %get3A_1069] {strides = array<i32>} : memref<8x512xf32, #tpu.memory_space<vmem>>, vector<16xf32>,
    %masked_sort3A_1071 = arith.constant dense<true> : vector<16xi1>
    %masked_sort3A_1072, %masked_sort3A_1073, %masked_sort3A_1074 = tpu.sort %get3A_1066, %get3A_1070 masked %masked_sort3A_1071 {descending = true} : (vector<16xf32>, vector<16xf32>, vector<16xi1>) -> (vector<16xi1>, vector<16xf32>, vector<16xf32>)
    %le3A_1075 = arith.cmpf ole, %masked_sort3A_1061, %masked_sort3A_1073 : vector<16xf32>
    %select_n3A_1076 = arith.select %le3A_1075, %masked_sort3A_1061, %masked_sort3A_1073 : vector<16xi1>, vector<16xf32>
    %select_n3A_1077 = arith.select %le3A_1075, %masked_sort3A_1062, %masked_sort3A_1074 : vector<16xi1>, vector<16xf32>
    %masked_sort3A_1078 = arith.constant dense<true> : vector<16xi1>
    %masked_sort3A_1079, %masked_sort3A_1080, %masked_sort3A_1081 = tpu.sort %select_n3A_1076, %select_n3A_1077 masked %masked_sort3A_1078 : (vector<16xf32>, vector<16xf32>, vector<16xi1>) -> (vector<16xi1>, vector<16xf32>, vector<16xf32>)
    %get3A_1082 = arith.constant 3 : i32
    %get3A_1083 = arith.index_cast %get3A_1082 : i32 to index
    %get3A_1084 = arith.constant 160 : index
    %get3A_1085 = tpu.vector_load %arg4[%get3A_1083, %get3A_1084] {strides = array<i32>} : memref<8x512xf32, #tpu.memory_space<vmem>>, vector<16xf32>,
    %get3A_1086 = arith.constant 3 : i32
    %get3A_1087 = arith.index_cast %get3A_1086 : i32 to index
    %get3A_1088 = arith.constant 416 : index
    %get3A_1089 = tpu.vector_load %arg4[%get3A_1087, %get3A_1088] {strides = array<i32>} : memref<8x512xf32, #tpu.memory_space<vmem>>, vector<16xf32>,
    %masked_sort3A_1090 = arith.constant dense<true> : vector<16xi1>
    %masked_sort3A_1091, %masked_sort3A_1092, %masked_sort3A_1093 = tpu.sort %get3A_1085, %get3A_1089 masked %masked_sort3A_1090 {descending = true} : (vector<16xf32>, vector<16xf32>, vector<16xi1>) -> (vector<16xi1>, vector<16xf32>, vector<16xf32>)
    %le3A_1094 = arith.cmpf ole, %masked_sort3A_1080, %masked_sort3A_1092 : vector<16xf32>
    %select_n3A_1095 = arith.select %le3A_1094, %masked_sort3A_1080, %masked_sort3A_1092 : vector<16xi1>, vector<16xf32>
    %select_n3A_1096 = arith.select %le3A_1094, %masked_sort3A_1081, %masked_sort3A_1093 : vector<16xi1>, vector<16xf32>
    %masked_sort3A_1097 = arith.constant dense<true> : vector<16xi1>
    %masked_sort3A_1098, %masked_sort3A_1099, %masked_sort3A_1100 = tpu.sort %select_n3A_1095, %select_n3A_1096 masked %masked_sort3A_1097 : (vector<16xf32>, vector<16xf32>, vector<16xi1>) -> (vector<16xi1>, vector<16xf32>, vector<16xf32>)
    %get3A_1101 = arith.constant 3 : i32
    %get3A_1102 = arith.index_cast %get3A_1101 : i32 to index
    %get3A_1103 = arith.constant 176 : index
    %get3A_1104 = tpu.vector_load %arg4[%get3A_1102, %get3A_1103] {strides = array<i32>} : memref<8x512xf32, #tpu.memory_space<vmem>>, vector<16xf32>,
    %get3A_1105 = arith.constant 3 : i32
    %get3A_1106 = arith.index_cast %get3A_1105 : i32 to index
    %get3A_1107 = arith.constant 432 : index
    %get3A_1108 = tpu.vector_load %arg4[%get3A_1106, %get3A_1107] {strides = array<i32>} : memref<8x512xf32, #tpu.memory_space<vmem>>, vector<16xf32>,
    %masked_sort3A_1109 = arith.constant dense<true> : vector<16xi1>
    %masked_sort3A_1110, %masked_sort3A_1111, %masked_sort3A_1112 = tpu.sort %get3A_1104, %get3A_1108 masked %masked_sort3A_1109 {descending = true} : (vector<16xf32>, vector<16xf32>, vector<16xi1>) -> (vector<16xi1>, vector<16xf32>, vector<16xf32>)
    %le3A_1113 = arith.cmpf ole, %masked_sort3A_1099, %masked_sort3A_1111 : vector<16xf32>
    %select_n3A_1114 = arith.select %le3A_1113, %masked_sort3A_1099, %masked_sort3A_1111 : vector<16xi1>, vector<16xf32>
    %select_n3A_1115 = arith.select %le3A_1113, %masked_sort3A_1100, %masked_sort3A_1112 : vector<16xi1>, vector<16xf32>
    %masked_sort3A_1116 = arith.constant dense<true> : vector<16xi1>
    %masked_sort3A_1117, %masked_sort3A_1118, %masked_sort3A_1119 = tpu.sort %select_n3A_1114, %select_n3A_1115 masked %masked_sort3A_1116 : (vector<16xf32>, vector<16xf32>, vector<16xi1>) -> (vector<16xi1>, vector<16xf32>, vector<16xf32>)
    %get3A_1120 = arith.constant 3 : i32
    %get3A_1121 = arith.index_cast %get3A_1120 : i32 to index
    %get3A_1122 = arith.constant 192 : index
    %get3A_1123 = tpu.vector_load %arg4[%get3A_1121, %get3A_1122] {strides = array<i32>} : memref<8x512xf32, #tpu.memory_space<vmem>>, vector<16xf32>,
    %get3A_1124 = arith.constant 3 : i32
    %get3A_1125 = arith.index_cast %get3A_1124 : i32 to index
    %get3A_1126 = arith.constant 448 : index
    %get3A_1127 = tpu.vector_load %arg4[%get3A_1125, %get3A_1126] {strides = array<i32>} : memref<8x512xf32, #tpu.memory_space<vmem>>, vector<16xf32>,
    %masked_sort3A_1128 = arith.constant dense<true> : vector<16xi1>
    %masked_sort3A_1129, %masked_sort3A_1130, %masked_sort3A_1131 = tpu.sort %get3A_1123, %get3A_1127 masked %masked_sort3A_1128 {descending = true} : (vector<16xf32>, vector<16xf32>, vector<16xi1>) -> (vector<16xi1>, vector<16xf32>, vector<16xf32>)
    %le3A_1132 = arith.cmpf ole, %masked_sort3A_1118, %masked_sort3A_1130 : vector<16xf32>
    %select_n3A_1133 = arith.select %le3A_1132, %masked_sort3A_1118, %masked_sort3A_1130 : vector<16xi1>, vector<16xf32>
    %select_n3A_1134 = arith.select %le3A_1132, %masked_sort3A_1119, %masked_sort3A_1131 : vector<16xi1>, vector<16xf32>
    %masked_sort3A_1135 = arith.constant dense<true> : vector<16xi1>
    %masked_sort3A_1136, %masked_sort3A_1137, %masked_sort3A_1138 = tpu.sort %select_n3A_1133, %select_n3A_1134 masked %masked_sort3A_1135 : (vector<16xf32>, vector<16xf32>, vector<16xi1>) -> (vector<16xi1>, vector<16xf32>, vector<16xf32>)
    %get3A_1139 = arith.constant 3 : i32
    %get3A_1140 = arith.index_cast %get3A_1139 : i32 to index
    %get3A_1141 = arith.constant 208 : index
    %get3A_1142 = tpu.vector_load %arg4[%get3A_1140, %get3A_1141] {strides = array<i32>} : memref<8x512xf32, #tpu.memory_space<vmem>>, vector<16xf32>,
    %get3A_1143 = arith.constant 3 : i32
    %get3A_1144 = arith.index_cast %get3A_1143 : i32 to index
    %get3A_1145 = arith.constant 464 : index
    %get3A_1146 = tpu.vector_load %arg4[%get3A_1144, %get3A_1145] {strides = array<i32>} : memref<8x512xf32, #tpu.memory_space<vmem>>, vector<16xf32>,
    %masked_sort3A_1147 = arith.constant dense<true> : vector<16xi1>
    %masked_sort3A_1148, %masked_sort3A_1149, %masked_sort3A_1150 = tpu.sort %get3A_1142, %get3A_1146 masked %masked_sort3A_1147 {descending = true} : (vector<16xf32>, vector<16xf32>, vector<16xi1>) -> (vector<16xi1>, vector<16xf32>, vector<16xf32>)
    %le3A_1151 = arith.cmpf ole, %masked_sort3A_1137, %masked_sort3A_1149 : vector<16xf32>
    %select_n3A_1152 = arith.select %le3A_1151, %masked_sort3A_1137, %masked_sort3A_1149 : vector<16xi1>, vector<16xf32>
    %select_n3A_1153 = arith.select %le3A_1151, %masked_sort3A_1138, %masked_sort3A_1150 : vector<16xi1>, vector<16xf32>
    %masked_sort3A_1154 = arith.constant dense<true> : vector<16xi1>
    %masked_sort3A_1155, %masked_sort3A_1156, %masked_sort3A_1157 = tpu.sort %select_n3A_1152, %select_n3A_1153 masked %masked_sort3A_1154 : (vector<16xf32>, vector<16xf32>, vector<16xi1>) -> (vector<16xi1>, vector<16xf32>, vector<16xf32>)
    %get3A_1158 = arith.constant 3 : i32
    %get3A_1159 = arith.index_cast %get3A_1158 : i32 to index
    %get3A_1160 = arith.constant 224 : index
    %get3A_1161 = tpu.vector_load %arg4[%get3A_1159, %get3A_1160] {strides = array<i32>} : memref<8x512xf32, #tpu.memory_space<vmem>>, vector<16xf32>,
    %get3A_1162 = arith.constant 3 : i32
    %get3A_1163 = arith.index_cast %get3A_1162 : i32 to index
    %get3A_1164 = arith.constant 480 : index
    %get3A_1165 = tpu.vector_load %arg4[%get3A_1163, %get3A_1164] {strides = array<i32>} : memref<8x512xf32, #tpu.memory_space<vmem>>, vector<16xf32>,
    %masked_sort3A_1166 = arith.constant dense<true> : vector<16xi1>
    %masked_sort3A_1167, %masked_sort3A_1168, %masked_sort3A_1169 = tpu.sort %get3A_1161, %get3A_1165 masked %masked_sort3A_1166 {descending = true} : (vector<16xf32>, vector<16xf32>, vector<16xi1>) -> (vector<16xi1>, vector<16xf32>, vector<16xf32>)
    %le3A_1170 = arith.cmpf ole, %masked_sort3A_1156, %masked_sort3A_1168 : vector<16xf32>
    %select_n3A_1171 = arith.select %le3A_1170, %masked_sort3A_1156, %masked_sort3A_1168 : vector<16xi1>, vector<16xf32>
    %select_n3A_1172 = arith.select %le3A_1170, %masked_sort3A_1157, %masked_sort3A_1169 : vector<16xi1>, vector<16xf32>
    %masked_sort3A_1173 = arith.constant dense<true> : vector<16xi1>
    %masked_sort3A_1174, %masked_sort3A_1175, %masked_sort3A_1176 = tpu.sort %select_n3A_1171, %select_n3A_1172 masked %masked_sort3A_1173 : (vector<16xf32>, vector<16xf32>, vector<16xi1>) -> (vector<16xi1>, vector<16xf32>, vector<16xf32>)
    %get3A_1177 = arith.constant 3 : i32
    %get3A_1178 = arith.index_cast %get3A_1177 : i32 to index
    %get3A_1179 = arith.constant 240 : index
    %get3A_1180 = tpu.vector_load %arg4[%get3A_1178, %get3A_1179] {strides = array<i32>} : memref<8x512xf32, #tpu.memory_space<vmem>>, vector<16xf32>,
    %get3A_1181 = arith.constant 3 : i32
    %get3A_1182 = arith.index_cast %get3A_1181 : i32 to index
    %get3A_1183 = arith.constant 496 : index
    %get3A_1184 = tpu.vector_load %arg4[%get3A_1182, %get3A_1183] {strides = array<i32>} : memref<8x512xf32, #tpu.memory_space<vmem>>, vector<16xf32>,
    %masked_sort3A_1185 = arith.constant dense<true> : vector<16xi1>
    %masked_sort3A_1186, %masked_sort3A_1187, %masked_sort3A_1188 = tpu.sort %get3A_1180, %get3A_1184 masked %masked_sort3A_1185 {descending = true} : (vector<16xf32>, vector<16xf32>, vector<16xi1>) -> (vector<16xi1>, vector<16xf32>, vector<16xf32>)
    %le3A_1189 = arith.cmpf ole, %masked_sort3A_1175, %masked_sort3A_1187 : vector<16xf32>
    %select_n3A_1190 = arith.select %le3A_1189, %masked_sort3A_1175, %masked_sort3A_1187 : vector<16xi1>, vector<16xf32>
    %select_n3A_1191 = arith.select %le3A_1189, %masked_sort3A_1176, %masked_sort3A_1188 : vector<16xi1>, vector<16xf32>
    %masked_sort3A_1192 = arith.constant dense<true> : vector<16xi1>
    %masked_sort3A_1193, %masked_sort3A_1194, %masked_sort3A_1195 = tpu.sort %select_n3A_1190, %select_n3A_1191 masked %masked_sort3A_1192 : (vector<16xf32>, vector<16xf32>, vector<16xi1>) -> (vector<16xi1>, vector<16xf32>, vector<16xf32>)
    %sub3A_1196 = arith.subf %masked_sort3A_1194, %masked_sort3A_1195 : vector<16xf32>
    %mul3A_1197 = arith.mulf %sub3A_1196, %sub3A_1196 : vector<16xf32>
    %add3A_1198 = arith.addf %add3A_898, %mul3A_1197 : vector<16xf32>
    %get3A_1199 = arith.constant 4 : i32
    %get3A_1200 = arith.index_cast %get3A_1199 : i32 to index
    %get3A_1201 = arith.constant 0 : index
    %get3A_1202 = tpu.vector_load %arg4[%get3A_1200, %get3A_1201] {strides = array<i32>} : memref<8x512xf32, #tpu.memory_space<vmem>>, vector<16xf32>,
    %get3A_1203 = arith.constant 4 : i32
    %get3A_1204 = arith.index_cast %get3A_1203 : i32 to index
    %get3A_1205 = arith.constant 256 : index
    %get3A_1206 = tpu.vector_load %arg4[%get3A_1204, %get3A_1205] {strides = array<i32>} : memref<8x512xf32, #tpu.memory_space<vmem>>, vector<16xf32>,
    %masked_sort3A_1207 = arith.constant dense<true> : vector<16xi1>
    %masked_sort3A_1208, %masked_sort3A_1209, %masked_sort3A_1210 = tpu.sort %get3A_1202, %get3A_1206 masked %masked_sort3A_1207 : (vector<16xf32>, vector<16xf32>, vector<16xi1>) -> (vector<16xi1>, vector<16xf32>, vector<16xf32>)
    %get3A_1211 = arith.constant 4 : i32
    %get3A_1212 = arith.index_cast %get3A_1211 : i32 to index
    %get3A_1213 = arith.constant 16 : index
    %get3A_1214 = tpu.vector_load %arg4[%get3A_1212, %get3A_1213] {strides = array<i32>} : memref<8x512xf32, #tpu.memory_space<vmem>>, vector<16xf32>,
    %get3A_1215 = arith.constant 4 : i32
    %get3A_1216 = arith.index_cast %get3A_1215 : i32 to index
    %get3A_1217 = arith.constant 272 : index
    %get3A_1218 = tpu.vector_load %arg4[%get3A_1216, %get3A_1217] {strides = array<i32>} : memref<8x512xf32, #tpu.memory_space<vmem>>, vector<16xf32>,
    %masked_sort3A_1219 = arith.constant dense<true> : vector<16xi1>
    %masked_sort3A_1220, %masked_sort3A_1221, %masked_sort3A_1222 = tpu.sort %get3A_1214, %get3A_1218 masked %masked_sort3A_1219 {descending = true} : (vector<16xf32>, vector<16xf32>, vector<16xi1>) -> (vector<16xi1>, vector<16xf32>, vector<16xf32>)
    %le3A_1223 = arith.cmpf ole, %masked_sort3A_1209, %masked_sort3A_1221 : vector<16xf32>
    %select_n3A_1224 = arith.select %le3A_1223, %masked_sort3A_1209, %masked_sort3A_1221 : vector<16xi1>, vector<16xf32>
    %select_n3A_1225 = arith.select %le3A_1223, %masked_sort3A_1210, %masked_sort3A_1222 : vector<16xi1>, vector<16xf32>
    %masked_sort3A_1226 = arith.constant dense<true> : vector<16xi1>
    %masked_sort3A_1227, %masked_sort3A_1228, %masked_sort3A_1229 = tpu.sort %select_n3A_1224, %select_n3A_1225 masked %masked_sort3A_1226 : (vector<16xf32>, vector<16xf32>, vector<16xi1>) -> (vector<16xi1>, vector<16xf32>, vector<16xf32>)
    %get3A_1230 = arith.constant 4 : i32
    %get3A_1231 = arith.index_cast %get3A_1230 : i32 to index
    %get3A_1232 = arith.constant 32 : index
    %get3A_1233 = tpu.vector_load %arg4[%get3A_1231, %get3A_1232] {strides = array<i32>} : memref<8x512xf32, #tpu.memory_space<vmem>>, vector<16xf32>,
    %get3A_1234 = arith.constant 4 : i32
    %get3A_1235 = arith.index_cast %get3A_1234 : i32 to index
    %get3A_1236 = arith.constant 288 : index
    %get3A_1237 = tpu.vector_load %arg4[%get3A_1235, %get3A_1236] {strides = array<i32>} : memref<8x512xf32, #tpu.memory_space<vmem>>, vector<16xf32>,
    %masked_sort3A_1238 = arith.constant dense<true> : vector<16xi1>
    %masked_sort3A_1239, %masked_sort3A_1240, %masked_sort3A_1241 = tpu.sort %get3A_1233, %get3A_1237 masked %masked_sort3A_1238 {descending = true} : (vector<16xf32>, vector<16xf32>, vector<16xi1>) -> (vector<16xi1>, vector<16xf32>, vector<16xf32>)
    %le3A_1242 = arith.cmpf ole, %masked_sort3A_1228, %masked_sort3A_1240 : vector<16xf32>
    %select_n3A_1243 = arith.select %le3A_1242, %masked_sort3A_1228, %masked_sort3A_1240 : vector<16xi1>, vector<16xf32>
    %select_n3A_1244 = arith.select %le3A_1242, %masked_sort3A_1229, %masked_sort3A_1241 : vector<16xi1>, vector<16xf32>
    %masked_sort3A_1245 = arith.constant dense<true> : vector<16xi1>
    %masked_sort3A_1246, %masked_sort3A_1247, %masked_sort3A_1248 = tpu.sort %select_n3A_1243, %select_n3A_1244 masked %masked_sort3A_1245 : (vector<16xf32>, vector<16xf32>, vector<16xi1>) -> (vector<16xi1>, vector<16xf32>, vector<16xf32>)
    %get3A_1249 = arith.constant 4 : i32
    %get3A_1250 = arith.index_cast %get3A_1249 : i32 to index
    %get3A_1251 = arith.constant 48 : index
    %get3A_1252 = tpu.vector_load %arg4[%get3A_1250, %get3A_1251] {strides = array<i32>} : memref<8x512xf32, #tpu.memory_space<vmem>>, vector<16xf32>,
    %get3A_1253 = arith.constant 4 : i32
    %get3A_1254 = arith.index_cast %get3A_1253 : i32 to index
    %get3A_1255 = arith.constant 304 : index
    %get3A_1256 = tpu.vector_load %arg4[%get3A_1254, %get3A_1255] {strides = array<i32>} : memref<8x512xf32, #tpu.memory_space<vmem>>, vector<16xf32>,
    %masked_sort3A_1257 = arith.constant dense<true> : vector<16xi1>
    %masked_sort3A_1258, %masked_sort3A_1259, %masked_sort3A_1260 = tpu.sort %get3A_1252, %get3A_1256 masked %masked_sort3A_1257 {descending = true} : (vector<16xf32>, vector<16xf32>, vector<16xi1>) -> (vector<16xi1>, vector<16xf32>, vector<16xf32>)
    %le3A_1261 = arith.cmpf ole, %masked_sort3A_1247, %masked_sort3A_1259 : vector<16xf32>
    %select_n3A_1262 = arith.select %le3A_1261, %masked_sort3A_1247, %masked_sort3A_1259 : vector<16xi1>, vector<16xf32>
    %select_n3A_1263 = arith.select %le3A_1261, %masked_sort3A_1248, %masked_sort3A_1260 : vector<16xi1>, vector<16xf32>
    %masked_sort3A_1264 = arith.constant dense<true> : vector<16xi1>
    %masked_sort3A_1265, %masked_sort3A_1266, %masked_sort3A_1267 = tpu.sort %select_n3A_1262, %select_n3A_1263 masked %masked_sort3A_1264 : (vector<16xf32>, vector<16xf32>, vector<16xi1>) -> (vector<16xi1>, vector<16xf32>, vector<16xf32>)
    %get3A_1268 = arith.constant 4 : i32
    %get3A_1269 = arith.index_cast %get3A_1268 : i32 to index
    %get3A_1270 = arith.constant 64 : index
    %get3A_1271 = tpu.vector_load %arg4[%get3A_1269, %get3A_1270] {strides = array<i32>} : memref<8x512xf32, #tpu.memory_space<vmem>>, vector<16xf32>,
    %get3A_1272 = arith.constant 4 : i32
    %get3A_1273 = arith.index_cast %get3A_1272 : i32 to index
    %get3A_1274 = arith.constant 320 : index
    %get3A_1275 = tpu.vector_load %arg4[%get3A_1273, %get3A_1274] {strides = array<i32>} : memref<8x512xf32, #tpu.memory_space<vmem>>, vector<16xf32>,
    %masked_sort3A_1276 = arith.constant dense<true> : vector<16xi1>
    %masked_sort3A_1277, %masked_sort3A_1278, %masked_sort3A_1279 = tpu.sort %get3A_1271, %get3A_1275 masked %masked_sort3A_1276 {descending = true} : (vector<16xf32>, vector<16xf32>, vector<16xi1>) -> (vector<16xi1>, vector<16xf32>, vector<16xf32>)
    %le3A_1280 = arith.cmpf ole, %masked_sort3A_1266, %masked_sort3A_1278 : vector<16xf32>
    %select_n3A_1281 = arith.select %le3A_1280, %masked_sort3A_1266, %masked_sort3A_1278 : vector<16xi1>, vector<16xf32>
    %select_n3A_1282 = arith.select %le3A_1280, %masked_sort3A_1267, %masked_sort3A_1279 : vector<16xi1>, vector<16xf32>
    %masked_sort3A_1283 = arith.constant dense<true> : vector<16xi1>
    %masked_sort3A_1284, %masked_sort3A_1285, %masked_sort3A_1286 = tpu.sort %select_n3A_1281, %select_n3A_1282 masked %masked_sort3A_1283 : (vector<16xf32>, vector<16xf32>, vector<16xi1>) -> (vector<16xi1>, vector<16xf32>, vector<16xf32>)
    %get3A_1287 = arith.constant 4 : i32
    %get3A_1288 = arith.index_cast %get3A_1287 : i32 to index
    %get3A_1289 = arith.constant 80 : index
    %get3A_1290 = tpu.vector_load %arg4[%get3A_1288, %get3A_1289] {strides = array<i32>} : memref<8x512xf32, #tpu.memory_space<vmem>>, vector<16xf32>,
    %get3A_1291 = arith.constant 4 : i32
    %get3A_1292 = arith.index_cast %get3A_1291 : i32 to index
    %get3A_1293 = arith.constant 336 : index
    %get3A_1294 = tpu.vector_load %arg4[%get3A_1292, %get3A_1293] {strides = array<i32>} : memref<8x512xf32, #tpu.memory_space<vmem>>, vector<16xf32>,
    %masked_sort3A_1295 = arith.constant dense<true> : vector<16xi1>
    %masked_sort3A_1296, %masked_sort3A_1297, %masked_sort3A_1298 = tpu.sort %get3A_1290, %get3A_1294 masked %masked_sort3A_1295 {descending = true} : (vector<16xf32>, vector<16xf32>, vector<16xi1>) -> (vector<16xi1>, vector<16xf32>, vector<16xf32>)
    %le3A_1299 = arith.cmpf ole, %masked_sort3A_1285, %masked_sort3A_1297 : vector<16xf32>
    %select_n3A_1300 = arith.select %le3A_1299, %masked_sort3A_1285, %masked_sort3A_1297 : vector<16xi1>, vector<16xf32>
    %select_n3A_1301 = arith.select %le3A_1299, %masked_sort3A_1286, %masked_sort3A_1298 : vector<16xi1>, vector<16xf32>
    %masked_sort3A_1302 = arith.constant dense<true> : vector<16xi1>
    %masked_sort3A_1303, %masked_sort3A_1304, %masked_sort3A_1305 = tpu.sort %select_n3A_1300, %select_n3A_1301 masked %masked_sort3A_1302 : (vector<16xf32>, vector<16xf32>, vector<16xi1>) -> (vector<16xi1>, vector<16xf32>, vector<16xf32>)
    %get3A_1306 = arith.constant 4 : i32
    %get3A_1307 = arith.index_cast %get3A_1306 : i32 to index
    %get3A_1308 = arith.constant 96 : index
    %get3A_1309 = tpu.vector_load %arg4[%get3A_1307, %get3A_1308] {strides = array<i32>} : memref<8x512xf32, #tpu.memory_space<vmem>>, vector<16xf32>,
    %get3A_1310 = arith.constant 4 : i32
    %get3A_1311 = arith.index_cast %get3A_1310 : i32 to index
    %get3A_1312 = arith.constant 352 : index
    %get3A_1313 = tpu.vector_load %arg4[%get3A_1311, %get3A_1312] {strides = array<i32>} : memref<8x512xf32, #tpu.memory_space<vmem>>, vector<16xf32>,
    %masked_sort3A_1314 = arith.constant dense<true> : vector<16xi1>
    %masked_sort3A_1315, %masked_sort3A_1316, %masked_sort3A_1317 = tpu.sort %get3A_1309, %get3A_1313 masked %masked_sort3A_1314 {descending = true} : (vector<16xf32>, vector<16xf32>, vector<16xi1>) -> (vector<16xi1>, vector<16xf32>, vector<16xf32>)
    %le3A_1318 = arith.cmpf ole, %masked_sort3A_1304, %masked_sort3A_1316 : vector<16xf32>
    %select_n3A_1319 = arith.select %le3A_1318, %masked_sort3A_1304, %masked_sort3A_1316 : vector<16xi1>, vector<16xf32>
    %select_n3A_1320 = arith.select %le3A_1318, %masked_sort3A_1305, %masked_sort3A_1317 : vector<16xi1>, vector<16xf32>
    %masked_sort3A_1321 = arith.constant dense<true> : vector<16xi1>
    %masked_sort3A_1322, %masked_sort3A_1323, %masked_sort3A_1324 = tpu.sort %select_n3A_1319, %select_n3A_1320 masked %masked_sort3A_1321 : (vector<16xf32>, vector<16xf32>, vector<16xi1>) -> (vector<16xi1>, vector<16xf32>, vector<16xf32>)
    %get3A_1325 = arith.constant 4 : i32
    %get3A_1326 = arith.index_cast %get3A_1325 : i32 to index
    %get3A_1327 = arith.constant 112 : index
    %get3A_1328 = tpu.vector_load %arg4[%get3A_1326, %get3A_1327] {strides = array<i32>} : memref<8x512xf32, #tpu.memory_space<vmem>>, vector<16xf32>,
    %get3A_1329 = arith.constant 4 : i32
    %get3A_1330 = arith.index_cast %get3A_1329 : i32 to index
    %get3A_1331 = arith.constant 368 : index
    %get3A_1332 = tpu.vector_load %arg4[%get3A_1330, %get3A_1331] {strides = array<i32>} : memref<8x512xf32, #tpu.memory_space<vmem>>, vector<16xf32>,
    %masked_sort3A_1333 = arith.constant dense<true> : vector<16xi1>
    %masked_sort3A_1334, %masked_sort3A_1335, %masked_sort3A_1336 = tpu.sort %get3A_1328, %get3A_1332 masked %masked_sort3A_1333 {descending = true} : (vector<16xf32>, vector<16xf32>, vector<16xi1>) -> (vector<16xi1>, vector<16xf32>, vector<16xf32>)
    %le3A_1337 = arith.cmpf ole, %masked_sort3A_1323, %masked_sort3A_1335 : vector<16xf32>
    %select_n3A_1338 = arith.select %le3A_1337, %masked_sort3A_1323, %masked_sort3A_1335 : vector<16xi1>, vector<16xf32>
    %select_n3A_1339 = arith.select %le3A_1337, %masked_sort3A_1324, %masked_sort3A_1336 : vector<16xi1>, vector<16xf32>
    %masked_sort3A_1340 = arith.constant dense<true> : vector<16xi1>
    %masked_sort3A_1341, %masked_sort3A_1342, %masked_sort3A_1343 = tpu.sort %select_n3A_1338, %select_n3A_1339 masked %masked_sort3A_1340 : (vector<16xf32>, vector<16xf32>, vector<16xi1>) -> (vector<16xi1>, vector<16xf32>, vector<16xf32>)
    %get3A_1344 = arith.constant 4 : i32
    %get3A_1345 = arith.index_cast %get3A_1344 : i32 to index
    %get3A_1346 = arith.constant 128 : index
    %get3A_1347 = tpu.vector_load %arg4[%get3A_1345, %get3A_1346] {strides = array<i32>} : memref<8x512xf32, #tpu.memory_space<vmem>>, vector<16xf32>,
    %get3A_1348 = arith.constant 4 : i32
    %get3A_1349 = arith.index_cast %get3A_1348 : i32 to index
    %get3A_1350 = arith.constant 384 : index
    %get3A_1351 = tpu.vector_load %arg4[%get3A_1349, %get3A_1350] {strides = array<i32>} : memref<8x512xf32, #tpu.memory_space<vmem>>, vector<16xf32>,
    %masked_sort3A_1352 = arith.constant dense<true> : vector<16xi1>
    %masked_sort3A_1353, %masked_sort3A_1354, %masked_sort3A_1355 = tpu.sort %get3A_1347, %get3A_1351 masked %masked_sort3A_1352 {descending = true} : (vector<16xf32>, vector<16xf32>, vector<16xi1>) -> (vector<16xi1>, vector<16xf32>, vector<16xf32>)
    %le3A_1356 = arith.cmpf ole, %masked_sort3A_1342, %masked_sort3A_1354 : vector<16xf32>
    %select_n3A_1357 = arith.select %le3A_1356, %masked_sort3A_1342, %masked_sort3A_1354 : vector<16xi1>, vector<16xf32>
    %select_n3A_1358 = arith.select %le3A_1356, %masked_sort3A_1343, %masked_sort3A_1355 : vector<16xi1>, vector<16xf32>
    %masked_sort3A_1359 = arith.constant dense<true> : vector<16xi1>
    %masked_sort3A_1360, %masked_sort3A_1361, %masked_sort3A_1362 = tpu.sort %select_n3A_1357, %select_n3A_1358 masked %masked_sort3A_1359 : (vector<16xf32>, vector<16xf32>, vector<16xi1>) -> (vector<16xi1>, vector<16xf32>, vector<16xf32>)
    %get3A_1363 = arith.constant 4 : i32
    %get3A_1364 = arith.index_cast %get3A_1363 : i32 to index
    %get3A_1365 = arith.constant 144 : index
    %get3A_1366 = tpu.vector_load %arg4[%get3A_1364, %get3A_1365] {strides = array<i32>} : memref<8x512xf32, #tpu.memory_space<vmem>>, vector<16xf32>,
    %get3A_1367 = arith.constant 4 : i32
    %get3A_1368 = arith.index_cast %get3A_1367 : i32 to index
    %get3A_1369 = arith.constant 400 : index
    %get3A_1370 = tpu.vector_load %arg4[%get3A_1368, %get3A_1369] {strides = array<i32>} : memref<8x512xf32, #tpu.memory_space<vmem>>, vector<16xf32>,
    %masked_sort3A_1371 = arith.constant dense<true> : vector<16xi1>
    %masked_sort3A_1372, %masked_sort3A_1373, %masked_sort3A_1374 = tpu.sort %get3A_1366, %get3A_1370 masked %masked_sort3A_1371 {descending = true} : (vector<16xf32>, vector<16xf32>, vector<16xi1>) -> (vector<16xi1>, vector<16xf32>, vector<16xf32>)
    %le3A_1375 = arith.cmpf ole, %masked_sort3A_1361, %masked_sort3A_1373 : vector<16xf32>
    %select_n3A_1376 = arith.select %le3A_1375, %masked_sort3A_1361, %masked_sort3A_1373 : vector<16xi1>, vector<16xf32>
    %select_n3A_1377 = arith.select %le3A_1375, %masked_sort3A_1362, %masked_sort3A_1374 : vector<16xi1>, vector<16xf32>
    %masked_sort3A_1378 = arith.constant dense<true> : vector<16xi1>
    %masked_sort3A_1379, %masked_sort3A_1380, %masked_sort3A_1381 = tpu.sort %select_n3A_1376, %select_n3A_1377 masked %masked_sort3A_1378 : (vector<16xf32>, vector<16xf32>, vector<16xi1>) -> (vector<16xi1>, vector<16xf32>, vector<16xf32>)
    %get3A_1382 = arith.constant 4 : i32
    %get3A_1383 = arith.index_cast %get3A_1382 : i32 to index
    %get3A_1384 = arith.constant 160 : index
    %get3A_1385 = tpu.vector_load %arg4[%get3A_1383, %get3A_1384] {strides = array<i32>} : memref<8x512xf32, #tpu.memory_space<vmem>>, vector<16xf32>,
    %get3A_1386 = arith.constant 4 : i32
    %get3A_1387 = arith.index_cast %get3A_1386 : i32 to index
    %get3A_1388 = arith.constant 416 : index
    %get3A_1389 = tpu.vector_load %arg4[%get3A_1387, %get3A_1388] {strides = array<i32>} : memref<8x512xf32, #tpu.memory_space<vmem>>, vector<16xf32>,
    %masked_sort3A_1390 = arith.constant dense<true> : vector<16xi1>
    %masked_sort3A_1391, %masked_sort3A_1392, %masked_sort3A_1393 = tpu.sort %get3A_1385, %get3A_1389 masked %masked_sort3A_1390 {descending = true} : (vector<16xf32>, vector<16xf32>, vector<16xi1>) -> (vector<16xi1>, vector<16xf32>, vector<16xf32>)
    %le3A_1394 = arith.cmpf ole, %masked_sort3A_1380, %masked_sort3A_1392 : vector<16xf32>
    %select_n3A_1395 = arith.select %le3A_1394, %masked_sort3A_1380, %masked_sort3A_1392 : vector<16xi1>, vector<16xf32>
    %select_n3A_1396 = arith.select %le3A_1394, %masked_sort3A_1381, %masked_sort3A_1393 : vector<16xi1>, vector<16xf32>
    %masked_sort3A_1397 = arith.constant dense<true> : vector<16xi1>
    %masked_sort3A_1398, %masked_sort3A_1399, %masked_sort3A_1400 = tpu.sort %select_n3A_1395, %select_n3A_1396 masked %masked_sort3A_1397 : (vector<16xf32>, vector<16xf32>, vector<16xi1>) -> (vector<16xi1>, vector<16xf32>, vector<16xf32>)
    %get3A_1401 = arith.constant 4 : i32
    %get3A_1402 = arith.index_cast %get3A_1401 : i32 to index
    %get3A_1403 = arith.constant 176 : index
    %get3A_1404 = tpu.vector_load %arg4[%get3A_1402, %get3A_1403] {strides = array<i32>} : memref<8x512xf32, #tpu.memory_space<vmem>>, vector<16xf32>,
    %get3A_1405 = arith.constant 4 : i32
    %get3A_1406 = arith.index_cast %get3A_1405 : i32 to index
    %get3A_1407 = arith.constant 432 : index
    %get3A_1408 = tpu.vector_load %arg4[%get3A_1406, %get3A_1407] {strides = array<i32>} : memref<8x512xf32, #tpu.memory_space<vmem>>, vector<16xf32>,
    %masked_sort3A_1409 = arith.constant dense<true> : vector<16xi1>
    %masked_sort3A_1410, %masked_sort3A_1411, %masked_sort3A_1412 = tpu.sort %get3A_1404, %get3A_1408 masked %masked_sort3A_1409 {descending = true} : (vector<16xf32>, vector<16xf32>, vector<16xi1>) -> (vector<16xi1>, vector<16xf32>, vector<16xf32>)
    %le3A_1413 = arith.cmpf ole, %masked_sort3A_1399, %masked_sort3A_1411 : vector<16xf32>
    %select_n3A_1414 = arith.select %le3A_1413, %masked_sort3A_1399, %masked_sort3A_1411 : vector<16xi1>, vector<16xf32>
    %select_n3A_1415 = arith.select %le3A_1413, %masked_sort3A_1400, %masked_sort3A_1412 : vector<16xi1>, vector<16xf32>
    %masked_sort3A_1416 = arith.constant dense<true> : vector<16xi1>
    %masked_sort3A_1417, %masked_sort3A_1418, %masked_sort3A_1419 = tpu.sort %select_n3A_1414, %select_n3A_1415 masked %masked_sort3A_1416 : (vector<16xf32>, vector<16xf32>, vector<16xi1>) -> (vector<16xi1>, vector<16xf32>, vector<16xf32>)
    %get3A_1420 = arith.constant 4 : i32
    %get3A_1421 = arith.index_cast %get3A_1420 : i32 to index
    %get3A_1422 = arith.constant 192 : index
    %get3A_1423 = tpu.vector_load %arg4[%get3A_1421, %get3A_1422] {strides = array<i32>} : memref<8x512xf32, #tpu.memory_space<vmem>>, vector<16xf32>,
    %get3A_1424 = arith.constant 4 : i32
    %get3A_1425 = arith.index_cast %get3A_1424 : i32 to index
    %get3A_1426 = arith.constant 448 : index
    %get3A_1427 = tpu.vector_load %arg4[%get3A_1425, %get3A_1426] {strides = array<i32>} : memref<8x512xf32, #tpu.memory_space<vmem>>, vector<16xf32>,
    %masked_sort3A_1428 = arith.constant dense<true> : vector<16xi1>
    %masked_sort3A_1429, %masked_sort3A_1430, %masked_sort3A_1431 = tpu.sort %get3A_1423, %get3A_1427 masked %masked_sort3A_1428 {descending = true} : (vector<16xf32>, vector<16xf32>, vector<16xi1>) -> (vector<16xi1>, vector<16xf32>, vector<16xf32>)
    %le3A_1432 = arith.cmpf ole, %masked_sort3A_1418, %masked_sort3A_1430 : vector<16xf32>
    %select_n3A_1433 = arith.select %le3A_1432, %masked_sort3A_1418, %masked_sort3A_1430 : vector<16xi1>, vector<16xf32>
    %select_n3A_1434 = arith.select %le3A_1432, %masked_sort3A_1419, %masked_sort3A_1431 : vector<16xi1>, vector<16xf32>
    %masked_sort3A_1435 = arith.constant dense<true> : vector<16xi1>
    %masked_sort3A_1436, %masked_sort3A_1437, %masked_sort3A_1438 = tpu.sort %select_n3A_1433, %select_n3A_1434 masked %masked_sort3A_1435 : (vector<16xf32>, vector<16xf32>, vector<16xi1>) -> (vector<16xi1>, vector<16xf32>, vector<16xf32>)
    %get3A_1439 = arith.constant 4 : i32
    %get3A_1440 = arith.index_cast %get3A_1439 : i32 to index
    %get3A_1441 = arith.constant 208 : index
    %get3A_1442 = tpu.vector_load %arg4[%get3A_1440, %get3A_1441] {strides = array<i32>} : memref<8x512xf32, #tpu.memory_space<vmem>>, vector<16xf32>,
    %get3A_1443 = arith.constant 4 : i32
    %get3A_1444 = arith.index_cast %get3A_1443 : i32 to index
    %get3A_1445 = arith.constant 464 : index
    %get3A_1446 = tpu.vector_load %arg4[%get3A_1444, %get3A_1445] {strides = array<i32>} : memref<8x512xf32, #tpu.memory_space<vmem>>, vector<16xf32>,
    %masked_sort3A_1447 = arith.constant dense<true> : vector<16xi1>
    %masked_sort3A_1448, %masked_sort3A_1449, %masked_sort3A_1450 = tpu.sort %get3A_1442, %get3A_1446 masked %masked_sort3A_1447 {descending = true} : (vector<16xf32>, vector<16xf32>, vector<16xi1>) -> (vector<16xi1>, vector<16xf32>, vector<16xf32>)
    %le3A_1451 = arith.cmpf ole, %masked_sort3A_1437, %masked_sort3A_1449 : vector<16xf32>
    %select_n3A_1452 = arith.select %le3A_1451, %masked_sort3A_1437, %masked_sort3A_1449 : vector<16xi1>, vector<16xf32>
    %select_n3A_1453 = arith.select %le3A_1451, %masked_sort3A_1438, %masked_sort3A_1450 : vector<16xi1>, vector<16xf32>
    %masked_sort3A_1454 = arith.constant dense<true> : vector<16xi1>
    %masked_sort3A_1455, %masked_sort3A_1456, %masked_sort3A_1457 = tpu.sort %select_n3A_1452, %select_n3A_1453 masked %masked_sort3A_1454 : (vector<16xf32>, vector<16xf32>, vector<16xi1>) -> (vector<16xi1>, vector<16xf32>, vector<16xf32>)
    %get3A_1458 = arith.constant 4 : i32
    %get3A_1459 = arith.index_cast %get3A_1458 : i32 to index
    %get3A_1460 = arith.constant 224 : index
    %get3A_1461 = tpu.vector_load %arg4[%get3A_1459, %get3A_1460] {strides = array<i32>} : memref<8x512xf32, #tpu.memory_space<vmem>>, vector<16xf32>,
    %get3A_1462 = arith.constant 4 : i32
    %get3A_1463 = arith.index_cast %get3A_1462 : i32 to index
    %get3A_1464 = arith.constant 480 : index
    %get3A_1465 = tpu.vector_load %arg4[%get3A_1463, %get3A_1464] {strides = array<i32>} : memref<8x512xf32, #tpu.memory_space<vmem>>, vector<16xf32>,
    %masked_sort3A_1466 = arith.constant dense<true> : vector<16xi1>
    %masked_sort3A_1467, %masked_sort3A_1468, %masked_sort3A_1469 = tpu.sort %get3A_1461, %get3A_1465 masked %masked_sort3A_1466 {descending = true} : (vector<16xf32>, vector<16xf32>, vector<16xi1>) -> (vector<16xi1>, vector<16xf32>, vector<16xf32>)
    %le3A_1470 = arith.cmpf ole, %masked_sort3A_1456, %masked_sort3A_1468 : vector<16xf32>
    %select_n3A_1471 = arith.select %le3A_1470, %masked_sort3A_1456, %masked_sort3A_1468 : vector<16xi1>, vector<16xf32>
    %select_n3A_1472 = arith.select %le3A_1470, %masked_sort3A_1457, %masked_sort3A_1469 : vector<16xi1>, vector<16xf32>
    %masked_sort3A_1473 = arith.constant dense<true> : vector<16xi1>
    %masked_sort3A_1474, %masked_sort3A_1475, %masked_sort3A_1476 = tpu.sort %select_n3A_1471, %select_n3A_1472 masked %masked_sort3A_1473 : (vector<16xf32>, vector<16xf32>, vector<16xi1>) -> (vector<16xi1>, vector<16xf32>, vector<16xf32>)
    %get3A_1477 = arith.constant 4 : i32
    %get3A_1478 = arith.index_cast %get3A_1477 : i32 to index
    %get3A_1479 = arith.constant 240 : index
    %get3A_1480 = tpu.vector_load %arg4[%get3A_1478, %get3A_1479] {strides = array<i32>} : memref<8x512xf32, #tpu.memory_space<vmem>>, vector<16xf32>,
    %get3A_1481 = arith.constant 4 : i32
    %get3A_1482 = arith.index_cast %get3A_1481 : i32 to index
    %get3A_1483 = arith.constant 496 : index
    %get3A_1484 = tpu.vector_load %arg4[%get3A_1482, %get3A_1483] {strides = array<i32>} : memref<8x512xf32, #tpu.memory_space<vmem>>, vector<16xf32>,
    %masked_sort3A_1485 = arith.constant dense<true> : vector<16xi1>
    %masked_sort3A_1486, %masked_sort3A_1487, %masked_sort3A_1488 = tpu.sort %get3A_1480, %get3A_1484 masked %masked_sort3A_1485 {descending = true} : (vector<16xf32>, vector<16xf32>, vector<16xi1>) -> (vector<16xi1>, vector<16xf32>, vector<16xf32>)
    %le3A_1489 = arith.cmpf ole, %masked_sort3A_1475, %masked_sort3A_1487 : vector<16xf32>
    %select_n3A_1490 = arith.select %le3A_1489, %masked_sort3A_1475, %masked_sort3A_1487 : vector<16xi1>, vector<16xf32>
    %select_n3A_1491 = arith.select %le3A_1489, %masked_sort3A_1476, %masked_sort3A_1488 : vector<16xi1>, vector<16xf32>
    %masked_sort3A_1492 = arith.constant dense<true> : vector<16xi1>
    %masked_sort3A_1493, %masked_sort3A_1494, %masked_sort3A_1495 = tpu.sort %select_n3A_1490, %select_n3A_1491 masked %masked_sort3A_1492 : (vector<16xf32>, vector<16xf32>, vector<16xi1>) -> (vector<16xi1>, vector<16xf32>, vector<16xf32>)
    %sub3A_1496 = arith.subf %masked_sort3A_1494, %masked_sort3A_1495 : vector<16xf32>
    %mul3A_1497 = arith.mulf %sub3A_1496, %sub3A_1496 : vector<16xf32>
    %add3A_1498 = arith.addf %add3A_1198, %mul3A_1497 : vector<16xf32>
    %get3A_1499 = arith.constant 5 : i32
    %get3A_1500 = arith.index_cast %get3A_1499 : i32 to index
    %get3A_1501 = arith.constant 0 : index
    %get3A_1502 = tpu.vector_load %arg4[%get3A_1500, %get3A_1501] {strides = array<i32>} : memref<8x512xf32, #tpu.memory_space<vmem>>, vector<16xf32>,
    %get3A_1503 = arith.constant 5 : i32
    %get3A_1504 = arith.index_cast %get3A_1503 : i32 to index
    %get3A_1505 = arith.constant 256 : index
    %get3A_1506 = tpu.vector_load %arg4[%get3A_1504, %get3A_1505] {strides = array<i32>} : memref<8x512xf32, #tpu.memory_space<vmem>>, vector<16xf32>,
    %masked_sort3A_1507 = arith.constant dense<true> : vector<16xi1>
    %masked_sort3A_1508, %masked_sort3A_1509, %masked_sort3A_1510 = tpu.sort %get3A_1502, %get3A_1506 masked %masked_sort3A_1507 : (vector<16xf32>, vector<16xf32>, vector<16xi1>) -> (vector<16xi1>, vector<16xf32>, vector<16xf32>)
    %get3A_1511 = arith.constant 5 : i32
    %get3A_1512 = arith.index_cast %get3A_1511 : i32 to index
    %get3A_1513 = arith.constant 16 : index
    %get3A_1514 = tpu.vector_load %arg4[%get3A_1512, %get3A_1513] {strides = array<i32>} : memref<8x512xf32, #tpu.memory_space<vmem>>, vector<16xf32>,
    %get3A_1515 = arith.constant 5 : i32
    %get3A_1516 = arith.index_cast %get3A_1515 : i32 to index
    %get3A_1517 = arith.constant 272 : index
    %get3A_1518 = tpu.vector_load %arg4[%get3A_1516, %get3A_1517] {strides = array<i32>} : memref<8x512xf32, #tpu.memory_space<vmem>>, vector<16xf32>,
    %masked_sort3A_1519 = arith.constant dense<true> : vector<16xi1>
    %masked_sort3A_1520, %masked_sort3A_1521, %masked_sort3A_1522 = tpu.sort %get3A_1514, %get3A_1518 masked %masked_sort3A_1519 {descending = true} : (vector<16xf32>, vector<16xf32>, vector<16xi1>) -> (vector<16xi1>, vector<16xf32>, vector<16xf32>)
    %le3A_1523 = arith.cmpf ole, %masked_sort3A_1509, %masked_sort3A_1521 : vector<16xf32>
    %select_n3A_1524 = arith.select %le3A_1523, %masked_sort3A_1509, %masked_sort3A_1521 : vector<16xi1>, vector<16xf32>
    %select_n3A_1525 = arith.select %le3A_1523, %masked_sort3A_1510, %masked_sort3A_1522 : vector<16xi1>, vector<16xf32>
    %masked_sort3A_1526 = arith.constant dense<true> : vector<16xi1>
    %masked_sort3A_1527, %masked_sort3A_1528, %masked_sort3A_1529 = tpu.sort %select_n3A_1524, %select_n3A_1525 masked %masked_sort3A_1526 : (vector<16xf32>, vector<16xf32>, vector<16xi1>) -> (vector<16xi1>, vector<16xf32>, vector<16xf32>)
    %get3A_1530 = arith.constant 5 : i32
    %get3A_1531 = arith.index_cast %get3A_1530 : i32 to index
    %get3A_1532 = arith.constant 32 : index
    %get3A_1533 = tpu.vector_load %arg4[%get3A_1531, %get3A_1532] {strides = array<i32>} : memref<8x512xf32, #tpu.memory_space<vmem>>, vector<16xf32>,
    %get3A_1534 = arith.constant 5 : i32
    %get3A_1535 = arith.index_cast %get3A_1534 : i32 to index
    %get3A_1536 = arith.constant 288 : index
    %get3A_1537 = tpu.vector_load %arg4[%get3A_1535, %get3A_1536] {strides = array<i32>} : memref<8x512xf32, #tpu.memory_space<vmem>>, vector<16xf32>,
    %masked_sort3A_1538 = arith.constant dense<true> : vector<16xi1>
    %masked_sort3A_1539, %masked_sort3A_1540, %masked_sort3A_1541 = tpu.sort %get3A_1533, %get3A_1537 masked %masked_sort3A_1538 {descending = true} : (vector<16xf32>, vector<16xf32>, vector<16xi1>) -> (vector<16xi1>, vector<16xf32>, vector<16xf32>)
    %le3A_1542 = arith.cmpf ole, %masked_sort3A_1528, %masked_sort3A_1540 : vector<16xf32>
    %select_n3A_1543 = arith.select %le3A_1542, %masked_sort3A_1528, %masked_sort3A_1540 : vector<16xi1>, vector<16xf32>
    %select_n3A_1544 = arith.select %le3A_1542, %masked_sort3A_1529, %masked_sort3A_1541 : vector<16xi1>, vector<16xf32>
    %masked_sort3A_1545 = arith.constant dense<true> : vector<16xi1>
    %masked_sort3A_1546, %masked_sort3A_1547, %masked_sort3A_1548 = tpu.sort %select_n3A_1543, %select_n3A_1544 masked %masked_sort3A_1545 : (vector<16xf32>, vector<16xf32>, vector<16xi1>) -> (vector<16xi1>, vector<16xf32>, vector<16xf32>)
    %get3A_1549 = arith.constant 5 : i32
    %get3A_1550 = arith.index_cast %get3A_1549 : i32 to index
    %get3A_1551 = arith.constant 48 : index
    %get3A_1552 = tpu.vector_load %arg4[%get3A_1550, %get3A_1551] {strides = array<i32>} : memref<8x512xf32, #tpu.memory_space<vmem>>, vector<16xf32>,
    %get3A_1553 = arith.constant 5 : i32
    %get3A_1554 = arith.index_cast %get3A_1553 : i32 to index
    %get3A_1555 = arith.constant 304 : index
    %get3A_1556 = tpu.vector_load %arg4[%get3A_1554, %get3A_1555] {strides = array<i32>} : memref<8x512xf32, #tpu.memory_space<vmem>>, vector<16xf32>,
    %masked_sort3A_1557 = arith.constant dense<true> : vector<16xi1>
    %masked_sort3A_1558, %masked_sort3A_1559, %masked_sort3A_1560 = tpu.sort %get3A_1552, %get3A_1556 masked %masked_sort3A_1557 {descending = true} : (vector<16xf32>, vector<16xf32>, vector<16xi1>) -> (vector<16xi1>, vector<16xf32>, vector<16xf32>)
    %le3A_1561 = arith.cmpf ole, %masked_sort3A_1547, %masked_sort3A_1559 : vector<16xf32>
    %select_n3A_1562 = arith.select %le3A_1561, %masked_sort3A_1547, %masked_sort3A_1559 : vector<16xi1>, vector<16xf32>
    %select_n3A_1563 = arith.select %le3A_1561, %masked_sort3A_1548, %masked_sort3A_1560 : vector<16xi1>, vector<16xf32>
    %masked_sort3A_1564 = arith.constant dense<true> : vector<16xi1>
    %masked_sort3A_1565, %masked_sort3A_1566, %masked_sort3A_1567 = tpu.sort %select_n3A_1562, %select_n3A_1563 masked %masked_sort3A_1564 : (vector<16xf32>, vector<16xf32>, vector<16xi1>) -> (vector<16xi1>, vector<16xf32>, vector<16xf32>)
    %get3A_1568 = arith.constant 5 : i32
    %get3A_1569 = arith.index_cast %get3A_1568 : i32 to index
    %get3A_1570 = arith.constant 64 : index
    %get3A_1571 = tpu.vector_load %arg4[%get3A_1569, %get3A_1570] {strides = array<i32>} : memref<8x512xf32, #tpu.memory_space<vmem>>, vector<16xf32>,
    %get3A_1572 = arith.constant 5 : i32
    %get3A_1573 = arith.index_cast %get3A_1572 : i32 to index
    %get3A_1574 = arith.constant 320 : index
    %get3A_1575 = tpu.vector_load %arg4[%get3A_1573, %get3A_1574] {strides = array<i32>} : memref<8x512xf32, #tpu.memory_space<vmem>>, vector<16xf32>,
    %masked_sort3A_1576 = arith.constant dense<true> : vector<16xi1>
    %masked_sort3A_1577, %masked_sort3A_1578, %masked_sort3A_1579 = tpu.sort %get3A_1571, %get3A_1575 masked %masked_sort3A_1576 {descending = true} : (vector<16xf32>, vector<16xf32>, vector<16xi1>) -> (vector<16xi1>, vector<16xf32>, vector<16xf32>)
    %le3A_1580 = arith.cmpf ole, %masked_sort3A_1566, %masked_sort3A_1578 : vector<16xf32>
    %select_n3A_1581 = arith.select %le3A_1580, %masked_sort3A_1566, %masked_sort3A_1578 : vector<16xi1>, vector<16xf32>
    %select_n3A_1582 = arith.select %le3A_1580, %masked_sort3A_1567, %masked_sort3A_1579 : vector<16xi1>, vector<16xf32>
    %masked_sort3A_1583 = arith.constant dense<true> : vector<16xi1>
    %masked_sort3A_1584, %masked_sort3A_1585, %masked_sort3A_1586 = tpu.sort %select_n3A_1581, %select_n3A_1582 masked %masked_sort3A_1583 : (vector<16xf32>, vector<16xf32>, vector<16xi1>) -> (vector<16xi1>, vector<16xf32>, vector<16xf32>)
    %get3A_1587 = arith.constant 5 : i32
    %get3A_1588 = arith.index_cast %get3A_1587 : i32 to index
    %get3A_1589 = arith.constant 80 : index
    %get3A_1590 = tpu.vector_load %arg4[%get3A_1588, %get3A_1589] {strides = array<i32>} : memref<8x512xf32, #tpu.memory_space<vmem>>, vector<16xf32>,
    %get3A_1591 = arith.constant 5 : i32
    %get3A_1592 = arith.index_cast %get3A_1591 : i32 to index
    %get3A_1593 = arith.constant 336 : index
    %get3A_1594 = tpu.vector_load %arg4[%get3A_1592, %get3A_1593] {strides = array<i32>} : memref<8x512xf32, #tpu.memory_space<vmem>>, vector<16xf32>,
    %masked_sort3A_1595 = arith.constant dense<true> : vector<16xi1>
    %masked_sort3A_1596, %masked_sort3A_1597, %masked_sort3A_1598 = tpu.sort %get3A_1590, %get3A_1594 masked %masked_sort3A_1595 {descending = true} : (vector<16xf32>, vector<16xf32>, vector<16xi1>) -> (vector<16xi1>, vector<16xf32>, vector<16xf32>)
    %le3A_1599 = arith.cmpf ole, %masked_sort3A_1585, %masked_sort3A_1597 : vector<16xf32>
    %select_n3A_1600 = arith.select %le3A_1599, %masked_sort3A_1585, %masked_sort3A_1597 : vector<16xi1>, vector<16xf32>
    %select_n3A_1601 = arith.select %le3A_1599, %masked_sort3A_1586, %masked_sort3A_1598 : vector<16xi1>, vector<16xf32>
    %masked_sort3A_1602 = arith.constant dense<true> : vector<16xi1>
    %masked_sort3A_1603, %masked_sort3A_1604, %masked_sort3A_1605 = tpu.sort %select_n3A_1600, %select_n3A_1601 masked %masked_sort3A_1602 : (vector<16xf32>, vector<16xf32>, vector<16xi1>) -> (vector<16xi1>, vector<16xf32>, vector<16xf32>)
    %get3A_1606 = arith.constant 5 : i32
    %get3A_1607 = arith.index_cast %get3A_1606 : i32 to index
    %get3A_1608 = arith.constant 96 : index
    %get3A_1609 = tpu.vector_load %arg4[%get3A_1607, %get3A_1608] {strides = array<i32>} : memref<8x512xf32, #tpu.memory_space<vmem>>, vector<16xf32>,
    %get3A_1610 = arith.constant 5 : i32
    %get3A_1611 = arith.index_cast %get3A_1610 : i32 to index
    %get3A_1612 = arith.constant 352 : index
    %get3A_1613 = tpu.vector_load %arg4[%get3A_1611, %get3A_1612] {strides = array<i32>} : memref<8x512xf32, #tpu.memory_space<vmem>>, vector<16xf32>,
    %masked_sort3A_1614 = arith.constant dense<true> : vector<16xi1>
    %masked_sort3A_1615, %masked_sort3A_1616, %masked_sort3A_1617 = tpu.sort %get3A_1609, %get3A_1613 masked %masked_sort3A_1614 {descending = true} : (vector<16xf32>, vector<16xf32>, vector<16xi1>) -> (vector<16xi1>, vector<16xf32>, vector<16xf32>)
    %le3A_1618 = arith.cmpf ole, %masked_sort3A_1604, %masked_sort3A_1616 : vector<16xf32>
    %select_n3A_1619 = arith.select %le3A_1618, %masked_sort3A_1604, %masked_sort3A_1616 : vector<16xi1>, vector<16xf32>
    %select_n3A_1620 = arith.select %le3A_1618, %masked_sort3A_1605, %masked_sort3A_1617 : vector<16xi1>, vector<16xf32>
    %masked_sort3A_1621 = arith.constant dense<true> : vector<16xi1>
    %masked_sort3A_1622, %masked_sort3A_1623, %masked_sort3A_1624 = tpu.sort %select_n3A_1619, %select_n3A_1620 masked %masked_sort3A_1621 : (vector<16xf32>, vector<16xf32>, vector<16xi1>) -> (vector<16xi1>, vector<16xf32>, vector<16xf32>)
    %get3A_1625 = arith.constant 5 : i32
    %get3A_1626 = arith.index_cast %get3A_1625 : i32 to index
    %get3A_1627 = arith.constant 112 : index
    %get3A_1628 = tpu.vector_load %arg4[%get3A_1626, %get3A_1627] {strides = array<i32>} : memref<8x512xf32, #tpu.memory_space<vmem>>, vector<16xf32>,
    %get3A_1629 = arith.constant 5 : i32
    %get3A_1630 = arith.index_cast %get3A_1629 : i32 to index
    %get3A_1631 = arith.constant 368 : index
    %get3A_1632 = tpu.vector_load %arg4[%get3A_1630, %get3A_1631] {strides = array<i32>} : memref<8x512xf32, #tpu.memory_space<vmem>>, vector<16xf32>,
    %masked_sort3A_1633 = arith.constant dense<true> : vector<16xi1>
    %masked_sort3A_1634, %masked_sort3A_1635, %masked_sort3A_1636 = tpu.sort %get3A_1628, %get3A_1632 masked %masked_sort3A_1633 {descending = true} : (vector<16xf32>, vector<16xf32>, vector<16xi1>) -> (vector<16xi1>, vector<16xf32>, vector<16xf32>)
    %le3A_1637 = arith.cmpf ole, %masked_sort3A_1623, %masked_sort3A_1635 : vector<16xf32>
    %select_n3A_1638 = arith.select %le3A_1637, %masked_sort3A_1623, %masked_sort3A_1635 : vector<16xi1>, vector<16xf32>
    %select_n3A_1639 = arith.select %le3A_1637, %masked_sort3A_1624, %masked_sort3A_1636 : vector<16xi1>, vector<16xf32>
    %masked_sort3A_1640 = arith.constant dense<true> : vector<16xi1>
    %masked_sort3A_1641, %masked_sort3A_1642, %masked_sort3A_1643 = tpu.sort %select_n3A_1638, %select_n3A_1639 masked %masked_sort3A_1640 : (vector<16xf32>, vector<16xf32>, vector<16xi1>) -> (vector<16xi1>, vector<16xf32>, vector<16xf32>)
    %get3A_1644 = arith.constant 5 : i32
    %get3A_1645 = arith.index_cast %get3A_1644 : i32 to index
    %get3A_1646 = arith.constant 128 : index
    %get3A_1647 = tpu.vector_load %arg4[%get3A_1645, %get3A_1646] {strides = array<i32>} : memref<8x512xf32, #tpu.memory_space<vmem>>, vector<16xf32>,
    %get3A_1648 = arith.constant 5 : i32
    %get3A_1649 = arith.index_cast %get3A_1648 : i32 to index
    %get3A_1650 = arith.constant 384 : index
    %get3A_1651 = tpu.vector_load %arg4[%get3A_1649, %get3A_1650] {strides = array<i32>} : memref<8x512xf32, #tpu.memory_space<vmem>>, vector<16xf32>,
    %masked_sort3A_1652 = arith.constant dense<true> : vector<16xi1>
    %masked_sort3A_1653, %masked_sort3A_1654, %masked_sort3A_1655 = tpu.sort %get3A_1647, %get3A_1651 masked %masked_sort3A_1652 {descending = true} : (vector<16xf32>, vector<16xf32>, vector<16xi1>) -> (vector<16xi1>, vector<16xf32>, vector<16xf32>)
    %le3A_1656 = arith.cmpf ole, %masked_sort3A_1642, %masked_sort3A_1654 : vector<16xf32>
    %select_n3A_1657 = arith.select %le3A_1656, %masked_sort3A_1642, %masked_sort3A_1654 : vector<16xi1>, vector<16xf32>
    %select_n3A_1658 = arith.select %le3A_1656, %masked_sort3A_1643, %masked_sort3A_1655 : vector<16xi1>, vector<16xf32>
    %masked_sort3A_1659 = arith.constant dense<true> : vector<16xi1>
    %masked_sort3A_1660, %masked_sort3A_1661, %masked_sort3A_1662 = tpu.sort %select_n3A_1657, %select_n3A_1658 masked %masked_sort3A_1659 : (vector<16xf32>, vector<16xf32>, vector<16xi1>) -> (vector<16xi1>, vector<16xf32>, vector<16xf32>)
    %get3A_1663 = arith.constant 5 : i32
    %get3A_1664 = arith.index_cast %get3A_1663 : i32 to index
    %get3A_1665 = arith.constant 144 : index
    %get3A_1666 = tpu.vector_load %arg4[%get3A_1664, %get3A_1665] {strides = array<i32>} : memref<8x512xf32, #tpu.memory_space<vmem>>, vector<16xf32>,
    %get3A_1667 = arith.constant 5 : i32
    %get3A_1668 = arith.index_cast %get3A_1667 : i32 to index
    %get3A_1669 = arith.constant 400 : index
    %get3A_1670 = tpu.vector_load %arg4[%get3A_1668, %get3A_1669] {strides = array<i32>} : memref<8x512xf32, #tpu.memory_space<vmem>>, vector<16xf32>,
    %masked_sort3A_1671 = arith.constant dense<true> : vector<16xi1>
    %masked_sort3A_1672, %masked_sort3A_1673, %masked_sort3A_1674 = tpu.sort %get3A_1666, %get3A_1670 masked %masked_sort3A_1671 {descending = true} : (vector<16xf32>, vector<16xf32>, vector<16xi1>) -> (vector<16xi1>, vector<16xf32>, vector<16xf32>)
    %le3A_1675 = arith.cmpf ole, %masked_sort3A_1661, %masked_sort3A_1673 : vector<16xf32>
    %select_n3A_1676 = arith.select %le3A_1675, %masked_sort3A_1661, %masked_sort3A_1673 : vector<16xi1>, vector<16xf32>
    %select_n3A_1677 = arith.select %le3A_1675, %masked_sort3A_1662, %masked_sort3A_1674 : vector<16xi1>, vector<16xf32>
    %masked_sort3A_1678 = arith.constant dense<true> : vector<16xi1>
    %masked_sort3A_1679, %masked_sort3A_1680, %masked_sort3A_1681 = tpu.sort %select_n3A_1676, %select_n3A_1677 masked %masked_sort3A_1678 : (vector<16xf32>, vector<16xf32>, vector<16xi1>) -> (vector<16xi1>, vector<16xf32>, vector<16xf32>)
    %get3A_1682 = arith.constant 5 : i32
    %get3A_1683 = arith.index_cast %get3A_1682 : i32 to index
    %get3A_1684 = arith.constant 160 : index
    %get3A_1685 = tpu.vector_load %arg4[%get3A_1683, %get3A_1684] {strides = array<i32>} : memref<8x512xf32, #tpu.memory_space<vmem>>, vector<16xf32>,
    %get3A_1686 = arith.constant 5 : i32
    %get3A_1687 = arith.index_cast %get3A_1686 : i32 to index
    %get3A_1688 = arith.constant 416 : index
    %get3A_1689 = tpu.vector_load %arg4[%get3A_1687, %get3A_1688] {strides = array<i32>} : memref<8x512xf32, #tpu.memory_space<vmem>>, vector<16xf32>,
    %masked_sort3A_1690 = arith.constant dense<true> : vector<16xi1>
    %masked_sort3A_1691, %masked_sort3A_1692, %masked_sort3A_1693 = tpu.sort %get3A_1685, %get3A_1689 masked %masked_sort3A_1690 {descending = true} : (vector<16xf32>, vector<16xf32>, vector<16xi1>) -> (vector<16xi1>, vector<16xf32>, vector<16xf32>)
    %le3A_1694 = arith.cmpf ole, %masked_sort3A_1680, %masked_sort3A_1692 : vector<16xf32>
    %select_n3A_1695 = arith.select %le3A_1694, %masked_sort3A_1680, %masked_sort3A_1692 : vector<16xi1>, vector<16xf32>
    %select_n3A_1696 = arith.select %le3A_1694, %masked_sort3A_1681, %masked_sort3A_1693 : vector<16xi1>, vector<16xf32>
    %masked_sort3A_1697 = arith.constant dense<true> : vector<16xi1>
    %masked_sort3A_1698, %masked_sort3A_1699, %masked_sort3A_1700 = tpu.sort %select_n3A_1695, %select_n3A_1696 masked %masked_sort3A_1697 : (vector<16xf32>, vector<16xf32>, vector<16xi1>) -> (vector<16xi1>, vector<16xf32>, vector<16xf32>)
    %get3A_1701 = arith.constant 5 : i32
    %get3A_1702 = arith.index_cast %get3A_1701 : i32 to index
    %get3A_1703 = arith.constant 176 : index
    %get3A_1704 = tpu.vector_load %arg4[%get3A_1702, %get3A_1703] {strides = array<i32>} : memref<8x512xf32, #tpu.memory_space<vmem>>, vector<16xf32>,
    %get3A_1705 = arith.constant 5 : i32
    %get3A_1706 = arith.index_cast %get3A_1705 : i32 to index
    %get3A_1707 = arith.constant 432 : index
    %get3A_1708 = tpu.vector_load %arg4[%get3A_1706, %get3A_1707] {strides = array<i32>} : memref<8x512xf32, #tpu.memory_space<vmem>>, vector<16xf32>,
    %masked_sort3A_1709 = arith.constant dense<true> : vector<16xi1>
    %masked_sort3A_1710, %masked_sort3A_1711, %masked_sort3A_1712 = tpu.sort %get3A_1704, %get3A_1708 masked %masked_sort3A_1709 {descending = true} : (vector<16xf32>, vector<16xf32>, vector<16xi1>) -> (vector<16xi1>, vector<16xf32>, vector<16xf32>)
    %le3A_1713 = arith.cmpf ole, %masked_sort3A_1699, %masked_sort3A_1711 : vector<16xf32>
    %select_n3A_1714 = arith.select %le3A_1713, %masked_sort3A_1699, %masked_sort3A_1711 : vector<16xi1>, vector<16xf32>
    %select_n3A_1715 = arith.select %le3A_1713, %masked_sort3A_1700, %masked_sort3A_1712 : vector<16xi1>, vector<16xf32>
    %masked_sort3A_1716 = arith.constant dense<true> : vector<16xi1>
    %masked_sort3A_1717, %masked_sort3A_1718, %masked_sort3A_1719 = tpu.sort %select_n3A_1714, %select_n3A_1715 masked %masked_sort3A_1716 : (vector<16xf32>, vector<16xf32>, vector<16xi1>) -> (vector<16xi1>, vector<16xf32>, vector<16xf32>)
    %get3A_1720 = arith.constant 5 : i32
    %get3A_1721 = arith.index_cast %get3A_1720 : i32 to index
    %get3A_1722 = arith.constant 192 : index
    %get3A_1723 = tpu.vector_load %arg4[%get3A_1721, %get3A_1722] {strides = array<i32>} : memref<8x512xf32, #tpu.memory_space<vmem>>, vector<16xf32>,
    %get3A_1724 = arith.constant 5 : i32
    %get3A_1725 = arith.index_cast %get3A_1724 : i32 to index
    %get3A_1726 = arith.constant 448 : index
    %get3A_1727 = tpu.vector_load %arg4[%get3A_1725, %get3A_1726] {strides = array<i32>} : memref<8x512xf32, #tpu.memory_space<vmem>>, vector<16xf32>,
    %masked_sort3A_1728 = arith.constant dense<true> : vector<16xi1>
    %masked_sort3A_1729, %masked_sort3A_1730, %masked_sort3A_1731 = tpu.sort %get3A_1723, %get3A_1727 masked %masked_sort3A_1728 {descending = true} : (vector<16xf32>, vector<16xf32>, vector<16xi1>) -> (vector<16xi1>, vector<16xf32>, vector<16xf32>)
    %le3A_1732 = arith.cmpf ole, %masked_sort3A_1718, %masked_sort3A_1730 : vector<16xf32>
    %select_n3A_1733 = arith.select %le3A_1732, %masked_sort3A_1718, %masked_sort3A_1730 : vector<16xi1>, vector<16xf32>
    %select_n3A_1734 = arith.select %le3A_1732, %masked_sort3A_1719, %masked_sort3A_1731 : vector<16xi1>, vector<16xf32>
    %masked_sort3A_1735 = arith.constant dense<true> : vector<16xi1>
    %masked_sort3A_1736, %masked_sort3A_1737, %masked_sort3A_1738 = tpu.sort %select_n3A_1733, %select_n3A_1734 masked %masked_sort3A_1735 : (vector<16xf32>, vector<16xf32>, vector<16xi1>) -> (vector<16xi1>, vector<16xf32>, vector<16xf32>)
    %get3A_1739 = arith.constant 5 : i32
    %get3A_1740 = arith.index_cast %get3A_1739 : i32 to index
    %get3A_1741 = arith.constant 208 : index
    %get3A_1742 = tpu.vector_load %arg4[%get3A_1740, %get3A_1741] {strides = array<i32>} : memref<8x512xf32, #tpu.memory_space<vmem>>, vector<16xf32>,
    %get3A_1743 = arith.constant 5 : i32
    %get3A_1744 = arith.index_cast %get3A_1743 : i32 to index
    %get3A_1745 = arith.constant 464 : index
    %get3A_1746 = tpu.vector_load %arg4[%get3A_1744, %get3A_1745] {strides = array<i32>} : memref<8x512xf32, #tpu.memory_space<vmem>>, vector<16xf32>,
    %masked_sort3A_1747 = arith.constant dense<true> : vector<16xi1>
    %masked_sort3A_1748, %masked_sort3A_1749, %masked_sort3A_1750 = tpu.sort %get3A_1742, %get3A_1746 masked %masked_sort3A_1747 {descending = true} : (vector<16xf32>, vector<16xf32>, vector<16xi1>) -> (vector<16xi1>, vector<16xf32>, vector<16xf32>)
    %le3A_1751 = arith.cmpf ole, %masked_sort3A_1737, %masked_sort3A_1749 : vector<16xf32>
    %select_n3A_1752 = arith.select %le3A_1751, %masked_sort3A_1737, %masked_sort3A_1749 : vector<16xi1>, vector<16xf32>
    %select_n3A_1753 = arith.select %le3A_1751, %masked_sort3A_1738, %masked_sort3A_1750 : vector<16xi1>, vector<16xf32>
    %masked_sort3A_1754 = arith.constant dense<true> : vector<16xi1>
    %masked_sort3A_1755, %masked_sort3A_1756, %masked_sort3A_1757 = tpu.sort %select_n3A_1752, %select_n3A_1753 masked %masked_sort3A_1754 : (vector<16xf32>, vector<16xf32>, vector<16xi1>) -> (vector<16xi1>, vector<16xf32>, vector<16xf32>)
    %get3A_1758 = arith.constant 5 : i32
    %get3A_1759 = arith.index_cast %get3A_1758 : i32 to index
    %get3A_1760 = arith.constant 224 : index
    %get3A_1761 = tpu.vector_load %arg4[%get3A_1759, %get3A_1760] {strides = array<i32>} : memref<8x512xf32, #tpu.memory_space<vmem>>, vector<16xf32>,
    %get3A_1762 = arith.constant 5 : i32
    %get3A_1763 = arith.index_cast %get3A_1762 : i32 to index
    %get3A_1764 = arith.constant 480 : index
    %get3A_1765 = tpu.vector_load %arg4[%get3A_1763, %get3A_1764] {strides = array<i32>} : memref<8x512xf32, #tpu.memory_space<vmem>>, vector<16xf32>,
    %masked_sort3A_1766 = arith.constant dense<true> : vector<16xi1>
    %masked_sort3A_1767, %masked_sort3A_1768, %masked_sort3A_1769 = tpu.sort %get3A_1761, %get3A_1765 masked %masked_sort3A_1766 {descending = true} : (vector<16xf32>, vector<16xf32>, vector<16xi1>) -> (vector<16xi1>, vector<16xf32>, vector<16xf32>)
    %le3A_1770 = arith.cmpf ole, %masked_sort3A_1756, %masked_sort3A_1768 : vector<16xf32>
    %select_n3A_1771 = arith.select %le3A_1770, %masked_sort3A_1756, %masked_sort3A_1768 : vector<16xi1>, vector<16xf32>
    %select_n3A_1772 = arith.select %le3A_1770, %masked_sort3A_1757, %masked_sort3A_1769 : vector<16xi1>, vector<16xf32>
    %masked_sort3A_1773 = arith.constant dense<true> : vector<16xi1>
    %masked_sort3A_1774, %masked_sort3A_1775, %masked_sort3A_1776 = tpu.sort %select_n3A_1771, %select_n3A_1772 masked %masked_sort3A_1773 : (vector<16xf32>, vector<16xf32>, vector<16xi1>) -> (vector<16xi1>, vector<16xf32>, vector<16xf32>)
    %get3A_1777 = arith.constant 5 : i32
    %get3A_1778 = arith.index_cast %get3A_1777 : i32 to index
    %get3A_1779 = arith.constant 240 : index
    %get3A_1780 = tpu.vector_load %arg4[%get3A_1778, %get3A_1779] {strides = array<i32>} : memref<8x512xf32, #tpu.memory_space<vmem>>, vector<16xf32>,
    %get3A_1781 = arith.constant 5 : i32
    %get3A_1782 = arith.index_cast %get3A_1781 : i32 to index
    %get3A_1783 = arith.constant 496 : index
    %get3A_1784 = tpu.vector_load %arg4[%get3A_1782, %get3A_1783] {strides = array<i32>} : memref<8x512xf32, #tpu.memory_space<vmem>>, vector<16xf32>,
    %masked_sort3A_1785 = arith.constant dense<true> : vector<16xi1>
    %masked_sort3A_1786, %masked_sort3A_1787, %masked_sort3A_1788 = tpu.sort %get3A_1780, %get3A_1784 masked %masked_sort3A_1785 {descending = true} : (vector<16xf32>, vector<16xf32>, vector<16xi1>) -> (vector<16xi1>, vector<16xf32>, vector<16xf32>)
    %le3A_1789 = arith.cmpf ole, %masked_sort3A_1775, %masked_sort3A_1787 : vector<16xf32>
    %select_n3A_1790 = arith.select %le3A_1789, %masked_sort3A_1775, %masked_sort3A_1787 : vector<16xi1>, vector<16xf32>
    %select_n3A_1791 = arith.select %le3A_1789, %masked_sort3A_1776, %masked_sort3A_1788 : vector<16xi1>, vector<16xf32>
    %masked_sort3A_1792 = arith.constant dense<true> : vector<16xi1>
    %masked_sort3A_1793, %masked_sort3A_1794, %masked_sort3A_1795 = tpu.sort %select_n3A_1790, %select_n3A_1791 masked %masked_sort3A_1792 : (vector<16xf32>, vector<16xf32>, vector<16xi1>) -> (vector<16xi1>, vector<16xf32>, vector<16xf32>)
    %sub3A_1796 = arith.subf %masked_sort3A_1794, %masked_sort3A_1795 : vector<16xf32>
    %mul3A_1797 = arith.mulf %sub3A_1796, %sub3A_1796 : vector<16xf32>
    %add3A_1798 = arith.addf %add3A_1498, %mul3A_1797 : vector<16xf32>
    %get3A_1799 = arith.constant 6 : i32
    %get3A_1800 = arith.index_cast %get3A_1799 : i32 to index
    %get3A_1801 = arith.constant 0 : index
    %get3A_1802 = tpu.vector_load %arg4[%get3A_1800, %get3A_1801] {strides = array<i32>} : memref<8x512xf32, #tpu.memory_space<vmem>>, vector<16xf32>,
    %get3A_1803 = arith.constant 6 : i32
    %get3A_1804 = arith.index_cast %get3A_1803 : i32 to index
    %get3A_1805 = arith.constant 256 : index
    %get3A_1806 = tpu.vector_load %arg4[%get3A_1804, %get3A_1805] {strides = array<i32>} : memref<8x512xf32, #tpu.memory_space<vmem>>, vector<16xf32>,
    %masked_sort3A_1807 = arith.constant dense<true> : vector<16xi1>
    %masked_sort3A_1808, %masked_sort3A_1809, %masked_sort3A_1810 = tpu.sort %get3A_1802, %get3A_1806 masked %masked_sort3A_1807 : (vector<16xf32>, vector<16xf32>, vector<16xi1>) -> (vector<16xi1>, vector<16xf32>, vector<16xf32>)
    %get3A_1811 = arith.constant 6 : i32
    %get3A_1812 = arith.index_cast %get3A_1811 : i32 to index
    %get3A_1813 = arith.constant 16 : index
    %get3A_1814 = tpu.vector_load %arg4[%get3A_1812, %get3A_1813] {strides = array<i32>} : memref<8x512xf32, #tpu.memory_space<vmem>>, vector<16xf32>,
    %get3A_1815 = arith.constant 6 : i32
    %get3A_1816 = arith.index_cast %get3A_1815 : i32 to index
    %get3A_1817 = arith.constant 272 : index
    %get3A_1818 = tpu.vector_load %arg4[%get3A_1816, %get3A_1817] {strides = array<i32>} : memref<8x512xf32, #tpu.memory_space<vmem>>, vector<16xf32>,
    %masked_sort3A_1819 = arith.constant dense<true> : vector<16xi1>
    %masked_sort3A_1820, %masked_sort3A_1821, %masked_sort3A_1822 = tpu.sort %get3A_1814, %get3A_1818 masked %masked_sort3A_1819 {descending = true} : (vector<16xf32>, vector<16xf32>, vector<16xi1>) -> (vector<16xi1>, vector<16xf32>, vector<16xf32>)
    %le3A_1823 = arith.cmpf ole, %masked_sort3A_1809, %masked_sort3A_1821 : vector<16xf32>
    %select_n3A_1824 = arith.select %le3A_1823, %masked_sort3A_1809, %masked_sort3A_1821 : vector<16xi1>, vector<16xf32>
    %select_n3A_1825 = arith.select %le3A_1823, %masked_sort3A_1810, %masked_sort3A_1822 : vector<16xi1>, vector<16xf32>
    %masked_sort3A_1826 = arith.constant dense<true> : vector<16xi1>
    %masked_sort3A_1827, %masked_sort3A_1828, %masked_sort3A_1829 = tpu.sort %select_n3A_1824, %select_n3A_1825 masked %masked_sort3A_1826 : (vector<16xf32>, vector<16xf32>, vector<16xi1>) -> (vector<16xi1>, vector<16xf32>, vector<16xf32>)
    %get3A_1830 = arith.constant 6 : i32
    %get3A_1831 = arith.index_cast %get3A_1830 : i32 to index
    %get3A_1832 = arith.constant 32 : index
    %get3A_1833 = tpu.vector_load %arg4[%get3A_1831, %get3A_1832] {strides = array<i32>} : memref<8x512xf32, #tpu.memory_space<vmem>>, vector<16xf32>,
    %get3A_1834 = arith.constant 6 : i32
    %get3A_1835 = arith.index_cast %get3A_1834 : i32 to index
    %get3A_1836 = arith.constant 288 : index
    %get3A_1837 = tpu.vector_load %arg4[%get3A_1835, %get3A_1836] {strides = array<i32>} : memref<8x512xf32, #tpu.memory_space<vmem>>, vector<16xf32>,
    %masked_sort3A_1838 = arith.constant dense<true> : vector<16xi1>
    %masked_sort3A_1839, %masked_sort3A_1840, %masked_sort3A_1841 = tpu.sort %get3A_1833, %get3A_1837 masked %masked_sort3A_1838 {descending = true} : (vector<16xf32>, vector<16xf32>, vector<16xi1>) -> (vector<16xi1>, vector<16xf32>, vector<16xf32>)
    %le3A_1842 = arith.cmpf ole, %masked_sort3A_1828, %masked_sort3A_1840 : vector<16xf32>
    %select_n3A_1843 = arith.select %le3A_1842, %masked_sort3A_1828, %masked_sort3A_1840 : vector<16xi1>, vector<16xf32>
    %select_n3A_1844 = arith.select %le3A_1842, %masked_sort3A_1829, %masked_sort3A_1841 : vector<16xi1>, vector<16xf32>
    %masked_sort3A_1845 = arith.constant dense<true> : vector<16xi1>
    %masked_sort3A_1846, %masked_sort3A_1847, %masked_sort3A_1848 = tpu.sort %select_n3A_1843, %select_n3A_1844 masked %masked_sort3A_1845 : (vector<16xf32>, vector<16xf32>, vector<16xi1>) -> (vector<16xi1>, vector<16xf32>, vector<16xf32>)
    %get3A_1849 = arith.constant 6 : i32
    %get3A_1850 = arith.index_cast %get3A_1849 : i32 to index
    %get3A_1851 = arith.constant 48 : index
    %get3A_1852 = tpu.vector_load %arg4[%get3A_1850, %get3A_1851] {strides = array<i32>} : memref<8x512xf32, #tpu.memory_space<vmem>>, vector<16xf32>,
    %get3A_1853 = arith.constant 6 : i32
    %get3A_1854 = arith.index_cast %get3A_1853 : i32 to index
    %get3A_1855 = arith.constant 304 : index
    %get3A_1856 = tpu.vector_load %arg4[%get3A_1854, %get3A_1855] {strides = array<i32>} : memref<8x512xf32, #tpu.memory_space<vmem>>, vector<16xf32>,
    %masked_sort3A_1857 = arith.constant dense<true> : vector<16xi1>
    %masked_sort3A_1858, %masked_sort3A_1859, %masked_sort3A_1860 = tpu.sort %get3A_1852, %get3A_1856 masked %masked_sort3A_1857 {descending = true} : (vector<16xf32>, vector<16xf32>, vector<16xi1>) -> (vector<16xi1>, vector<16xf32>, vector<16xf32>)
    %le3A_1861 = arith.cmpf ole, %masked_sort3A_1847, %masked_sort3A_1859 : vector<16xf32>
    %select_n3A_1862 = arith.select %le3A_1861, %masked_sort3A_1847, %masked_sort3A_1859 : vector<16xi1>, vector<16xf32>
    %select_n3A_1863 = arith.select %le3A_1861, %masked_sort3A_1848, %masked_sort3A_1860 : vector<16xi1>, vector<16xf32>
    %masked_sort3A_1864 = arith.constant dense<true> : vector<16xi1>
    %masked_sort3A_1865, %masked_sort3A_1866, %masked_sort3A_1867 = tpu.sort %select_n3A_1862, %select_n3A_1863 masked %masked_sort3A_1864 : (vector<16xf32>, vector<16xf32>, vector<16xi1>) -> (vector<16xi1>, vector<16xf32>, vector<16xf32>)
    %get3A_1868 = arith.constant 6 : i32
    %get3A_1869 = arith.index_cast %get3A_1868 : i32 to index
    %get3A_1870 = arith.constant 64 : index
    %get3A_1871 = tpu.vector_load %arg4[%get3A_1869, %get3A_1870] {strides = array<i32>} : memref<8x512xf32, #tpu.memory_space<vmem>>, vector<16xf32>,
    %get3A_1872 = arith.constant 6 : i32
    %get3A_1873 = arith.index_cast %get3A_1872 : i32 to index
    %get3A_1874 = arith.constant 320 : index
    %get3A_1875 = tpu.vector_load %arg4[%get3A_1873, %get3A_1874] {strides = array<i32>} : memref<8x512xf32, #tpu.memory_space<vmem>>, vector<16xf32>,
    %masked_sort3A_1876 = arith.constant dense<true> : vector<16xi1>
    %masked_sort3A_1877, %masked_sort3A_1878, %masked_sort3A_1879 = tpu.sort %get3A_1871, %get3A_1875 masked %masked_sort3A_1876 {descending = true} : (vector<16xf32>, vector<16xf32>, vector<16xi1>) -> (vector<16xi1>, vector<16xf32>, vector<16xf32>)
    %le3A_1880 = arith.cmpf ole, %masked_sort3A_1866, %masked_sort3A_1878 : vector<16xf32>
    %select_n3A_1881 = arith.select %le3A_1880, %masked_sort3A_1866, %masked_sort3A_1878 : vector<16xi1>, vector<16xf32>
    %select_n3A_1882 = arith.select %le3A_1880, %masked_sort3A_1867, %masked_sort3A_1879 : vector<16xi1>, vector<16xf32>
    %masked_sort3A_1883 = arith.constant dense<true> : vector<16xi1>
    %masked_sort3A_1884, %masked_sort3A_1885, %masked_sort3A_1886 = tpu.sort %select_n3A_1881, %select_n3A_1882 masked %masked_sort3A_1883 : (vector<16xf32>, vector<16xf32>, vector<16xi1>) -> (vector<16xi1>, vector<16xf32>, vector<16xf32>)
    %get3A_1887 = arith.constant 6 : i32
    %get3A_1888 = arith.index_cast %get3A_1887 : i32 to index
    %get3A_1889 = arith.constant 80 : index
    %get3A_1890 = tpu.vector_load %arg4[%get3A_1888, %get3A_1889] {strides = array<i32>} : memref<8x512xf32, #tpu.memory_space<vmem>>, vector<16xf32>,
    %get3A_1891 = arith.constant 6 : i32
    %get3A_1892 = arith.index_cast %get3A_1891 : i32 to index
    %get3A_1893 = arith.constant 336 : index
    %get3A_1894 = tpu.vector_load %arg4[%get3A_1892, %get3A_1893] {strides = array<i32>} : memref<8x512xf32, #tpu.memory_space<vmem>>, vector<16xf32>,
    %masked_sort3A_1895 = arith.constant dense<true> : vector<16xi1>
    %masked_sort3A_1896, %masked_sort3A_1897, %masked_sort3A_1898 = tpu.sort %get3A_1890, %get3A_1894 masked %masked_sort3A_1895 {descending = true} : (vector<16xf32>, vector<16xf32>, vector<16xi1>) -> (vector<16xi1>, vector<16xf32>, vector<16xf32>)
    %le3A_1899 = arith.cmpf ole, %masked_sort3A_1885, %masked_sort3A_1897 : vector<16xf32>
    %select_n3A_1900 = arith.select %le3A_1899, %masked_sort3A_1885, %masked_sort3A_1897 : vector<16xi1>, vector<16xf32>
    %select_n3A_1901 = arith.select %le3A_1899, %masked_sort3A_1886, %masked_sort3A_1898 : vector<16xi1>, vector<16xf32>
    %masked_sort3A_1902 = arith.constant dense<true> : vector<16xi1>
    %masked_sort3A_1903, %masked_sort3A_1904, %masked_sort3A_1905 = tpu.sort %select_n3A_1900, %select_n3A_1901 masked %masked_sort3A_1902 : (vector<16xf32>, vector<16xf32>, vector<16xi1>) -> (vector<16xi1>, vector<16xf32>, vector<16xf32>)
    %get3A_1906 = arith.constant 6 : i32
    %get3A_1907 = arith.index_cast %get3A_1906 : i32 to index
    %get3A_1908 = arith.constant 96 : index
    %get3A_1909 = tpu.vector_load %arg4[%get3A_1907, %get3A_1908] {strides = array<i32>} : memref<8x512xf32, #tpu.memory_space<vmem>>, vector<16xf32>,
    %get3A_1910 = arith.constant 6 : i32
    %get3A_1911 = arith.index_cast %get3A_1910 : i32 to index
    %get3A_1912 = arith.constant 352 : index
    %get3A_1913 = tpu.vector_load %arg4[%get3A_1911, %get3A_1912] {strides = array<i32>} : memref<8x512xf32, #tpu.memory_space<vmem>>, vector<16xf32>,
    %masked_sort3A_1914 = arith.constant dense<true> : vector<16xi1>
    %masked_sort3A_1915, %masked_sort3A_1916, %masked_sort3A_1917 = tpu.sort %get3A_1909, %get3A_1913 masked %masked_sort3A_1914 {descending = true} : (vector<16xf32>, vector<16xf32>, vector<16xi1>) -> (vector<16xi1>, vector<16xf32>, vector<16xf32>)
    %le3A_1918 = arith.cmpf ole, %masked_sort3A_1904, %masked_sort3A_1916 : vector<16xf32>
    %select_n3A_1919 = arith.select %le3A_1918, %masked_sort3A_1904, %masked_sort3A_1916 : vector<16xi1>, vector<16xf32>
    %select_n3A_1920 = arith.select %le3A_1918, %masked_sort3A_1905, %masked_sort3A_1917 : vector<16xi1>, vector<16xf32>
    %masked_sort3A_1921 = arith.constant dense<true> : vector<16xi1>
    %masked_sort3A_1922, %masked_sort3A_1923, %masked_sort3A_1924 = tpu.sort %select_n3A_1919, %select_n3A_1920 masked %masked_sort3A_1921 : (vector<16xf32>, vector<16xf32>, vector<16xi1>) -> (vector<16xi1>, vector<16xf32>, vector<16xf32>)
    %get3A_1925 = arith.constant 6 : i32
    %get3A_1926 = arith.index_cast %get3A_1925 : i32 to index
    %get3A_1927 = arith.constant 112 : index
    %get3A_1928 = tpu.vector_load %arg4[%get3A_1926, %get3A_1927] {strides = array<i32>} : memref<8x512xf32, #tpu.memory_space<vmem>>, vector<16xf32>,
    %get3A_1929 = arith.constant 6 : i32
    %get3A_1930 = arith.index_cast %get3A_1929 : i32 to index
    %get3A_1931 = arith.constant 368 : index
    %get3A_1932 = tpu.vector_load %arg4[%get3A_1930, %get3A_1931] {strides = array<i32>} : memref<8x512xf32, #tpu.memory_space<vmem>>, vector<16xf32>,
    %masked_sort3A_1933 = arith.constant dense<true> : vector<16xi1>
    %masked_sort3A_1934, %masked_sort3A_1935, %masked_sort3A_1936 = tpu.sort %get3A_1928, %get3A_1932 masked %masked_sort3A_1933 {descending = true} : (vector<16xf32>, vector<16xf32>, vector<16xi1>) -> (vector<16xi1>, vector<16xf32>, vector<16xf32>)
    %le3A_1937 = arith.cmpf ole, %masked_sort3A_1923, %masked_sort3A_1935 : vector<16xf32>
    %select_n3A_1938 = arith.select %le3A_1937, %masked_sort3A_1923, %masked_sort3A_1935 : vector<16xi1>, vector<16xf32>
    %select_n3A_1939 = arith.select %le3A_1937, %masked_sort3A_1924, %masked_sort3A_1936 : vector<16xi1>, vector<16xf32>
    %masked_sort3A_1940 = arith.constant dense<true> : vector<16xi1>
    %masked_sort3A_1941, %masked_sort3A_1942, %masked_sort3A_1943 = tpu.sort %select_n3A_1938, %select_n3A_1939 masked %masked_sort3A_1940 : (vector<16xf32>, vector<16xf32>, vector<16xi1>) -> (vector<16xi1>, vector<16xf32>, vector<16xf32>)
    %get3A_1944 = arith.constant 6 : i32
    %get3A_1945 = arith.index_cast %get3A_1944 : i32 to index
    %get3A_1946 = arith.constant 128 : index
    %get3A_1947 = tpu.vector_load %arg4[%get3A_1945, %get3A_1946] {strides = array<i32>} : memref<8x512xf32, #tpu.memory_space<vmem>>, vector<16xf32>,
    %get3A_1948 = arith.constant 6 : i32
    %get3A_1949 = arith.index_cast %get3A_1948 : i32 to index
    %get3A_1950 = arith.constant 384 : index
    %get3A_1951 = tpu.vector_load %arg4[%get3A_1949, %get3A_1950] {strides = array<i32>} : memref<8x512xf32, #tpu.memory_space<vmem>>, vector<16xf32>,
    %masked_sort3A_1952 = arith.constant dense<true> : vector<16xi1>
    %masked_sort3A_1953, %masked_sort3A_1954, %masked_sort3A_1955 = tpu.sort %get3A_1947, %get3A_1951 masked %masked_sort3A_1952 {descending = true} : (vector<16xf32>, vector<16xf32>, vector<16xi1>) -> (vector<16xi1>, vector<16xf32>, vector<16xf32>)
    %le3A_1956 = arith.cmpf ole, %masked_sort3A_1942, %masked_sort3A_1954 : vector<16xf32>
    %select_n3A_1957 = arith.select %le3A_1956, %masked_sort3A_1942, %masked_sort3A_1954 : vector<16xi1>, vector<16xf32>
    %select_n3A_1958 = arith.select %le3A_1956, %masked_sort3A_1943, %masked_sort3A_1955 : vector<16xi1>, vector<16xf32>
    %masked_sort3A_1959 = arith.constant dense<true> : vector<16xi1>
    %masked_sort3A_1960, %masked_sort3A_1961, %masked_sort3A_1962 = tpu.sort %select_n3A_1957, %select_n3A_1958 masked %masked_sort3A_1959 : (vector<16xf32>, vector<16xf32>, vector<16xi1>) -> (vector<16xi1>, vector<16xf32>, vector<16xf32>)
    %get3A_1963 = arith.constant 6 : i32
    %get3A_1964 = arith.index_cast %get3A_1963 : i32 to index
    %get3A_1965 = arith.constant 144 : index
    %get3A_1966 = tpu.vector_load %arg4[%get3A_1964, %get3A_1965] {strides = array<i32>} : memref<8x512xf32, #tpu.memory_space<vmem>>, vector<16xf32>,
    %get3A_1967 = arith.constant 6 : i32
    %get3A_1968 = arith.index_cast %get3A_1967 : i32 to index
    %get3A_1969 = arith.constant 400 : index
    %get3A_1970 = tpu.vector_load %arg4[%get3A_1968, %get3A_1969] {strides = array<i32>} : memref<8x512xf32, #tpu.memory_space<vmem>>, vector<16xf32>,
    %masked_sort3A_1971 = arith.constant dense<true> : vector<16xi1>
    %masked_sort3A_1972, %masked_sort3A_1973, %masked_sort3A_1974 = tpu.sort %get3A_1966, %get3A_1970 masked %masked_sort3A_1971 {descending = true} : (vector<16xf32>, vector<16xf32>, vector<16xi1>) -> (vector<16xi1>, vector<16xf32>, vector<16xf32>)
    %le3A_1975 = arith.cmpf ole, %masked_sort3A_1961, %masked_sort3A_1973 : vector<16xf32>
    %select_n3A_1976 = arith.select %le3A_1975, %masked_sort3A_1961, %masked_sort3A_1973 : vector<16xi1>, vector<16xf32>
    %select_n3A_1977 = arith.select %le3A_1975, %masked_sort3A_1962, %masked_sort3A_1974 : vector<16xi1>, vector<16xf32>
    %masked_sort3A_1978 = arith.constant dense<true> : vector<16xi1>
    %masked_sort3A_1979, %masked_sort3A_1980, %masked_sort3A_1981 = tpu.sort %select_n3A_1976, %select_n3A_1977 masked %masked_sort3A_1978 : (vector<16xf32>, vector<16xf32>, vector<16xi1>) -> (vector<16xi1>, vector<16xf32>, vector<16xf32>)
    %get3A_1982 = arith.constant 6 : i32
    %get3A_1983 = arith.index_cast %get3A_1982 : i32 to index
    %get3A_1984 = arith.constant 160 : index
    %get3A_1985 = tpu.vector_load %arg4[%get3A_1983, %get3A_1984] {strides = array<i32>} : memref<8x512xf32, #tpu.memory_space<vmem>>, vector<16xf32>,
    %get3A_1986 = arith.constant 6 : i32
    %get3A_1987 = arith.index_cast %get3A_1986 : i32 to index
    %get3A_1988 = arith.constant 416 : index
    %get3A_1989 = tpu.vector_load %arg4[%get3A_1987, %get3A_1988] {strides = array<i32>} : memref<8x512xf32, #tpu.memory_space<vmem>>, vector<16xf32>,
    %masked_sort3A_1990 = arith.constant dense<true> : vector<16xi1>
    %masked_sort3A_1991, %masked_sort3A_1992, %masked_sort3A_1993 = tpu.sort %get3A_1985, %get3A_1989 masked %masked_sort3A_1990 {descending = true} : (vector<16xf32>, vector<16xf32>, vector<16xi1>) -> (vector<16xi1>, vector<16xf32>, vector<16xf32>)
    %le3A_1994 = arith.cmpf ole, %masked_sort3A_1980, %masked_sort3A_1992 : vector<16xf32>
    %select_n3A_1995 = arith.select %le3A_1994, %masked_sort3A_1980, %masked_sort3A_1992 : vector<16xi1>, vector<16xf32>
    %select_n3A_1996 = arith.select %le3A_1994, %masked_sort3A_1981, %masked_sort3A_1993 : vector<16xi1>, vector<16xf32>
    %masked_sort3A_1997 = arith.constant dense<true> : vector<16xi1>
    %masked_sort3A_1998, %masked_sort3A_1999, %masked_sort3A_2000 = tpu.sort %select_n3A_1995, %select_n3A_1996 masked %masked_sort3A_1997 : (vector<16xf32>, vector<16xf32>, vector<16xi1>) -> (vector<16xi1>, vector<16xf32>, vector<16xf32>)
    %get3A_2001 = arith.constant 6 : i32
    %get3A_2002 = arith.index_cast %get3A_2001 : i32 to index
    %get3A_2003 = arith.constant 176 : index
    %get3A_2004 = tpu.vector_load %arg4[%get3A_2002, %get3A_2003] {strides = array<i32>} : memref<8x512xf32, #tpu.memory_space<vmem>>, vector<16xf32>,
    %get3A_2005 = arith.constant 6 : i32
    %get3A_2006 = arith.index_cast %get3A_2005 : i32 to index
    %get3A_2007 = arith.constant 432 : index
    %get3A_2008 = tpu.vector_load %arg4[%get3A_2006, %get3A_2007] {strides = array<i32>} : memref<8x512xf32, #tpu.memory_space<vmem>>, vector<16xf32>,
    %masked_sort3A_2009 = arith.constant dense<true> : vector<16xi1>
    %masked_sort3A_2010, %masked_sort3A_2011, %masked_sort3A_2012 = tpu.sort %get3A_2004, %get3A_2008 masked %masked_sort3A_2009 {descending = true} : (vector<16xf32>, vector<16xf32>, vector<16xi1>) -> (vector<16xi1>, vector<16xf32>, vector<16xf32>)
    %le3A_2013 = arith.cmpf ole, %masked_sort3A_1999, %masked_sort3A_2011 : vector<16xf32>
    %select_n3A_2014 = arith.select %le3A_2013, %masked_sort3A_1999, %masked_sort3A_2011 : vector<16xi1>, vector<16xf32>
    %select_n3A_2015 = arith.select %le3A_2013, %masked_sort3A_2000, %masked_sort3A_2012 : vector<16xi1>, vector<16xf32>
    %masked_sort3A_2016 = arith.constant dense<true> : vector<16xi1>
    %masked_sort3A_2017, %masked_sort3A_2018, %masked_sort3A_2019 = tpu.sort %select_n3A_2014, %select_n3A_2015 masked %masked_sort3A_2016 : (vector<16xf32>, vector<16xf32>, vector<16xi1>) -> (vector<16xi1>, vector<16xf32>, vector<16xf32>)
    %get3A_2020 = arith.constant 6 : i32
    %get3A_2021 = arith.index_cast %get3A_2020 : i32 to index
    %get3A_2022 = arith.constant 192 : index
    %get3A_2023 = tpu.vector_load %arg4[%get3A_2021, %get3A_2022] {strides = array<i32>} : memref<8x512xf32, #tpu.memory_space<vmem>>, vector<16xf32>,
    %get3A_2024 = arith.constant 6 : i32
    %get3A_2025 = arith.index_cast %get3A_2024 : i32 to index
    %get3A_2026 = arith.constant 448 : index
    %get3A_2027 = tpu.vector_load %arg4[%get3A_2025, %get3A_2026] {strides = array<i32>} : memref<8x512xf32, #tpu.memory_space<vmem>>, vector<16xf32>,
    %masked_sort3A_2028 = arith.constant dense<true> : vector<16xi1>
    %masked_sort3A_2029, %masked_sort3A_2030, %masked_sort3A_2031 = tpu.sort %get3A_2023, %get3A_2027 masked %masked_sort3A_2028 {descending = true} : (vector<16xf32>, vector<16xf32>, vector<16xi1>) -> (vector<16xi1>, vector<16xf32>, vector<16xf32>)
    %le3A_2032 = arith.cmpf ole, %masked_sort3A_2018, %masked_sort3A_2030 : vector<16xf32>
    %select_n3A_2033 = arith.select %le3A_2032, %masked_sort3A_2018, %masked_sort3A_2030 : vector<16xi1>, vector<16xf32>
    %select_n3A_2034 = arith.select %le3A_2032, %masked_sort3A_2019, %masked_sort3A_2031 : vector<16xi1>, vector<16xf32>
    %masked_sort3A_2035 = arith.constant dense<true> : vector<16xi1>
    %masked_sort3A_2036, %masked_sort3A_2037, %masked_sort3A_2038 = tpu.sort %select_n3A_2033, %select_n3A_2034 masked %masked_sort3A_2035 : (vector<16xf32>, vector<16xf32>, vector<16xi1>) -> (vector<16xi1>, vector<16xf32>, vector<16xf32>)
    %get3A_2039 = arith.constant 6 : i32
    %get3A_2040 = arith.index_cast %get3A_2039 : i32 to index
    %get3A_2041 = arith.constant 208 : index
    %get3A_2042 = tpu.vector_load %arg4[%get3A_2040, %get3A_2041] {strides = array<i32>} : memref<8x512xf32, #tpu.memory_space<vmem>>, vector<16xf32>,
    %get3A_2043 = arith.constant 6 : i32
    %get3A_2044 = arith.index_cast %get3A_2043 : i32 to index
    %get3A_2045 = arith.constant 464 : index
    %get3A_2046 = tpu.vector_load %arg4[%get3A_2044, %get3A_2045] {strides = array<i32>} : memref<8x512xf32, #tpu.memory_space<vmem>>, vector<16xf32>,
    %masked_sort3A_2047 = arith.constant dense<true> : vector<16xi1>
    %masked_sort3A_2048, %masked_sort3A_2049, %masked_sort3A_2050 = tpu.sort %get3A_2042, %get3A_2046 masked %masked_sort3A_2047 {descending = true} : (vector<16xf32>, vector<16xf32>, vector<16xi1>) -> (vector<16xi1>, vector<16xf32>, vector<16xf32>)
    %le3A_2051 = arith.cmpf ole, %masked_sort3A_2037, %masked_sort3A_2049 : vector<16xf32>
    %select_n3A_2052 = arith.select %le3A_2051, %masked_sort3A_2037, %masked_sort3A_2049 : vector<16xi1>, vector<16xf32>
    %select_n3A_2053 = arith.select %le3A_2051, %masked_sort3A_2038, %masked_sort3A_2050 : vector<16xi1>, vector<16xf32>
    %masked_sort3A_2054 = arith.constant dense<true> : vector<16xi1>
    %masked_sort3A_2055, %masked_sort3A_2056, %masked_sort3A_2057 = tpu.sort %select_n3A_2052, %select_n3A_2053 masked %masked_sort3A_2054 : (vector<16xf32>, vector<16xf32>, vector<16xi1>) -> (vector<16xi1>, vector<16xf32>, vector<16xf32>)
    %get3A_2058 = arith.constant 6 : i32
    %get3A_2059 = arith.index_cast %get3A_2058 : i32 to index
    %get3A_2060 = arith.constant 224 : index
    %get3A_2061 = tpu.vector_load %arg4[%get3A_2059, %get3A_2060] {strides = array<i32>} : memref<8x512xf32, #tpu.memory_space<vmem>>, vector<16xf32>,
    %get3A_2062 = arith.constant 6 : i32
    %get3A_2063 = arith.index_cast %get3A_2062 : i32 to index
    %get3A_2064 = arith.constant 480 : index
    %get3A_2065 = tpu.vector_load %arg4[%get3A_2063, %get3A_2064] {strides = array<i32>} : memref<8x512xf32, #tpu.memory_space<vmem>>, vector<16xf32>,
    %masked_sort3A_2066 = arith.constant dense<true> : vector<16xi1>
    %masked_sort3A_2067, %masked_sort3A_2068, %masked_sort3A_2069 = tpu.sort %get3A_2061, %get3A_2065 masked %masked_sort3A_2066 {descending = true} : (vector<16xf32>, vector<16xf32>, vector<16xi1>) -> (vector<16xi1>, vector<16xf32>, vector<16xf32>)
    %le3A_2070 = arith.cmpf ole, %masked_sort3A_2056, %masked_sort3A_2068 : vector<16xf32>
    %select_n3A_2071 = arith.select %le3A_2070, %masked_sort3A_2056, %masked_sort3A_2068 : vector<16xi1>, vector<16xf32>
    %select_n3A_2072 = arith.select %le3A_2070, %masked_sort3A_2057, %masked_sort3A_2069 : vector<16xi1>, vector<16xf32>
    %masked_sort3A_2073 = arith.constant dense<true> : vector<16xi1>
    %masked_sort3A_2074, %masked_sort3A_2075, %masked_sort3A_2076 = tpu.sort %select_n3A_2071, %select_n3A_2072 masked %masked_sort3A_2073 : (vector<16xf32>, vector<16xf32>, vector<16xi1>) -> (vector<16xi1>, vector<16xf32>, vector<16xf32>)
    %get3A_2077 = arith.constant 6 : i32
    %get3A_2078 = arith.index_cast %get3A_2077 : i32 to index
    %get3A_2079 = arith.constant 240 : index
    %get3A_2080 = tpu.vector_load %arg4[%get3A_2078, %get3A_2079] {strides = array<i32>} : memref<8x512xf32, #tpu.memory_space<vmem>>, vector<16xf32>,
    %get3A_2081 = arith.constant 6 : i32
    %get3A_2082 = arith.index_cast %get3A_2081 : i32 to index
    %get3A_2083 = arith.constant 496 : index
    %get3A_2084 = tpu.vector_load %arg4[%get3A_2082, %get3A_2083] {strides = array<i32>} : memref<8x512xf32, #tpu.memory_space<vmem>>, vector<16xf32>,
    %masked_sort3A_2085 = arith.constant dense<true> : vector<16xi1>
    %masked_sort3A_2086, %masked_sort3A_2087, %masked_sort3A_2088 = tpu.sort %get3A_2080, %get3A_2084 masked %masked_sort3A_2085 {descending = true} : (vector<16xf32>, vector<16xf32>, vector<16xi1>) -> (vector<16xi1>, vector<16xf32>, vector<16xf32>)
    %le3A_2089 = arith.cmpf ole, %masked_sort3A_2075, %masked_sort3A_2087 : vector<16xf32>
    %select_n3A_2090 = arith.select %le3A_2089, %masked_sort3A_2075, %masked_sort3A_2087 : vector<16xi1>, vector<16xf32>
    %select_n3A_2091 = arith.select %le3A_2089, %masked_sort3A_2076, %masked_sort3A_2088 : vector<16xi1>, vector<16xf32>
    %masked_sort3A_2092 = arith.constant dense<true> : vector<16xi1>
    %masked_sort3A_2093, %masked_sort3A_2094, %masked_sort3A_2095 = tpu.sort %select_n3A_2090, %select_n3A_2091 masked %masked_sort3A_2092 : (vector<16xf32>, vector<16xf32>, vector<16xi1>) -> (vector<16xi1>, vector<16xf32>, vector<16xf32>)
    %sub3A_2096 = arith.subf %masked_sort3A_2094, %masked_sort3A_2095 : vector<16xf32>
    %mul3A_2097 = arith.mulf %sub3A_2096, %sub3A_2096 : vector<16xf32>
    %add3A_2098 = arith.addf %add3A_1798, %mul3A_2097 : vector<16xf32>
    %get3A_2099 = arith.constant 7 : i32
    %get3A_2100 = arith.index_cast %get3A_2099 : i32 to index
    %get3A_2101 = arith.constant 0 : index
    %get3A_2102 = tpu.vector_load %arg4[%get3A_2100, %get3A_2101] {strides = array<i32>} : memref<8x512xf32, #tpu.memory_space<vmem>>, vector<16xf32>,
    %get3A_2103 = arith.constant 7 : i32
    %get3A_2104 = arith.index_cast %get3A_2103 : i32 to index
    %get3A_2105 = arith.constant 256 : index
    %get3A_2106 = tpu.vector_load %arg4[%get3A_2104, %get3A_2105] {strides = array<i32>} : memref<8x512xf32, #tpu.memory_space<vmem>>, vector<16xf32>,
    %masked_sort3A_2107 = arith.constant dense<true> : vector<16xi1>
    %masked_sort3A_2108, %masked_sort3A_2109, %masked_sort3A_2110 = tpu.sort %get3A_2102, %get3A_2106 masked %masked_sort3A_2107 : (vector<16xf32>, vector<16xf32>, vector<16xi1>) -> (vector<16xi1>, vector<16xf32>, vector<16xf32>)
    %get3A_2111 = arith.constant 7 : i32
    %get3A_2112 = arith.index_cast %get3A_2111 : i32 to index
    %get3A_2113 = arith.constant 16 : index
    %get3A_2114 = tpu.vector_load %arg4[%get3A_2112, %get3A_2113] {strides = array<i32>} : memref<8x512xf32, #tpu.memory_space<vmem>>, vector<16xf32>,
    %get3A_2115 = arith.constant 7 : i32
    %get3A_2116 = arith.index_cast %get3A_2115 : i32 to index
    %get3A_2117 = arith.constant 272 : index
    %get3A_2118 = tpu.vector_load %arg4[%get3A_2116, %get3A_2117] {strides = array<i32>} : memref<8x512xf32, #tpu.memory_space<vmem>>, vector<16xf32>,
    %masked_sort3A_2119 = arith.constant dense<true> : vector<16xi1>
    %masked_sort3A_2120, %masked_sort3A_2121, %masked_sort3A_2122 = tpu.sort %get3A_2114, %get3A_2118 masked %masked_sort3A_2119 {descending = true} : (vector<16xf32>, vector<16xf32>, vector<16xi1>) -> (vector<16xi1>, vector<16xf32>, vector<16xf32>)
    %le3A_2123 = arith.cmpf ole, %masked_sort3A_2109, %masked_sort3A_2121 : vector<16xf32>
    %select_n3A_2124 = arith.select %le3A_2123, %masked_sort3A_2109, %masked_sort3A_2121 : vector<16xi1>, vector<16xf32>
    %select_n3A_2125 = arith.select %le3A_2123, %masked_sort3A_2110, %masked_sort3A_2122 : vector<16xi1>, vector<16xf32>
    %masked_sort3A_2126 = arith.constant dense<true> : vector<16xi1>
    %masked_sort3A_2127, %masked_sort3A_2128, %masked_sort3A_2129 = tpu.sort %select_n3A_2124, %select_n3A_2125 masked %masked_sort3A_2126 : (vector<16xf32>, vector<16xf32>, vector<16xi1>) -> (vector<16xi1>, vector<16xf32>, vector<16xf32>)
    %get3A_2130 = arith.constant 7 : i32
    %get3A_2131 = arith.index_cast %get3A_2130 : i32 to index
    %get3A_2132 = arith.constant 32 : index
    %get3A_2133 = tpu.vector_load %arg4[%get3A_2131, %get3A_2132] {strides = array<i32>} : memref<8x512xf32, #tpu.memory_space<vmem>>, vector<16xf32>,
    %get3A_2134 = arith.constant 7 : i32
    %get3A_2135 = arith.index_cast %get3A_2134 : i32 to index
    %get3A_2136 = arith.constant 288 : index
    %get3A_2137 = tpu.vector_load %arg4[%get3A_2135, %get3A_2136] {strides = array<i32>} : memref<8x512xf32, #tpu.memory_space<vmem>>, vector<16xf32>,
    %masked_sort3A_2138 = arith.constant dense<true> : vector<16xi1>
    %masked_sort3A_2139, %masked_sort3A_2140, %masked_sort3A_2141 = tpu.sort %get3A_2133, %get3A_2137 masked %masked_sort3A_2138 {descending = true} : (vector<16xf32>, vector<16xf32>, vector<16xi1>) -> (vector<16xi1>, vector<16xf32>, vector<16xf32>)
    %le3A_2142 = arith.cmpf ole, %masked_sort3A_2128, %masked_sort3A_2140 : vector<16xf32>
    %select_n3A_2143 = arith.select %le3A_2142, %masked_sort3A_2128, %masked_sort3A_2140 : vector<16xi1>, vector<16xf32>
    %select_n3A_2144 = arith.select %le3A_2142, %masked_sort3A_2129, %masked_sort3A_2141 : vector<16xi1>, vector<16xf32>
    %masked_sort3A_2145 = arith.constant dense<true> : vector<16xi1>
    %masked_sort3A_2146, %masked_sort3A_2147, %masked_sort3A_2148 = tpu.sort %select_n3A_2143, %select_n3A_2144 masked %masked_sort3A_2145 : (vector<16xf32>, vector<16xf32>, vector<16xi1>) -> (vector<16xi1>, vector<16xf32>, vector<16xf32>)
    %get3A_2149 = arith.constant 7 : i32
    %get3A_2150 = arith.index_cast %get3A_2149 : i32 to index
    %get3A_2151 = arith.constant 48 : index
    %get3A_2152 = tpu.vector_load %arg4[%get3A_2150, %get3A_2151] {strides = array<i32>} : memref<8x512xf32, #tpu.memory_space<vmem>>, vector<16xf32>,
    %get3A_2153 = arith.constant 7 : i32
    %get3A_2154 = arith.index_cast %get3A_2153 : i32 to index
    %get3A_2155 = arith.constant 304 : index
    %get3A_2156 = tpu.vector_load %arg4[%get3A_2154, %get3A_2155] {strides = array<i32>} : memref<8x512xf32, #tpu.memory_space<vmem>>, vector<16xf32>,
    %masked_sort3A_2157 = arith.constant dense<true> : vector<16xi1>
    %masked_sort3A_2158, %masked_sort3A_2159, %masked_sort3A_2160 = tpu.sort %get3A_2152, %get3A_2156 masked %masked_sort3A_2157 {descending = true} : (vector<16xf32>, vector<16xf32>, vector<16xi1>) -> (vector<16xi1>, vector<16xf32>, vector<16xf32>)
    %le3A_2161 = arith.cmpf ole, %masked_sort3A_2147, %masked_sort3A_2159 : vector<16xf32>
    %select_n3A_2162 = arith.select %le3A_2161, %masked_sort3A_2147, %masked_sort3A_2159 : vector<16xi1>, vector<16xf32>
    %select_n3A_2163 = arith.select %le3A_2161, %masked_sort3A_2148, %masked_sort3A_2160 : vector<16xi1>, vector<16xf32>
    %masked_sort3A_2164 = arith.constant dense<true> : vector<16xi1>
    %masked_sort3A_2165, %masked_sort3A_2166, %masked_sort3A_2167 = tpu.sort %select_n3A_2162, %select_n3A_2163 masked %masked_sort3A_2164 : (vector<16xf32>, vector<16xf32>, vector<16xi1>) -> (vector<16xi1>, vector<16xf32>, vector<16xf32>)
    %get3A_2168 = arith.constant 7 : i32
    %get3A_2169 = arith.index_cast %get3A_2168 : i32 to index
    %get3A_2170 = arith.constant 64 : index
    %get3A_2171 = tpu.vector_load %arg4[%get3A_2169, %get3A_2170] {strides = array<i32>} : memref<8x512xf32, #tpu.memory_space<vmem>>, vector<16xf32>,
    %get3A_2172 = arith.constant 7 : i32
    %get3A_2173 = arith.index_cast %get3A_2172 : i32 to index
    %get3A_2174 = arith.constant 320 : index
    %get3A_2175 = tpu.vector_load %arg4[%get3A_2173, %get3A_2174] {strides = array<i32>} : memref<8x512xf32, #tpu.memory_space<vmem>>, vector<16xf32>,
    %masked_sort3A_2176 = arith.constant dense<true> : vector<16xi1>
    %masked_sort3A_2177, %masked_sort3A_2178, %masked_sort3A_2179 = tpu.sort %get3A_2171, %get3A_2175 masked %masked_sort3A_2176 {descending = true} : (vector<16xf32>, vector<16xf32>, vector<16xi1>) -> (vector<16xi1>, vector<16xf32>, vector<16xf32>)
    %le3A_2180 = arith.cmpf ole, %masked_sort3A_2166, %masked_sort3A_2178 : vector<16xf32>
    %select_n3A_2181 = arith.select %le3A_2180, %masked_sort3A_2166, %masked_sort3A_2178 : vector<16xi1>, vector<16xf32>
    %select_n3A_2182 = arith.select %le3A_2180, %masked_sort3A_2167, %masked_sort3A_2179 : vector<16xi1>, vector<16xf32>
    %masked_sort3A_2183 = arith.constant dense<true> : vector<16xi1>
    %masked_sort3A_2184, %masked_sort3A_2185, %masked_sort3A_2186 = tpu.sort %select_n3A_2181, %select_n3A_2182 masked %masked_sort3A_2183 : (vector<16xf32>, vector<16xf32>, vector<16xi1>) -> (vector<16xi1>, vector<16xf32>, vector<16xf32>)
    %get3A_2187 = arith.constant 7 : i32
    %get3A_2188 = arith.index_cast %get3A_2187 : i32 to index
    %get3A_2189 = arith.constant 80 : index
    %get3A_2190 = tpu.vector_load %arg4[%get3A_2188, %get3A_2189] {strides = array<i32>} : memref<8x512xf32, #tpu.memory_space<vmem>>, vector<16xf32>,
    %get3A_2191 = arith.constant 7 : i32
    %get3A_2192 = arith.index_cast %get3A_2191 : i32 to index
    %get3A_2193 = arith.constant 336 : index
    %get3A_2194 = tpu.vector_load %arg4[%get3A_2192, %get3A_2193] {strides = array<i32>} : memref<8x512xf32, #tpu.memory_space<vmem>>, vector<16xf32>,
    %masked_sort3A_2195 = arith.constant dense<true> : vector<16xi1>
    %masked_sort3A_2196, %masked_sort3A_2197, %masked_sort3A_2198 = tpu.sort %get3A_2190, %get3A_2194 masked %masked_sort3A_2195 {descending = true} : (vector<16xf32>, vector<16xf32>, vector<16xi1>) -> (vector<16xi1>, vector<16xf32>, vector<16xf32>)
    %le3A_2199 = arith.cmpf ole, %masked_sort3A_2185, %masked_sort3A_2197 : vector<16xf32>
    %select_n3A_2200 = arith.select %le3A_2199, %masked_sort3A_2185, %masked_sort3A_2197 : vector<16xi1>, vector<16xf32>
    %select_n3A_2201 = arith.select %le3A_2199, %masked_sort3A_2186, %masked_sort3A_2198 : vector<16xi1>, vector<16xf32>
    %masked_sort3A_2202 = arith.constant dense<true> : vector<16xi1>
    %masked_sort3A_2203, %masked_sort3A_2204, %masked_sort3A_2205 = tpu.sort %select_n3A_2200, %select_n3A_2201 masked %masked_sort3A_2202 : (vector<16xf32>, vector<16xf32>, vector<16xi1>) -> (vector<16xi1>, vector<16xf32>, vector<16xf32>)
    %get3A_2206 = arith.constant 7 : i32
    %get3A_2207 = arith.index_cast %get3A_2206 : i32 to index
    %get3A_2208 = arith.constant 96 : index
    %get3A_2209 = tpu.vector_load %arg4[%get3A_2207, %get3A_2208] {strides = array<i32>} : memref<8x512xf32, #tpu.memory_space<vmem>>, vector<16xf32>,
    %get3A_2210 = arith.constant 7 : i32
    %get3A_2211 = arith.index_cast %get3A_2210 : i32 to index
    %get3A_2212 = arith.constant 352 : index
    %get3A_2213 = tpu.vector_load %arg4[%get3A_2211, %get3A_2212] {strides = array<i32>} : memref<8x512xf32, #tpu.memory_space<vmem>>, vector<16xf32>,
    %masked_sort3A_2214 = arith.constant dense<true> : vector<16xi1>
    %masked_sort3A_2215, %masked_sort3A_2216, %masked_sort3A_2217 = tpu.sort %get3A_2209, %get3A_2213 masked %masked_sort3A_2214 {descending = true} : (vector<16xf32>, vector<16xf32>, vector<16xi1>) -> (vector<16xi1>, vector<16xf32>, vector<16xf32>)
    %le3A_2218 = arith.cmpf ole, %masked_sort3A_2204, %masked_sort3A_2216 : vector<16xf32>
    %select_n3A_2219 = arith.select %le3A_2218, %masked_sort3A_2204, %masked_sort3A_2216 : vector<16xi1>, vector<16xf32>
    %select_n3A_2220 = arith.select %le3A_2218, %masked_sort3A_2205, %masked_sort3A_2217 : vector<16xi1>, vector<16xf32>
    %masked_sort3A_2221 = arith.constant dense<true> : vector<16xi1>
    %masked_sort3A_2222, %masked_sort3A_2223, %masked_sort3A_2224 = tpu.sort %select_n3A_2219, %select_n3A_2220 masked %masked_sort3A_2221 : (vector<16xf32>, vector<16xf32>, vector<16xi1>) -> (vector<16xi1>, vector<16xf32>, vector<16xf32>)
    %get3A_2225 = arith.constant 7 : i32
    %get3A_2226 = arith.index_cast %get3A_2225 : i32 to index
    %get3A_2227 = arith.constant 112 : index
    %get3A_2228 = tpu.vector_load %arg4[%get3A_2226, %get3A_2227] {strides = array<i32>} : memref<8x512xf32, #tpu.memory_space<vmem>>, vector<16xf32>,
    %get3A_2229 = arith.constant 7 : i32
    %get3A_2230 = arith.index_cast %get3A_2229 : i32 to index
    %get3A_2231 = arith.constant 368 : index
    %get3A_2232 = tpu.vector_load %arg4[%get3A_2230, %get3A_2231] {strides = array<i32>} : memref<8x512xf32, #tpu.memory_space<vmem>>, vector<16xf32>,
    %masked_sort3A_2233 = arith.constant dense<true> : vector<16xi1>
    %masked_sort3A_2234, %masked_sort3A_2235, %masked_sort3A_2236 = tpu.sort %get3A_2228, %get3A_2232 masked %masked_sort3A_2233 {descending = true} : (vector<16xf32>, vector<16xf32>, vector<16xi1>) -> (vector<16xi1>, vector<16xf32>, vector<16xf32>)
    %le3A_2237 = arith.cmpf ole, %masked_sort3A_2223, %masked_sort3A_2235 : vector<16xf32>
    %select_n3A_2238 = arith.select %le3A_2237, %masked_sort3A_2223, %masked_sort3A_2235 : vector<16xi1>, vector<16xf32>
    %select_n3A_2239 = arith.select %le3A_2237, %masked_sort3A_2224, %masked_sort3A_2236 : vector<16xi1>, vector<16xf32>
    %masked_sort3A_2240 = arith.constant dense<true> : vector<16xi1>
    %masked_sort3A_2241, %masked_sort3A_2242, %masked_sort3A_2243 = tpu.sort %select_n3A_2238, %select_n3A_2239 masked %masked_sort3A_2240 : (vector<16xf32>, vector<16xf32>, vector<16xi1>) -> (vector<16xi1>, vector<16xf32>, vector<16xf32>)
    %get3A_2244 = arith.constant 7 : i32
    %get3A_2245 = arith.index_cast %get3A_2244 : i32 to index
    %get3A_2246 = arith.constant 128 : index
    %get3A_2247 = tpu.vector_load %arg4[%get3A_2245, %get3A_2246] {strides = array<i32>} : memref<8x512xf32, #tpu.memory_space<vmem>>, vector<16xf32>,
    %get3A_2248 = arith.constant 7 : i32
    %get3A_2249 = arith.index_cast %get3A_2248 : i32 to index
    %get3A_2250 = arith.constant 384 : index
    %get3A_2251 = tpu.vector_load %arg4[%get3A_2249, %get3A_2250] {strides = array<i32>} : memref<8x512xf32, #tpu.memory_space<vmem>>, vector<16xf32>,
    %masked_sort3A_2252 = arith.constant dense<true> : vector<16xi1>
    %masked_sort3A_2253, %masked_sort3A_2254, %masked_sort3A_2255 = tpu.sort %get3A_2247, %get3A_2251 masked %masked_sort3A_2252 {descending = true} : (vector<16xf32>, vector<16xf32>, vector<16xi1>) -> (vector<16xi1>, vector<16xf32>, vector<16xf32>)
    %le3A_2256 = arith.cmpf ole, %masked_sort3A_2242, %masked_sort3A_2254 : vector<16xf32>
    %select_n3A_2257 = arith.select %le3A_2256, %masked_sort3A_2242, %masked_sort3A_2254 : vector<16xi1>, vector<16xf32>
    %select_n3A_2258 = arith.select %le3A_2256, %masked_sort3A_2243, %masked_sort3A_2255 : vector<16xi1>, vector<16xf32>
    %masked_sort3A_2259 = arith.constant dense<true> : vector<16xi1>
    %masked_sort3A_2260, %masked_sort3A_2261, %masked_sort3A_2262 = tpu.sort %select_n3A_2257, %select_n3A_2258 masked %masked_sort3A_2259 : (vector<16xf32>, vector<16xf32>, vector<16xi1>) -> (vector<16xi1>, vector<16xf32>, vector<16xf32>)
    %get3A_2263 = arith.constant 7 : i32
    %get3A_2264 = arith.index_cast %get3A_2263 : i32 to index
    %get3A_2265 = arith.constant 144 : index
    %get3A_2266 = tpu.vector_load %arg4[%get3A_2264, %get3A_2265] {strides = array<i32>} : memref<8x512xf32, #tpu.memory_space<vmem>>, vector<16xf32>,
    %get3A_2267 = arith.constant 7 : i32
    %get3A_2268 = arith.index_cast %get3A_2267 : i32 to index
    %get3A_2269 = arith.constant 400 : index
    %get3A_2270 = tpu.vector_load %arg4[%get3A_2268, %get3A_2269] {strides = array<i32>} : memref<8x512xf32, #tpu.memory_space<vmem>>, vector<16xf32>,
    %masked_sort3A_2271 = arith.constant dense<true> : vector<16xi1>
    %masked_sort3A_2272, %masked_sort3A_2273, %masked_sort3A_2274 = tpu.sort %get3A_2266, %get3A_2270 masked %masked_sort3A_2271 {descending = true} : (vector<16xf32>, vector<16xf32>, vector<16xi1>) -> (vector<16xi1>, vector<16xf32>, vector<16xf32>)
    %le3A_2275 = arith.cmpf ole, %masked_sort3A_2261, %masked_sort3A_2273 : vector<16xf32>
    %select_n3A_2276 = arith.select %le3A_2275, %masked_sort3A_2261, %masked_sort3A_2273 : vector<16xi1>, vector<16xf32>
    %select_n3A_2277 = arith.select %le3A_2275, %masked_sort3A_2262, %masked_sort3A_2274 : vector<16xi1>, vector<16xf32>
    %masked_sort3A_2278 = arith.constant dense<true> : vector<16xi1>
    %masked_sort3A_2279, %masked_sort3A_2280, %masked_sort3A_2281 = tpu.sort %select_n3A_2276, %select_n3A_2277 masked %masked_sort3A_2278 : (vector<16xf32>, vector<16xf32>, vector<16xi1>) -> (vector<16xi1>, vector<16xf32>, vector<16xf32>)
    %get3A_2282 = arith.constant 7 : i32
    %get3A_2283 = arith.index_cast %get3A_2282 : i32 to index
    %get3A_2284 = arith.constant 160 : index
    %get3A_2285 = tpu.vector_load %arg4[%get3A_2283, %get3A_2284] {strides = array<i32>} : memref<8x512xf32, #tpu.memory_space<vmem>>, vector<16xf32>,
    %get3A_2286 = arith.constant 7 : i32
    %get3A_2287 = arith.index_cast %get3A_2286 : i32 to index
    %get3A_2288 = arith.constant 416 : index
    %get3A_2289 = tpu.vector_load %arg4[%get3A_2287, %get3A_2288] {strides = array<i32>} : memref<8x512xf32, #tpu.memory_space<vmem>>, vector<16xf32>,
    %masked_sort3A_2290 = arith.constant dense<true> : vector<16xi1>
    %masked_sort3A_2291, %masked_sort3A_2292, %masked_sort3A_2293 = tpu.sort %get3A_2285, %get3A_2289 masked %masked_sort3A_2290 {descending = true} : (vector<16xf32>, vector<16xf32>, vector<16xi1>) -> (vector<16xi1>, vector<16xf32>, vector<16xf32>)
    %le3A_2294 = arith.cmpf ole, %masked_sort3A_2280, %masked_sort3A_2292 : vector<16xf32>
    %select_n3A_2295 = arith.select %le3A_2294, %masked_sort3A_2280, %masked_sort3A_2292 : vector<16xi1>, vector<16xf32>
    %select_n3A_2296 = arith.select %le3A_2294, %masked_sort3A_2281, %masked_sort3A_2293 : vector<16xi1>, vector<16xf32>
    %masked_sort3A_2297 = arith.constant dense<true> : vector<16xi1>
    %masked_sort3A_2298, %masked_sort3A_2299, %masked_sort3A_2300 = tpu.sort %select_n3A_2295, %select_n3A_2296 masked %masked_sort3A_2297 : (vector<16xf32>, vector<16xf32>, vector<16xi1>) -> (vector<16xi1>, vector<16xf32>, vector<16xf32>)
    %get3A_2301 = arith.constant 7 : i32
    %get3A_2302 = arith.index_cast %get3A_2301 : i32 to index
    %get3A_2303 = arith.constant 176 : index
    %get3A_2304 = tpu.vector_load %arg4[%get3A_2302, %get3A_2303] {strides = array<i32>} : memref<8x512xf32, #tpu.memory_space<vmem>>, vector<16xf32>,
    %get3A_2305 = arith.constant 7 : i32
    %get3A_2306 = arith.index_cast %get3A_2305 : i32 to index
    %get3A_2307 = arith.constant 432 : index
    %get3A_2308 = tpu.vector_load %arg4[%get3A_2306, %get3A_2307] {strides = array<i32>} : memref<8x512xf32, #tpu.memory_space<vmem>>, vector<16xf32>,
    %masked_sort3A_2309 = arith.constant dense<true> : vector<16xi1>
    %masked_sort3A_2310, %masked_sort3A_2311, %masked_sort3A_2312 = tpu.sort %get3A_2304, %get3A_2308 masked %masked_sort3A_2309 {descending = true} : (vector<16xf32>, vector<16xf32>, vector<16xi1>) -> (vector<16xi1>, vector<16xf32>, vector<16xf32>)
    %le3A_2313 = arith.cmpf ole, %masked_sort3A_2299, %masked_sort3A_2311 : vector<16xf32>
    %select_n3A_2314 = arith.select %le3A_2313, %masked_sort3A_2299, %masked_sort3A_2311 : vector<16xi1>, vector<16xf32>
    %select_n3A_2315 = arith.select %le3A_2313, %masked_sort3A_2300, %masked_sort3A_2312 : vector<16xi1>, vector<16xf32>
    %masked_sort3A_2316 = arith.constant dense<true> : vector<16xi1>
    %masked_sort3A_2317, %masked_sort3A_2318, %masked_sort3A_2319 = tpu.sort %select_n3A_2314, %select_n3A_2315 masked %masked_sort3A_2316 : (vector<16xf32>, vector<16xf32>, vector<16xi1>) -> (vector<16xi1>, vector<16xf32>, vector<16xf32>)
    %get3A_2320 = arith.constant 7 : i32
    %get3A_2321 = arith.index_cast %get3A_2320 : i32 to index
    %get3A_2322 = arith.constant 192 : index
    %get3A_2323 = tpu.vector_load %arg4[%get3A_2321, %get3A_2322] {strides = array<i32>} : memref<8x512xf32, #tpu.memory_space<vmem>>, vector<16xf32>,
    %get3A_2324 = arith.constant 7 : i32
    %get3A_2325 = arith.index_cast %get3A_2324 : i32 to index
    %get3A_2326 = arith.constant 448 : index
    %get3A_2327 = tpu.vector_load %arg4[%get3A_2325, %get3A_2326] {strides = array<i32>} : memref<8x512xf32, #tpu.memory_space<vmem>>, vector<16xf32>,
    %masked_sort3A_2328 = arith.constant dense<true> : vector<16xi1>
    %masked_sort3A_2329, %masked_sort3A_2330, %masked_sort3A_2331 = tpu.sort %get3A_2323, %get3A_2327 masked %masked_sort3A_2328 {descending = true} : (vector<16xf32>, vector<16xf32>, vector<16xi1>) -> (vector<16xi1>, vector<16xf32>, vector<16xf32>)
    %le3A_2332 = arith.cmpf ole, %masked_sort3A_2318, %masked_sort3A_2330 : vector<16xf32>
    %select_n3A_2333 = arith.select %le3A_2332, %masked_sort3A_2318, %masked_sort3A_2330 : vector<16xi1>, vector<16xf32>
    %select_n3A_2334 = arith.select %le3A_2332, %masked_sort3A_2319, %masked_sort3A_2331 : vector<16xi1>, vector<16xf32>
    %masked_sort3A_2335 = arith.constant dense<true> : vector<16xi1>
    %masked_sort3A_2336, %masked_sort3A_2337, %masked_sort3A_2338 = tpu.sort %select_n3A_2333, %select_n3A_2334 masked %masked_sort3A_2335 : (vector<16xf32>, vector<16xf32>, vector<16xi1>) -> (vector<16xi1>, vector<16xf32>, vector<16xf32>)
    %get3A_2339 = arith.constant 7 : i32
    %get3A_2340 = arith.index_cast %get3A_2339 : i32 to index
    %get3A_2341 = arith.constant 208 : index
    %get3A_2342 = tpu.vector_load %arg4[%get3A_2340, %get3A_2341] {strides = array<i32>} : memref<8x512xf32, #tpu.memory_space<vmem>>, vector<16xf32>,
    %get3A_2343 = arith.constant 7 : i32
    %get3A_2344 = arith.index_cast %get3A_2343 : i32 to index
    %get3A_2345 = arith.constant 464 : index
    %get3A_2346 = tpu.vector_load %arg4[%get3A_2344, %get3A_2345] {strides = array<i32>} : memref<8x512xf32, #tpu.memory_space<vmem>>, vector<16xf32>,
    %masked_sort3A_2347 = arith.constant dense<true> : vector<16xi1>
    %masked_sort3A_2348, %masked_sort3A_2349, %masked_sort3A_2350 = tpu.sort %get3A_2342, %get3A_2346 masked %masked_sort3A_2347 {descending = true} : (vector<16xf32>, vector<16xf32>, vector<16xi1>) -> (vector<16xi1>, vector<16xf32>, vector<16xf32>)
    %le3A_2351 = arith.cmpf ole, %masked_sort3A_2337, %masked_sort3A_2349 : vector<16xf32>
    %select_n3A_2352 = arith.select %le3A_2351, %masked_sort3A_2337, %masked_sort3A_2349 : vector<16xi1>, vector<16xf32>
    %select_n3A_2353 = arith.select %le3A_2351, %masked_sort3A_2338, %masked_sort3A_2350 : vector<16xi1>, vector<16xf32>
    %masked_sort3A_2354 = arith.constant dense<true> : vector<16xi1>
    %masked_sort3A_2355, %masked_sort3A_2356, %masked_sort3A_2357 = tpu.sort %select_n3A_2352, %select_n3A_2353 masked %masked_sort3A_2354 : (vector<16xf32>, vector<16xf32>, vector<16xi1>) -> (vector<16xi1>, vector<16xf32>, vector<16xf32>)
    %get3A_2358 = arith.constant 7 : i32
    %get3A_2359 = arith.index_cast %get3A_2358 : i32 to index
    %get3A_2360 = arith.constant 224 : index
    %get3A_2361 = tpu.vector_load %arg4[%get3A_2359, %get3A_2360] {strides = array<i32>} : memref<8x512xf32, #tpu.memory_space<vmem>>, vector<16xf32>,
    %get3A_2362 = arith.constant 7 : i32
    %get3A_2363 = arith.index_cast %get3A_2362 : i32 to index
    %get3A_2364 = arith.constant 480 : index
    %get3A_2365 = tpu.vector_load %arg4[%get3A_2363, %get3A_2364] {strides = array<i32>} : memref<8x512xf32, #tpu.memory_space<vmem>>, vector<16xf32>,
    %masked_sort3A_2366 = arith.constant dense<true> : vector<16xi1>
    %masked_sort3A_2367, %masked_sort3A_2368, %masked_sort3A_2369 = tpu.sort %get3A_2361, %get3A_2365 masked %masked_sort3A_2366 {descending = true} : (vector<16xf32>, vector<16xf32>, vector<16xi1>) -> (vector<16xi1>, vector<16xf32>, vector<16xf32>)
    %le3A_2370 = arith.cmpf ole, %masked_sort3A_2356, %masked_sort3A_2368 : vector<16xf32>
    %select_n3A_2371 = arith.select %le3A_2370, %masked_sort3A_2356, %masked_sort3A_2368 : vector<16xi1>, vector<16xf32>
    %select_n3A_2372 = arith.select %le3A_2370, %masked_sort3A_2357, %masked_sort3A_2369 : vector<16xi1>, vector<16xf32>
    %masked_sort3A_2373 = arith.constant dense<true> : vector<16xi1>
    %masked_sort3A_2374, %masked_sort3A_2375, %masked_sort3A_2376 = tpu.sort %select_n3A_2371, %select_n3A_2372 masked %masked_sort3A_2373 : (vector<16xf32>, vector<16xf32>, vector<16xi1>) -> (vector<16xi1>, vector<16xf32>, vector<16xf32>)
    %get3A_2377 = arith.constant 7 : i32
    %get3A_2378 = arith.index_cast %get3A_2377 : i32 to index
    %get3A_2379 = arith.constant 240 : index
    %get3A_2380 = tpu.vector_load %arg4[%get3A_2378, %get3A_2379] {strides = array<i32>} : memref<8x512xf32, #tpu.memory_space<vmem>>, vector<16xf32>,
    %get3A_2381 = arith.constant 7 : i32
    %get3A_2382 = arith.index_cast %get3A_2381 : i32 to index
    %get3A_2383 = arith.constant 496 : index
    %get3A_2384 = tpu.vector_load %arg4[%get3A_2382, %get3A_2383] {strides = array<i32>} : memref<8x512xf32, #tpu.memory_space<vmem>>, vector<16xf32>,
    %masked_sort3A_2385 = arith.constant dense<true> : vector<16xi1>
    %masked_sort3A_2386, %masked_sort3A_2387, %masked_sort3A_2388 = tpu.sort %get3A_2380, %get3A_2384 masked %masked_sort3A_2385 {descending = true} : (vector<16xf32>, vector<16xf32>, vector<16xi1>) -> (vector<16xi1>, vector<16xf32>, vector<16xf32>)
    %le3A_2389 = arith.cmpf ole, %masked_sort3A_2375, %masked_sort3A_2387 : vector<16xf32>
    %select_n3A_2390 = arith.select %le3A_2389, %masked_sort3A_2375, %masked_sort3A_2387 : vector<16xi1>, vector<16xf32>
    %select_n3A_2391 = arith.select %le3A_2389, %masked_sort3A_2376, %masked_sort3A_2388 : vector<16xi1>, vector<16xf32>
    %masked_sort3A_2392 = arith.constant dense<true> : vector<16xi1>
    %masked_sort3A_2393, %masked_sort3A_2394, %masked_sort3A_2395 = tpu.sort %select_n3A_2390, %select_n3A_2391 masked %masked_sort3A_2392 : (vector<16xf32>, vector<16xf32>, vector<16xi1>) -> (vector<16xi1>, vector<16xf32>, vector<16xf32>)
    %sub3A_2396 = arith.subf %masked_sort3A_2394, %masked_sort3A_2395 : vector<16xf32>
    %mul3A_2397 = arith.mulf %sub3A_2396, %sub3A_2396 : vector<16xf32>
    %add3A_2398 = arith.addf %add3A_2098, %mul3A_2397 : vector<16xf32>
    %swap3A = arith.constant 0 : index
    %swap3A_2399 = tpu.vector_load %arg5[%swap3A] {strides = array<i32>} : memref<16xf32, #tpu.memory_space<vmem>>, vector<16xf32>,
    tpu.vector_store %arg5[%swap3A], %add3A_2398 {strides = array<i32>} : memref<16xf32, #tpu.memory_space<vmem>>, vector<16xf32>,
    "tpu.region"() ({
      %run_scoped3A = tpu.sem_alloc : memref<!tpu.dma_semaphore, #tpu.memory_space<semaphore_mem>>
      %dma_start3A = arith.constant 0 : i32
      %dma_start3A_2400 = tpu.memref_slice %arg3[%add3A, %dma_start3A] : memref<32x16xf32, #tpu.memory_space<hbm>> -> memref<1x16xf32, #tpu.memory_space<hbm>>
      %dma_start3A_2401 = tpu.memref_squeeze %dma_start3A_2400 : memref<1x16xf32, #tpu.memory_space<hbm>> -> memref<16xf32, #tpu.memory_space<hbm>>
      %dma_start3A_2402 = arith.constant 0 : i32
      %dma_start3A_2403 = tpu.memref_slice %arg3[%add3A, %dma_start3A_2402] : memref<32x16xf32, #tpu.memory_space<hbm>> -> memref<1x16xf32, #tpu.memory_space<hbm>>
      %dma_start3A_2404 = tpu.memref_squeeze %dma_start3A_2403 : memref<1x16xf32, #tpu.memory_space<hbm>> -> memref<16xf32, #tpu.memory_space<hbm>>
      tpu.enqueue_dma source(%arg5 : memref<16xf32, #tpu.memory_space<vmem>>) target(%dma_start3A_2404 : memref<16xf32, #tpu.memory_space<hbm>>) target_semaphore(%run_scoped3A : memref<!tpu.dma_semaphore, #tpu.memory_space<semaphore_mem>>)
      %dma_wait3A = arith.constant 0 : i32
      %dma_wait3A_2405 = tpu.memref_slice %arg3[%add3A, %dma_wait3A] : memref<32x16xf32, #tpu.memory_space<hbm>> -> memref<1x16xf32, #tpu.memory_space<hbm>>
      %dma_wait3A_2406 = tpu.memref_squeeze %dma_wait3A_2405 : memref<1x16xf32, #tpu.memory_space<hbm>> -> memref<16xf32, #tpu.memory_space<hbm>>
      %dma_wait3A_2407 = arith.constant 0 : i32
      %dma_wait3A_2408 = tpu.memref_slice %arg3[%add3A, %dma_wait3A_2407] : memref<32x16xf32, #tpu.memory_space<hbm>> -> memref<1x16xf32, #tpu.memory_space<hbm>>
      %dma_wait3A_2409 = tpu.memref_squeeze %dma_wait3A_2408 : memref<1x16xf32, #tpu.memory_space<hbm>> -> memref<16xf32, #tpu.memory_space<hbm>>
      tpu.wait_dma2 semaphore(%run_scoped3A : memref<!tpu.dma_semaphore, #tpu.memory_space<semaphore_mem>>) src(%arg5 : memref<16xf32, #tpu.memory_space<vmem>>) dst(%dma_wait3A_2409 : memref<16xf32, #tpu.memory_space<hbm>>)
      tpu.yield
    }) : () -> ()
    return
  }
}

module attributes {stable_mosaic.version = 14 : i64} {
  func.func @_tc_dist_body(%arg0: memref<256x256xf32, #tpu.memory_space<vmem>>, %arg1: memref<256x256xf32, #tpu.memory_space<vmem>>, %arg2: memref<256x512xf32, #tpu.memory_space<vmem>>, %arg3: memref<1x1xf32, #tpu.memory_space<vmem>>) attributes {dimension_semantics = [], scalar_prefetch = 0 : i64, scratch_operands = 0 : i64, tpu.core_type = #tpu.core_type<tc>} {
    %get3A = arith.constant 0 : index
    %get3A_0 = arith.constant 0 : index
    %get3A_1 = vector.load %arg0[%get3A, %get3A_0] : memref<256x256xf32, #tpu.memory_space<vmem>>, vector<256x256xf32>
    %get3A_2 = arith.constant 0 : index
    %get3A_3 = arith.constant 0 : index
    %get3A_4 = vector.load %arg1[%get3A_2, %get3A_3] : memref<256x256xf32, #tpu.memory_space<vmem>>, vector<256x256xf32>
    %mul3A = arith.mulf %get3A_1, %get3A_1 : vector<256x256xf32>
    %reduce_sum3A = arith.constant dense<0.000000e+00> : vector<256xf32>
    %reduce_sum3A_5 = vector.multi_reduction <add>, %mul3A, %reduce_sum3A [1] : vector<256x256xf32> to vector<256xf32>
    %broadcast_in_dim3A = vector.shape_cast %reduce_sum3A_5 : vector<256xf32> to vector<256x1xf32>
    %add3A = arith.constant 9.99999996E-13 : f32
    %add3A_6 = vector.broadcast %add3A : f32 to vector<256x1xf32>
    %add3A_7 = arith.addf %broadcast_in_dim3A, %add3A_6 : vector<256x1xf32>
    %rsqrt3A = math.rsqrt %add3A_7 : vector<256x1xf32>
    %mul3A_8 = vector.broadcast %rsqrt3A : vector<256x1xf32> to vector<256x256xf32>
    %mul3A_9 = arith.mulf %get3A_1, %mul3A_8 : vector<256x256xf32>
    %mul3A_10 = arith.mulf %get3A_4, %get3A_4 : vector<256x256xf32>
    %reduce_sum3A_11 = arith.constant dense<0.000000e+00> : vector<256xf32>
    %reduce_sum3A_12 = vector.multi_reduction <add>, %mul3A_10, %reduce_sum3A_11 [1] : vector<256x256xf32> to vector<256xf32>
    %broadcast_in_dim3A_13 = vector.shape_cast %reduce_sum3A_12 : vector<256xf32> to vector<256x1xf32>
    %add3A_14 = arith.constant 9.99999996E-13 : f32
    %add3A_15 = vector.broadcast %add3A_14 : f32 to vector<256x1xf32>
    %add3A_16 = arith.addf %broadcast_in_dim3A_13, %add3A_15 : vector<256x1xf32>
    %rsqrt3A_17 = math.rsqrt %add3A_16 : vector<256x1xf32>
    %mul3A_18 = vector.broadcast %rsqrt3A_17 : vector<256x1xf32> to vector<256x256xf32>
    %mul3A_19 = arith.mulf %get3A_4, %mul3A_18 : vector<256x256xf32>
    %dot_general3A = arith.constant dense<0.000000e+00> : vector<256x256xf32>
    %dot_general3A_20 = tpu.matmul %mul3A_9, %mul3A_9, %dot_general3A {dimension_numbers = #tpu.dot_dimension_numbers<[1], [1], [0], [0], [0, 0, 1, 0], [], []>, transpose_lhs_hint = false} : vector<256x256xf32>, vector<256x256xf32>, vector<256x256xf32> -> vector<256x256xf32>
    %dot_general3A_21 = arith.constant dense<0.000000e+00> : vector<256x256xf32>
    %dot_general3A_22 = tpu.matmul %mul3A_19, %mul3A_9, %dot_general3A_21 {dimension_numbers = #tpu.dot_dimension_numbers<[1], [1], [0], [0], [0, 0, 1, 0], [], []>, transpose_lhs_hint = false} : vector<256x256xf32>, vector<256x256xf32>, vector<256x256xf32> -> vector<256x256xf32>
    %mul3A_23 = arith.constant 2.000000e+00 : f32
    %mul3A_24 = vector.broadcast %mul3A_23 : f32 to vector<256x256xf32>
    %mul3A_25 = arith.mulf %mul3A_24, %dot_general3A_20 : vector<256x256xf32>
    %sub3A = arith.constant 2.000000e+00 : f32
    %sub3A_26 = vector.broadcast %sub3A : f32 to vector<256x256xf32>
    %sub3A_27 = arith.subf %sub3A_26, %mul3A_25 : vector<256x256xf32>
    %max3A = arith.constant 0.000000e+00 : f32
    %max3A_28 = vector.broadcast %max3A : f32 to vector<256x256xf32>
    %max3A_29 = arith.maximumf %sub3A_27, %max3A_28 : vector<256x256xf32>
    %add3A_30 = arith.constant 9.99999996E-13 : f32
    %add3A_31 = vector.broadcast %add3A_30 : f32 to vector<256x256xf32>
    %add3A_32 = arith.addf %max3A_29, %add3A_31 : vector<256x256xf32>
    %sqrt3A = math.sqrt %add3A_32 : vector<256x256xf32>
    %mul3A_33 = arith.constant 5.000000e-01 : f32
    %mul3A_34 = vector.broadcast %mul3A_33 : f32 to vector<256x256xf32>
    %mul3A_35 = arith.mulf %mul3A_34, %sqrt3A : vector<256x256xf32>
    %mul3A_36 = arith.constant 2.000000e+00 : f32
    %mul3A_37 = vector.broadcast %mul3A_36 : f32 to vector<256x256xf32>
    %mul3A_38 = arith.mulf %mul3A_37, %dot_general3A_22 : vector<256x256xf32>
    %sub3A_39 = arith.constant 2.000000e+00 : f32
    %sub3A_40 = vector.broadcast %sub3A_39 : f32 to vector<256x256xf32>
    %sub3A_41 = arith.subf %sub3A_40, %mul3A_38 : vector<256x256xf32>
    %max3A_42 = arith.constant 0.000000e+00 : f32
    %max3A_43 = vector.broadcast %max3A_42 : f32 to vector<256x256xf32>
    %max3A_44 = arith.maximumf %sub3A_41, %max3A_43 : vector<256x256xf32>
    %add3A_45 = arith.constant 9.99999996E-13 : f32
    %add3A_46 = vector.broadcast %add3A_45 : f32 to vector<256x256xf32>
    %add3A_47 = arith.addf %max3A_44, %add3A_46 : vector<256x256xf32>
    %sqrt3A_48 = math.sqrt %add3A_47 : vector<256x256xf32>
    %mul3A_49 = arith.constant 5.000000e-01 : f32
    %mul3A_50 = vector.broadcast %mul3A_49 : f32 to vector<256x256xf32>
    %mul3A_51 = arith.mulf %mul3A_50, %sqrt3A_48 : vector<256x256xf32>
    %iota3A = tpu.iota {dimensions = array<i32: 0>} : vector<256x256xi32>
    %iota3A_52 = tpu.iota {dimensions = array<i32: 1>} : vector<256x256xi32>
    %eq3A = arith.cmpi eq, %iota3A, %iota3A_52 : vector<256x256xi32>
    %jit3A = arith.constant 2.000000e+00 : f32
    %broadcast_in_dim3A_53 = vector.broadcast %jit3A : f32 to vector<256x256xf32>
    %select_n3A = arith.select %eq3A, %broadcast_in_dim3A_53, %mul3A_35 : vector<256x256xi1>, vector<256x256xf32>
    %swap3A = arith.constant 0 : index
    %swap3A_54 = arith.constant 0 : index
    %swap3A_55 = vector.load %arg2[%swap3A, %swap3A_54] : memref<256x512xf32, #tpu.memory_space<vmem>>, vector<256x256xf32>
    tpu.vector_store %arg2[%swap3A, %swap3A_54], %select_n3A {strides = array<i32>} : memref<256x512xf32, #tpu.memory_space<vmem>>, vector<256x256xf32>,
    %swap3A_56 = arith.constant 0 : index
    %swap3A_57 = arith.constant 256 : index
    %swap3A_58 = vector.load %arg2[%swap3A_56, %swap3A_57] : memref<256x512xf32, #tpu.memory_space<vmem>>, vector<256x256xf32>
    tpu.vector_store %arg2[%swap3A_56, %swap3A_57], %mul3A_51 {strides = array<i32>} : memref<256x512xf32, #tpu.memory_space<vmem>>, vector<256x256xf32>,
    %reduce_min3A = arith.constant dense<0x7F800000> : vector<256xf32>
    %reduce_min3A_59 = vector.multi_reduction <minimumf>, %select_n3A, %reduce_min3A [1] : vector<256x256xf32> to vector<256xf32>
    %jit3A_60 = arith.constant 0.000000e+00 : f32
    %broadcast_in_dim3A_61 = vector.broadcast %jit3A_60 : f32 to vector<256x256xf32>
    %select_n3A_62 = arith.select %eq3A, %mul3A_51, %broadcast_in_dim3A_61 : vector<256x256xi1>, vector<256x256xf32>
    %reduce_sum3A_63 = arith.constant dense<0.000000e+00> : vector<256xf32>
    %reduce_sum3A_64 = vector.multi_reduction <add>, %select_n3A_62, %reduce_sum3A_63 [1] : vector<256x256xf32> to vector<256xf32>
    %add3A_65 = arith.constant 6.000000e-01 : f32
    %add3A_66 = vector.broadcast %add3A_65 : f32 to vector<256xf32>
    %add3A_67 = arith.addf %reduce_sum3A_64, %add3A_66 : vector<256xf32>
    %sub3A_68 = arith.subf %add3A_67, %reduce_min3A_59 : vector<256xf32>
    %max3A_69 = arith.constant 0.000000e+00 : f32
    %max3A_70 = vector.broadcast %max3A_69 : f32 to vector<256xf32>
    %max3A_71 = arith.maximumf %sub3A_68, %max3A_70 : vector<256xf32>
    %reduce_sum3A_72 = vector.shape_cast %max3A_71 : vector<256xf32> to vector<1x256xf32>
    %reduce_sum3A_73 = arith.constant dense<0.000000e+00> : vector<1xf32>
    %reduce_sum3A_74 = vector.multi_reduction <add>, %reduce_sum3A_72, %reduce_sum3A_73 [1] : vector<1x256xf32> to vector<1xf32>
    %reduce_sum3A_75 = vector.shape_cast %reduce_sum3A_74 : vector<1xf32> to vector<1x1xf32>
    %reduce_sum3A_76 = vector.extract %reduce_sum3A_75[0, 0] : f32 from vector<1x1xf32>
    %sub3A_77 = arith.constant 1.024000e+01 : f32
    %sub3A_78 = arith.subf %reduce_sum3A_76, %sub3A_77 : f32
    %reshape3A = vector.broadcast %sub3A_78 : f32 to vector<1x1xf32>
    %swap3A_79 = arith.constant 0 : index
    %swap3A_80 = arith.constant 0 : index
    %swap3A_81 = vector.load %arg3[%swap3A_79, %swap3A_80] : memref<1x1xf32, #tpu.memory_space<vmem>>, vector<1x1xf32>
    tpu.vector_store %arg3[%swap3A_79, %swap3A_80], %reshape3A {strides = array<i32>} : memref<1x1xf32, #tpu.memory_space<vmem>>, vector<1x1xf32>,
    return
  }
}

</mosaic_0001>

<sc_bundles>
// kernel: kernel.4.cloned.1.call-start
scs
__scs_entry_jumppad:
0x0: {  	(pc) =	sbr.rel $0x88, $3  }
0x1: {  	(tag) =	ssettag $0x0;
	lr =	simm.s32 $0x1  }
0x2: {  	[smem:$0x3F9F] =	sst lr;
	_ =	strace $0xD0000000  }
0x3: {  	_ = 	snop  }
0x4: {  	_ = 	snop  }
0x5: {  	_ = 	snop  }
0x6: {  	_ = 	snop  }
0x7: {  	_ = 	snop  }
__scs_overlays_trampoline_lowered:
0x8: {  	[smem:$0x3FAE] =	sst s0  }
0x9: {  	[smem:$0x3FAF] =	sst s1  }
0xa: {  	[smem:$0x3FB0] =	sst s2  }
0xb: {  	[smem:$0x3FB1] =	sst s3  }
0xc: {  	[smem:$0x3FB2] =	sst s4  }
0xd: {  	[smem:$0x3FB3] =	sst s5  }
0xe: {  	[smem:$0x3FB4] =	sst s6  }
0xf: {  	[smem:$0x3FB5] =	sst s7  }
0x10: {  	[smem:$0x3FB6] =	sst s8  }
0x11: {  	[smem:$0x3FB7] =	sst s9;
	s0 =	simm.s32 @!p0 $0x0  }
0x12: {  	s1 =	sld [smem:$0x3F9D];
	s0 =	simm.s32 @p0 $0x1  }
0x13: {  	[smem:$0x3FB8] =	sst s0;
	s0 =	simm.s32 @!p1 $0x0  }
0x14: {  	s2 =	sld [smem:$0x3F9C];
	s0 =	simm.s32 @p1 $0x1  }
0x15: {  	[smem:$0x3FB9] =	sst s0;
	s0 =	simm.s32 @!p2 $0x0  }
0x16: {  	s3 =	sld [smem:$0x3FDB];
	s0 =	simm.s32 @p2 $0x1  }
0x17: {  	s4 =	simm.s32 $0x1BF5;
	[smem:$0x3FBB] =	sst s0  }
0x18: {  	s0 =	sld [smem:$0x3F9E];
	_ =	swait.ge [sflag:s4], $0x0  }
0x19: {  	s7 =	sld [smem:$0x3F9F]  }
0x1a: {  	s8 =	sadd.s32 $0xFFFFE003, lr  }
0x1b: {  	s9 =	sadd.s32 $0xFFFFFEF7, lr;
	s5 =	simm.s32 $0xFFFFFFFF;
	p2 =	slt.u32 s8, $0xFFFFF086  }
0x1c: {  	p1 =	slt.u32 s9, $0xF7A;
	s5 =	simm.s32 @!p2 $0x0  }
0x1d: {  	s5 =	simm.s32 @p1 $0x1;
	p0 =	seq.s32 s7, s2  }
0x1e: {  	s7 =	smul.u32 @!p0 $0xF7A, s2;
	p2 =	seq.s32 @!p0 s5, $0x0  }
0x1f: {  	s9 =	smul.u32 $0xF7A, s1;
	s8 =	simm.s32 @!p0 $0x1BF5;
	p2 =	por !p2, p0  }
0x20: {  	[sflag:s8] =	ssyncset.s32 @!p0 $0xFFFFF086;
	s6 =	sadd.s32 @!p0 s3, s7;
	s7 =	simm.s32 @!p0 $0x108  }
0x21: {  	s3 =	sadd.s32 s3, s9;
	s6 =	sadd.s32 @!p0 $0x88, s6;
	s7 =	simm.s32 @p2 $0x1082  }
0x22: {  	[simem:s7], [sflag:s8] =	dma.local @!p0 [hbm:s6], $0xF7A  }
0x23: {  	s9 =	sor.u32 $0xD0000000, s2;
	s6 =	simm.s32 $0x108;
	_ =	swait.ge @!p0 [sflag:s8], $0x0  }
0x24: {  	s3 =	sadd.s32 $0x88, s3;
	s6 =	simm.s32 @!p1 $0x1082;
	[sflag:s4] =	ssyncset.s32 $0xFFFFF086  }
0x25: {  	[simem:s6], [sflag:s4] =	dma.local [hbm:s3], $0xF7A  }
0x26: {  	[smem:$0x3F9F] =	sst s1;
	(tag) =	ssettag s2;
	_ =	strace s9  }
0x27: {  	s1 =	sld [smem:$0x3FAF]  }
0x28: {  	s2 =	sld [smem:$0x3FB0]  }
0x29: {  	s4 =	sld [smem:$0x3FB2]  }
0x2a: {  	p0 =	seq.s32 s5, $0x0;
	s5 =	sld [smem:$0x3FB3]  }
0x2b: {  	s6 =	sld [smem:$0x3FB4]  }
0x2c: {  	s7 =	sld [smem:$0x3FB5]  }
0x2d: {  	s3 =	simm.s32 $0x108;
	s8 =	sld [smem:$0x3FB6]  }
0x2e: {  	s3 =	simm.s32 @!p0 $0x1082;
	s9 =	sld [smem:$0x3FB7]  }
0x2f: {  	lr =	sadd.s32 s0, s3;
	s0 =	sld [smem:$0x3FAE]  }
0x30: {  	s3 =	sld [smem:$0x3FB1]  }
0x31: {  	[smem:$0x3FBA] =	sst s10  }
0x32: {  	s10 =	sld [smem:$0x3FB8];
	_ =	sdelay $0x3  }
0x33: {  	p0 =	seq.s32 s10, $0x1;
	s10 =	sld [smem:$0x3FBA];
	_ =	sdelay $0x3  }
0x34: {  	[smem:$0x3FBA] =	sst s10  }
0x35: {  	s10 =	sld [smem:$0x3FB9];
	_ =	sdelay $0x3  }
0x36: {  	p1 =	seq.s32 s10, $0x1;
	s10 =	sld [smem:$0x3FBA];
	_ =	sdelay $0x3  }
0x37: {  	[smem:$0x3FBA] =	sst s10  }
0x38: {  	s10 =	sld [smem:$0x3FBB]  }
0x39: {  	_ = 	snop;
	(pc) =	sbr.ind lr, $3  }
0x3a: {  	_ = 	snop  }
0x3b: {  	_ = 	snop  }
0x3c: {  	p2 =	seq.s32 s10, $0x1;
	s10 =	sld [smem:$0x3FBA]  }
0x3d: {  	_ =	shalt  }
0x3e: {  	_ =	shalt  }
0x3f: {  	_ =	shalt  }
0x40: {  	_ =	shalt  }
0x41: {  	_ =	shalt  }
0x42: {  	_ =	shalt  }
0x43: {  	_ =	shalt  }
0x44: {  	_ =	shalt  }
0x45: {  	_ =	shalt  }
0x46: {  	_ =	shalt  }
0x47: {  	_ =	shalt  }
0x48: {  	_ =	shalt  }
0x49: {  	_ =	shalt  }
0x4a: {  	_ =	shalt  }
0x4b: {  	_ =	shalt  }
0x4c: {  	_ =	shalt  }
0x4d: {  	_ =	shalt  }
0x4e: {  	_ =	shalt  }
0x4f: {  	_ =	shalt  }
0x50: {  	_ =	shalt  }
0x51: {  	_ =	shalt  }
0x52: {  	_ =	shalt  }
0x53: {  	_ =	shalt  }
0x54: {  	_ =	shalt  }
0x55: {  	_ =	shalt  }
0x56: {  	_ =	shalt  }
0x57: {  	_ =	shalt  }
0x58: {  	_ =	shalt  }
0x59: {  	_ =	shalt  }
0x5a: {  	_ =	shalt  }
0x5b: {  	_ =	shalt  }
0x5c: {  	_ =	shalt  }
0x5d: {  	_ =	shalt  }
0x5e: {  	_ =	shalt  }
0x5f: {  	_ =	shalt  }
0x60: {  	_ =	shalt  }
0x61: {  	_ =	shalt  }
0x62: {  	_ =	shalt  }
0x63: {  	_ =	shalt  }
0x64: {  	_ =	shalt  }
0x65: {  	_ =	shalt  }
0x66: {  	_ =	shalt  }
0x67: {  	_ =	shalt  }
0x68: {  	_ =	shalt  }
0x69: {  	_ =	shalt  }
0x6a: {  	_ =	shalt  }
0x6b: {  	_ =	shalt  }
0x6c: {  	_ =	shalt  }
0x6d: {  	_ =	shalt  }
0x6e: {  	_ =	shalt  }
0x6f: {  	_ =	shalt  }
0x70: {  	_ =	shalt  }
0x71: {  	_ =	shalt  }
0x72: {  	_ =	shalt  }
0x73: {  	_ =	shalt  }
0x74: {  	_ =	shalt  }
0x75: {  	_ =	shalt  }
0x76: {  	_ =	shalt  }
0x77: {  	_ =	shalt  }
0x78: {  	_ =	shalt  }
0x79: {  	_ =	shalt  }
0x7a: {  	_ =	shalt  }
0x7b: {  	_ =	shalt  }
0x7c: {  	_ =	shalt  }
0x7d: {  	_ =	shalt  }
0x7e: {  	_ =	shalt  }
0x7f: {  	_ =	shalt  }
0x80: {  	_ =	shalt  }
0x81: {  	_ =	shalt  }
0x82: {  	_ =	shalt  }
0x83: {  	_ =	shalt  }
0x84: {  	_ =	shalt  }
0x85: {  	_ =	shalt  }
0x86: {  	_ =	shalt  }
0x87: {  	_ =	shalt  }
.Lfunc_end0:
.L_simem_size_0:
called_computation_lowered:
.L_overlay_start_0:
0x88: {  	s2 =	sld [smem:$0x3FD9]  }
0x89: {  	s3 =	sld [smem:$0x3FFE];
	_ =	sdelay $0x1  }
0x8a: {  	s1 =	srdreg.scid  }
0x8b: {  	s0 =	sand.u32 $0x1, s1  }
0x8c: {  	s16 =	sshll.u32 s0, $0xA;
	s2 =	sadd.s32 s3, s2  }
0x8d: {  	s2 =	sadd.s32 s2, s16  }
0x8e: {  	[smem:$0x3FC6] =	sst s2  }
0x8f: {  	_ = 	snop  }
0x90: {  	(tm) =	ssettm $0x1  }
0x91: {  	s17 =	sld [smem:$0x3FFB];
	_ =	sdelay $0x3  }
0x92: {  	_ =	strace s17  }
0x93: {  	s2 =	sld [smem:$0x3FFC];
	_ =	sdelay $0x3  }
0x94: {  	_ =	strace s2  }
0x95: {  	s2 =	sld [smem:$0x3FFD];
	_ =	sdelay $0x3  }
0x96: {  	_ =	strace s2  }
0x97: {  	_ =	strace $0x8FFFFFFF  }
0x98: {  	s18 =	sld [smem:$0x3FDB];
	_ =	sdelay $0x1  }
0x99: {  	s19 =	simm.s32 $_scs_section_size  }
0x9a: {  	s4 =	simm.s32 $_size__tile_overlayer_lowered;
	s5 =	simm.s32 $_tile_overlayer_lowered  }
0x9b: {  	s22 =	simm.s32 $0x1BFF;
	s21 =	sshll.u32 s5, $0x1;
	s2 =	sadd.s32 s19, s18  }
0x9c: {  	s6 =	simm.s32 $0x0;
	s20 =	sshll.u32 s4, $0x1;
	s4 =	sadd.s32 s21, s2  }
0x9d: {  	[timem:s6], [sflag:s22] =	dma.local [hbm:s4], s20  }
0x9e: {  	_ =	swait.ge [sflag:s22], s20  }
0x9f: {  	s3 =	ssub.s32 $0x0, s20;
	[sflag:s22] =	ssyncset.done $0x0  }
0xa0: {  	[sflag:s22] =	ssyncadd.s32 s3;
	_ =	sdelay $0x1  }
0xa1: {  	s23 =	simm.s32 $0x1B8B  }
0xa2: {  	_ =	swait.ge [sflag:s23], $0x1  }
0xa3: {  	[sflag:s23] =	ssyncset.done $0x0  }
0xa4: {  	s25 =	simm.s32 $0x1B8E;
	s24 =	sld [smem:$0x3FFE];
	[sflag:s23] =	ssyncadd.s32 $0xFFFFFFFF  }
0xa5: {  	s26 =	simm.s32 $execute0_lowered;
	[smem:$0x3FD2] =	sst s25  }
0xa6: {  	s4 =	sshll.u32 s26, $0x1;
	_ =	strace $0x80000046;
	[dreg:$0x1] =	wrdreg $0xFFFFFFFF  }
0xa7: {  	s28 =	simm.s32 $_size_execute0_lowered;
	s2 =	sadd.s32 s2, s4;
	[dreg:$0x0] =	wrdreg $0x0  }
0xa8: {  	s4 =	sshll.u32 s28, $0x1;
	[dreg:$0x2] =	wrdreg s2  }
0xa9: {  	[dreg:$0x3] =	wrdreg s4  }
0xaa: {  	[dreg:$0x4] =	wrdreg $0xC0  }
0xab: {  	_ =	task [dreg:s6], $0x5FFFF  }
0xac: {  	[dreg:$0x1] =	wrdreg $0xFFFFFFFF  }
0xad: {  	[dreg:$0x0] =	wrdreg $0x60  }
0xae: {  	[dreg:$0x2] =	wrdreg s24  }
0xaf: {  	[dreg:$0x3] =	wrdreg $0x9  }
0xb0: {  	_ =	task.clear_ibuf [dreg:s6], $0x4FFFF;
	_ =	strace $0x90000046  }
0xb1: {  	s29 =	simm.s32 $0x9;
	_ =	strace $0x80000048  }
0xb2: {  	_ =	swait.ge [sflag:s29], $0x1  }
0xb3: {  	[sflag:s29] =	ssyncadd.s32 $0xFFFFFFFF  }
0xb4: {  	_ =	strace $0x90000048  }
0xb5: {  	_ =	sfence  }
0xb6: {  	s30 =	sld [smem:$0x0];
	_ =	sdelay $0x2  }
0xb7: {  	s31 =	sshll.u32 s1, $0xD;
	s1 =	sshrl.u32 s1, $0x2  }
0xb8: {  	s3 =	sand.u32 $0x4000, s31;
	s1 =	sadd.s32 s1, s30  }
0xb9: {  	s0 =	sor.u32 s3, s0;
	s1 =	sshll.u32 s1, $0x11  }
0xba: {  	s0 =	sor.u32 s1, s0  }
0xbb: {  	s0 =	sadd.s32 $0x8F2B, s0  }
0xbc: {  	[sflag:s0] =	ssyncadd.remote.s32 $0x1  }
0xbd: {  	_ =	sfence.sel $0xFFFF  }
0xbe: {  	[dreg:$0x0] =	wrdreg $0xFFFFFFFF;
	(pc) =	sbr.abs _section_cstart, $3  }
0xbf: {  	[dreg:$0x1] =	wrdreg $0xFFFFFFFF  }
0xc0: {  	_ =	task.clear_ibuf [dreg:s6], $0x2FFFF;
	_ =	strace $0x9FFFFFFF  }
0xc1: {  	(tm) =	ssettm $0x7FFFFFFF  }
tec
execute0_lowered:
.L_overlay_start_1:
0x0: {  	(tag) =	ssettag $0x1  }
0x1: {  	s3 =	rddreg [dreg:$0x0]  }
0x2: {  	s2 =	simm.s32 $0x0;
	s4 =	srdreg.scid;
	s1 =	stileid.u32  }
0x3: {  	[smem:$0x7FF] =	sst s2;
	s4 =	sand.u32 $0x1, s4;
	s5 =	sshll.u32 s1, $0x1  }
0x4: {  	s0 =	rddreg [dreg:$0x1];
	_ =	strace $0x80000047;
	s5 =	sor.u32 s4, s5  }
0x5: {  	s4 =	ssub.s32 $0x2, s4;
	s6 =	sshll.u32 s5, $0x9;
	s5 =	sshll.u32 s5, $0x4  }
0x6: {  	s31 =	sshrl.u32 s4, $0x1;
	s6 =	sadd.s32 s6, s3;
	s5 =	sadd.s32 s5, s3  }
0x7: {  	s7 =	ssub.s32 s4, s31;
	s3 =	sadd.s32 $0x800, s6;
	s4 =	sadd.s32 $0x4800, s5  }
0x8: {  	s5 =	smax.u32 s7, $0x1;
	s6 =	simm.s32 $0x1;
	s7 =	simm.s32 $0x1000  }
.LBB2_1:
0x9: {  	[tilespmem:s2], [sflag:$0x1] =	stream.linear.gather [hbm4b:s3+s2], $0x1000, $0x38;
	[tilespmem:$0x1080] =	vst v63  }
0xa: {  	_ =	swait.ge [sflag:s6], $0x1000  }
0xb: {  	[sflag:s6] =	ssyncset.done $0x0  }
0xc: {  	[sflag:s6] =	ssyncadd.s32 $0xFFFFF000  }
0xd: {  	v0 =	vld [tilespmem:$0x0]  }
0xe: {  	v1 =	vld [tilespmem:$0x800]  }
0xf: {  	v2 =	vld [tilespmem:$0x10]  }
0x10: {  	v3 =	vld [tilespmem:$0x810];
	_ =	sdelay $0x3  }
0x11: {  	(xrf1) =	vsort.ascd.msk.f32 $0xffff, v0, v1  }
0x12: {  	(xrf1) =	vsort.dscd.msk.f32 $0xffff, v2, v3;
	_ =	sdelay $0xb  }
0x13: {  	v54 =	vld [tilespmem:$0x20]  }
0x14: {  	v56 =	vld [tilespmem:$0x820];
	v1, v55, _ =	vpop (xrf1)  }
0x15: {  	v4, v5, _ =	vpop (xrf1)  }
0x16: {  	vm0 =	vle.f32 v1, v4  }
0x17: {  	v1 =	vsel vm0, v1, v4;
	v2 =	vsel vm0, v55, v5  }
0x18: {  	(xrf1) =	vsort.ascd.msk.f32 $0xffff, v1, v2  }
0x19: {  	(xrf1) =	vsort.dscd.msk.f32 $0xffff, v54, v56;
	_ =	sdelay $0xb  }
0x1a: {  	v57 =	vld [tilespmem:$0x30]  }
0x1b: {  	v58 =	vld [tilespmem:$0x830];
	v1, v2, _ =	vpop (xrf1)  }
0x1c: {  	v59, v60, _ =	vpop (xrf1)  }
0x1d: {  	vm5 =	vle.f32 v1, v59  }
0x1e: {  	v1 =	vsel vm5, v1, v59;
	v2 =	vsel vm5, v2, v60  }
0x1f: {  	(xrf1) =	vsort.ascd.msk.f32 $0xffff, v1, v2  }
0x20: {  	(xrf1) =	vsort.dscd.msk.f32 $0xffff, v57, v58;
	_ =	sdelay $0xb  }
0x21: {  	v61 =	vld [tilespmem:$0x40]  }
0x22: {  	v62 =	vld [tilespmem:$0x840];
	v1, v2, _ =	vpop (xrf1)  }
0x23: {  	v63, v8, _ =	vpop (xrf1)  }
0x24: {  	vm6 =	vle.f32 v1, v63  }
0x25: {  	v1 =	vsel vm6, v1, v63;
	v2 =	vsel vm6, v2, v8  }
0x26: {  	(xrf1) =	vsort.ascd.msk.f32 $0xffff, v1, v2  }
0x27: {  	(xrf1) =	vsort.dscd.msk.f32 $0xffff, v61, v62;
	_ =	sdelay $0xb  }
0x28: {  	v9 =	vld [tilespmem:$0x50]  }
0x29: {  	v10 =	vld [tilespmem:$0x850];
	v1, v2, _ =	vpop (xrf1)  }
0x2a: {  	v11, v12, _ =	vpop (xrf1)  }
0x2b: {  	vm7 =	vle.f32 v1, v11  }
0x2c: {  	v1 =	vsel vm7, v1, v11;
	v2 =	vsel vm7, v2, v12  }
0x2d: {  	(xrf1) =	vsort.ascd.msk.f32 $0xffff, v1, v2  }
0x2e: {  	(xrf1) =	vsort.dscd.msk.f32 $0xffff, v9, v10;
	_ =	sdelay $0xb  }
0x2f: {  	v13 =	vld [tilespmem:$0x60]  }
0x30: {  	v14 =	vld [tilespmem:$0x860];
	v1, v2, _ =	vpop (xrf1)  }
0x31: {  	v15, v16, _ =	vpop (xrf1)  }
0x32: {  	vm8 =	vle.f32 v1, v15  }
0x33: {  	v1 =	vsel vm8, v1, v15;
	v2 =	vsel vm8, v2, v16  }
0x34: {  	(xrf1) =	vsort.ascd.msk.f32 $0xffff, v1, v2  }
0x35: {  	(xrf1) =	vsort.dscd.msk.f32 $0xffff, v13, v14;
	_ =	sdelay $0xb  }
0x36: {  	v17 =	vld [tilespmem:$0x70]  }
0x37: {  	v18 =	vld [tilespmem:$0x870];
	v1, v2, _ =	vpop (xrf1)  }
0x38: {  	v19, v20, _ =	vpop (xrf1)  }
0x39: {  	vm9 =	vle.f32 v1, v19  }
0x3a: {  	v1 =	vsel vm9, v1, v19;
	v2 =	vsel vm9, v2, v20  }
0x3b: {  	(xrf1) =	vsort.ascd.msk.f32 $0xffff, v1, v2  }
0x3c: {  	(xrf1) =	vsort.dscd.msk.f32 $0xffff, v17, v18;
	_ =	sdelay $0xb  }
0x3d: {  	v21 =	vld [tilespmem:$0x400]  }
0x3e: {  	v22 =	vld [tilespmem:$0xC00];
	v1, v2, _ =	vpop (xrf1)  }
0x3f: {  	v23, v24, _ =	vpop (xrf1)  }
0x40: {  	vm10 =	vle.f32 v1, v23  }
0x41: {  	v1 =	vsel vm10, v1, v23;
	v2 =	vsel vm10, v2, v24  }
0x42: {  	(xrf1) =	vsort.ascd.msk.f32 $0xffff, v1, v2  }
0x43: {  	(xrf1) =	vsort.dscd.msk.f32 $0xffff, v21, v22;
	_ =	sdelay $0xb  }
0x44: {  	v25 =	vld [tilespmem:$0x410]  }
0x45: {  	v26 =	vld [tilespmem:$0xC10];
	v1, v2, _ =	vpop (xrf1)  }
0x46: {  	v27, v28, _ =	vpop (xrf1)  }
0x47: {  	vm11 =	vle.f32 v1, v27  }
0x48: {  	v1 =	vsel vm11, v1, v27;
	v2 =	vsel vm11, v2, v28  }
0x49: {  	(xrf1) =	vsort.ascd.msk.f32 $0xffff, v1, v2  }
0x4a: {  	(xrf1) =	vsort.dscd.msk.f32 $0xffff, v25, v26;
	_ =	sdelay $0xb  }
0x4b: {  	v29 =	vld [tilespmem:$0x420]  }
0x4c: {  	v30 =	vld [tilespmem:$0xC20];
	v1, v2, _ =	vpop (xrf1)  }
0x4d: {  	v31, v32, _ =	vpop (xrf1)  }
0x4e: {  	vm12 =	vle.f32 v1, v31  }
0x4f: {  	v1 =	vsel vm12, v1, v31;
	v2 =	vsel vm12, v2, v32  }
0x50: {  	(xrf1) =	vsort.ascd.msk.f32 $0xffff, v1, v2  }
0x51: {  	(xrf1) =	vsort.dscd.msk.f32 $0xffff, v29, v30;
	_ =	sdelay $0xb  }
0x52: {  	v33 =	vld [tilespmem:$0x430]  }
0x53: {  	v34 =	vld [tilespmem:$0xC30];
	v1, v2, _ =	vpop (xrf1)  }
0x54: {  	v35, v36, _ =	vpop (xrf1)  }
0x55: {  	vm13 =	vle.f32 v1, v35  }
0x56: {  	v1 =	vsel vm13, v1, v35;
	v2 =	vsel vm13, v2, v36  }
0x57: {  	(xrf1) =	vsort.ascd.msk.f32 $0xffff, v1, v2  }
0x58: {  	(xrf1) =	vsort.dscd.msk.f32 $0xffff, v33, v34;
	_ =	sdelay $0xb  }
0x59: {  	v37 =	vld [tilespmem:$0x440]  }
0x5a: {  	v38 =	vld [tilespmem:$0xC40];
	v1, v2, _ =	vpop (xrf1)  }
0x5b: {  	v39, v40, _ =	vpop (xrf1)  }
0x5c: {  	vm14 =	vle.f32 v1, v39  }
0x5d: {  	v1 =	vsel vm14, v1, v39;
	v2 =	vsel vm14, v2, v40  }
0x5e: {  	(xrf1) =	vsort.ascd.msk.f32 $0xffff, v1, v2  }
0x5f: {  	(xrf1) =	vsort.dscd.msk.f32 $0xffff, v37, v38;
	_ =	sdelay $0xb  }
0x60: {  	v41 =	vld [tilespmem:$0x450]  }
0x61: {  	v42 =	vld [tilespmem:$0xC50];
	v1, v2, _ =	vpop (xrf1)  }
0x62: {  	v43, v44, _ =	vpop (xrf1)  }
0x63: {  	vm15 =	vle.f32 v1, v43  }
0x64: {  	v1 =	vsel vm15, v1, v43;
	v2 =	vsel vm15, v2, v44  }
0x65: {  	(xrf1) =	vsort.ascd.msk.f32 $0xffff, v1, v2  }
0x66: {  	(xrf1) =	vsort.dscd.msk.f32 $0xffff, v41, v42;
	_ =	sdelay $0xb  }
0x67: {  	v45 =	vld [tilespmem:$0x460]  }
0x68: {  	v46 =	vld [tilespmem:$0xC60];
	v1, v2, _ =	vpop (xrf1)  }
0x69: {  	v47, v48, _ =	vpop (xrf1)  }
0x6a: {  	vm4 =	vle.f32 v1, v47  }
0x6b: {  	v1 =	vsel vm4, v1, v47;
	v2 =	vsel vm4, v2, v48  }
0x6c: {  	(xrf1) =	vsort.ascd.msk.f32 $0xffff, v1, v2  }
0x6d: {  	(xrf1) =	vsort.dscd.msk.f32 $0xffff, v45, v46;
	_ =	sdelay $0xb  }
0x6e: {  	v49 =	vld [tilespmem:$0x470]  }
0x6f: {  	v50 =	vld [tilespmem:$0xC70];
	v1, v2, _ =	vpop (xrf1)  }
0x70: {  	v51, v52, _ =	vpop (xrf1)  }
0x71: {  	vm5 =	vle.f32 v1, v51  }
0x72: {  	v1 =	vsel vm5, v1, v51;
	v2 =	vsel vm5, v2, v52  }
0x73: {  	(xrf1) =	vsort.ascd.msk.f32 $0xffff, v1, v2  }
0x74: {  	(xrf1) =	vsort.dscd.msk.f32 $0xffff, v49, v50;
	_ =	sdelay $0xa  }
0x75: {  	v53 =	vld [tilespmem:$0x80]  }
0x76: {  	v7 =	vld [tilespmem:$0x890]  }
0x77: {  	v54 =	vld [tilespmem:$0x880];
	v2, v55, _ =	vpop (xrf1)  }
0x78: {  	v56 =	vld [tilespmem:$0x90];
	v57, v6, _ =	vpop (xrf1)  }
0x79: {  	vm6 =	vle.f32 v2, v57  }
0x7a: {  	v2 =	vsel vm6, v2, v57;
	v3 =	vsel vm6, v55, v6  }
0x7b: {  	(xrf1) =	vsort.ascd.msk.f32 $0xffff, v2, v3  }
0x7c: {  	(xrf1) =	vsort.ascd.msk.f32 $0xffff, v53, v54  }
0x7d: {  	(xrf1) =	vsort.dscd.msk.f32 $0xffff, v56, v7;
	_ =	sdelay $0xb  }
0x7e: {  	v58 =	vld [tilespmem:$0xA0];
	v0, v1, _ =	vpop (xrf1)  }
0x7f: {  	v61 =	vld [tilespmem:$0x8A0];
	v59, v60, _ =	vpop (xrf1)  }
0x80: {  	v62, v7, _ =	vpop (xrf1)  }
0x81: {  	vm7 =	vle.f32 v59, v62  }
0x82: {  	v3 =	vsel vm7, v59, v62;
	v4 =	vsel vm7, v60, v7  }
0x83: {  	(xrf1) =	vsort.ascd.msk.f32 $0xffff, v3, v4  }
0x84: {  	(xrf1) =	vsort.dscd.msk.f32 $0xffff, v58, v61;
	_ =	sdelay $0xb  }
0x85: {  	v63 =	vld [tilespmem:$0xB0]  }
0x86: {  	v9 =	vld [tilespmem:$0x8B0];
	v3, v4, _ =	vpop (xrf1)  }
0x87: {  	v10, v11, _ =	vpop (xrf1)  }
0x88: {  	vm8 =	vle.f32 v3, v10  }
0x89: {  	v3 =	vsel vm8, v3, v10;
	v4 =	vsel vm8, v4, v11  }
0x8a: {  	(xrf1) =	vsort.ascd.msk.f32 $0xffff, v3, v4  }
0x8b: {  	(xrf1) =	vsort.dscd.msk.f32 $0xffff, v63, v9;
	_ =	sdelay $0xb  }
0x8c: {  	v12 =	vld [tilespmem:$0xC0]  }
0x8d: {  	v13 =	vld [tilespmem:$0x8C0];
	v3, v4, _ =	vpop (xrf1)  }
0x8e: {  	v14, v15, _ =	vpop (xrf1)  }
0x8f: {  	vm9 =	vle.f32 v3, v14  }
0x90: {  	v3 =	vsel vm9, v3, v14;
	v4 =	vsel vm9, v4, v15  }
0x91: {  	(xrf1) =	vsort.ascd.msk.f32 $0xffff, v3, v4  }
0x92: {  	(xrf1) =	vsort.dscd.msk.f32 $0xffff, v12, v13;
	_ =	sdelay $0xb  }
0x93: {  	v16 =	vld [tilespmem:$0xD0]  }
0x94: {  	v17 =	vld [tilespmem:$0x8D0];
	v3, v4, _ =	vpop (xrf1)  }
0x95: {  	v18, v19, _ =	vpop (xrf1)  }
0x96: {  	vm10 =	vle.f32 v3, v18  }
0x97: {  	v3 =	vsel vm10, v3, v18;
	v4 =	vsel vm10, v4, v19  }
0x98: {  	(xrf1) =	vsort.ascd.msk.f32 $0xffff, v3, v4  }
0x99: {  	(xrf1) =	vsort.dscd.msk.f32 $0xffff, v16, v17;
	_ =	sdelay $0xb  }
0x9a: {  	v20 =	vld [tilespmem:$0xE0]  }
0x9b: {  	v21 =	vld [tilespmem:$0x8E0];
	v3, v4, _ =	vpop (xrf1)  }
0x9c: {  	v22, v23, _ =	vpop (xrf1)  }
0x9d: {  	vm11 =	vle.f32 v3, v22  }
0x9e: {  	v3 =	vsel vm11, v3, v22;
	v4 =	vsel vm11, v4, v23  }
0x9f: {  	(xrf1) =	vsort.ascd.msk.f32 $0xffff, v3, v4  }
0xa0: {  	(xrf1) =	vsort.dscd.msk.f32 $0xffff, v20, v21;
	_ =	sdelay $0xb  }
0xa1: {  	v24 =	vld [tilespmem:$0xF0]  }
0xa2: {  	v25 =	vld [tilespmem:$0x8F0];
	v3, v4, _ =	vpop (xrf1)  }
0xa3: {  	v26, v27, _ =	vpop (xrf1)  }
0xa4: {  	vm12 =	vle.f32 v3, v26  }
0xa5: {  	v3 =	vsel vm12, v3, v26;
	v4 =	vsel vm12, v4, v27  }
0xa6: {  	(xrf1) =	vsort.ascd.msk.f32 $0xffff, v3, v4  }
0xa7: {  	(xrf1) =	vsort.dscd.msk.f32 $0xffff, v24, v25;
	_ =	sdelay $0xb  }
0xa8: {  	v28 =	vld [tilespmem:$0x480]  }
0xa9: {  	v29 =	vld [tilespmem:$0xC80];
	v3, v4, _ =	vpop (xrf1)  }
0xaa: {  	v30, v31, _ =	vpop (xrf1)  }
0xab: {  	vm13 =	vle.f32 v3, v30  }
0xac: {  	v3 =	vsel vm13, v3, v30;
	v4 =	vsel vm13, v4, v31  }
0xad: {  	(xrf1) =	vsort.ascd.msk.f32 $0xffff, v3, v4  }
0xae: {  	(xrf1) =	vsort.dscd.msk.f32 $0xffff, v28, v29;
	_ =	sdelay $0xb  }
0xaf: {  	v32 =	vld [tilespmem:$0x490]  }
0xb0: {  	v33 =	vld [tilespmem:$0xC90];
	v3, v4, _ =	vpop (xrf1)  }
0xb1: {  	v34, v35, _ =	vpop (xrf1)  }
0xb2: {  	vm14 =	vle.f32 v3, v34  }
0xb3: {  	v3 =	vsel vm14, v3, v34;
	v4 =	vsel vm14, v4, v35  }
0xb4: {  	(xrf1) =	vsort.ascd.msk.f32 $0xffff, v3, v4  }
0xb5: {  	(xrf1) =	vsort.dscd.msk.f32 $0xffff, v32, v33;
	_ =	sdelay $0xb  }
0xb6: {  	v36 =	vld [tilespmem:$0x4A0]  }
0xb7: {  	v37 =	vld [tilespmem:$0xCA0];
	v3, v4, _ =	vpop (xrf1)  }
0xb8: {  	v38, v39, _ =	vpop (xrf1)  }
0xb9: {  	vm15 =	vle.f32 v3, v38  }
0xba: {  	v3 =	vsel vm15, v3, v38;
	v4 =	vsel vm15, v4, v39  }
0xbb: {  	(xrf1) =	vsort.ascd.msk.f32 $0xffff, v3, v4  }
0xbc: {  	(xrf1) =	vsort.dscd.msk.f32 $0xffff, v36, v37;
	_ =	sdelay $0xb  }
0xbd: {  	v40 =	vld [tilespmem:$0x4B0]  }
0xbe: {  	v41 =	vld [tilespmem:$0xCB0];
	v3, v4, _ =	vpop (xrf1)  }
0xbf: {  	v42, v43, _ =	vpop (xrf1)  }
0xc0: {  	vm4 =	vle.f32 v3, v42  }
0xc1: {  	v3 =	vsel vm4, v3, v42;
	v4 =	vsel vm4, v4, v43  }
0xc2: {  	(xrf1) =	vsort.ascd.msk.f32 $0xffff, v3, v4  }
0xc3: {  	(xrf1) =	vsort.dscd.msk.f32 $0xffff, v40, v41;
	_ =	sdelay $0xb  }
0xc4: {  	v44 =	vld [tilespmem:$0x4C0]  }
0xc5: {  	v45 =	vld [tilespmem:$0xCC0];
	v3, v4, _ =	vpop (xrf1)  }
0xc6: {  	v46, v47, _ =	vpop (xrf1)  }
0xc7: {  	vm5 =	vle.f32 v3, v46  }
0xc8: {  	v3 =	vsel vm5, v3, v46;
	v4 =	vsel vm5, v4, v47  }
0xc9: {  	(xrf1) =	vsort.ascd.msk.f32 $0xffff, v3, v4  }
0xca: {  	(xrf1) =	vsort.dscd.msk.f32 $0xffff, v44, v45;
	_ =	sdelay $0xb  }
0xcb: {  	v48 =	vld [tilespmem:$0x4D0]  }
0xcc: {  	v49 =	vld [tilespmem:$0xCD0];
	v3, v4, _ =	vpop (xrf1)  }
0xcd: {  	v50, v51, _ =	vpop (xrf1)  }
0xce: {  	vm6 =	vle.f32 v3, v50  }
0xcf: {  	v3 =	vsel vm6, v3, v50;
	v4 =	vsel vm6, v4, v51  }
0xd0: {  	(xrf1) =	vsort.ascd.msk.f32 $0xffff, v3, v4  }
0xd1: {  	(xrf1) =	vsort.dscd.msk.f32 $0xffff, v48, v49;
	_ =	sdelay $0xb  }
0xd2: {  	v52 =	vld [tilespmem:$0x4E0]  }
0xd3: {  	v53 =	vld [tilespmem:$0xCE0];
	v3, v4, _ =	vpop (xrf1)  }
0xd4: {  	v54, v55, _ =	vpop (xrf1)  }
0xd5: {  	vm7 =	vle.f32 v3, v54  }
0xd6: {  	v3 =	vsel vm7, v3, v54;
	v4 =	vsel vm7, v4, v55  }
0xd7: {  	(xrf1) =	vsort.ascd.msk.f32 $0xffff, v3, v4  }
0xd8: {  	(xrf1) =	vsort.dscd.msk.f32 $0xffff, v52, v53;
	_ =	sdelay $0xb  }
0xd9: {  	v57 =	vld [tilespmem:$0xCF0]  }
0xda: {  	v56 =	vld [tilespmem:$0x4F0];
	v3, v4, _ =	vpop (xrf1)  }
0xdb: {  	v58, v59, _ =	vpop (xrf1)  }
0xdc: {  	vm8 =	vle.f32 v3, v58  }
0xdd: {  	v3 =	vsel vm8, v3, v58;
	v4 =	vsel vm8, v4, v59  }
0xde: {  	(xrf1) =	vsort.ascd.msk.f32 $0xffff, v3, v4  }
0xdf: {  	(xrf1) =	vsort.dscd.msk.f32 $0xffff, v56, v57;
	_ =	sdelay $0xa  }
0xe0: {  	v60 =	vld [tilespmem:$0x100]  }
0xe1: {  	v61 =	vld [tilespmem:$0x900]  }
0xe2: {  	v63 =	vld [tilespmem:$0x110];
	v4, v62, _ =	vpop (xrf1)  }
0xe3: {  	v9 =	vld [tilespmem:$0x910];
	v12, v8, _ =	vpop (xrf1)  }
0xe4: {  	vm9 =	vle.f32 v4, v12  }
0xe5: {  	v4 =	vsel vm9, v4, v12;
	v5 =	vsel vm9, v62, v8  }
0xe6: {  	(xrf1) =	vsort.ascd.msk.f32 $0xffff, v4, v5  }
0xe7: {  	(xrf1) =	vsort.ascd.msk.f32 $0xffff, v60, v61  }
0xe8: {  	(xrf1) =	vsort.dscd.msk.f32 $0xffff, v63, v9;
	_ =	sdelay $0xb  }
0xe9: {  	v13 =	vld [tilespmem:$0x120];
	v2, v3, _ =	vpop (xrf1)  }
0xea: {  	v16 =	vld [tilespmem:$0x920];
	v14, v15, _ =	vpop (xrf1)  }
0xeb: {  	v17, v9, _ =	vpop (xrf1)  }
0xec: {  	vm10 =	vle.f32 v14, v17  }
0xed: {  	v5 =	vsel vm10, v14, v17;
	v6 =	vsel vm10, v15, v9  }
0xee: {  	(xrf1) =	vsort.ascd.msk.f32 $0xffff, v5, v6  }
0xef: {  	(xrf1) =	vsort.dscd.msk.f32 $0xffff, v13, v16;
	_ =	sdelay $0xb  }
0xf0: {  	v18 =	vld [tilespmem:$0x130]  }
0xf1: {  	v19 =	vld [tilespmem:$0x930];
	v5, v6, _ =	vpop (xrf1)  }
0xf2: {  	v20, v21, _ =	vpop (xrf1)  }
0xf3: {  	vm11 =	vle.f32 v5, v20  }
0xf4: {  	v5 =	vsel vm11, v5, v20;
	v6 =	vsel vm11, v6, v21  }
0xf5: {  	(xrf1) =	vsort.ascd.msk.f32 $0xffff, v5, v6  }
0xf6: {  	(xrf1) =	vsort.dscd.msk.f32 $0xffff, v18, v19;
	_ =	sdelay $0xb  }
0xf7: {  	v22 =	vld [tilespmem:$0x140]  }
0xf8: {  	v23 =	vld [tilespmem:$0x940];
	v5, v6, _ =	vpop (xrf1)  }
0xf9: {  	v24, v25, _ =	vpop (xrf1)  }
0xfa: {  	vm12 =	vle.f32 v5, v24  }
0xfb: {  	v5 =	vsel vm12, v5, v24;
	v6 =	vsel vm12, v6, v25  }
0xfc: {  	(xrf1) =	vsort.ascd.msk.f32 $0xffff, v5, v6  }
0xfd: {  	(xrf1) =	vsort.dscd.msk.f32 $0xffff, v22, v23;
	_ =	sdelay $0xb  }
0xfe: {  	v26 =	vld [tilespmem:$0x150]  }
0xff: {  	v27 =	vld [tilespmem:$0x950];
	v5, v6, _ =	vpop (xrf1)  }
0x100: {  	v28, v29, _ =	vpop (xrf1)  }
0x101: {  	vm13 =	vle.f32 v5, v28  }
0x102: {  	v5 =	vsel vm13, v5, v28;
	v6 =	vsel vm13, v6, v29  }
0x103: {  	(xrf1) =	vsort.ascd.msk.f32 $0xffff, v5, v6  }
0x104: {  	(xrf1) =	vsort.dscd.msk.f32 $0xffff, v26, v27;
	_ =	sdelay $0xb  }
0x105: {  	v30 =	vld [tilespmem:$0x160]  }
0x106: {  	v31 =	vld [tilespmem:$0x960];
	v5, v6, _ =	vpop (xrf1)  }
0x107: {  	v32, v33, _ =	vpop (xrf1)  }
0x108: {  	vm14 =	vle.f32 v5, v32  }
0x109: {  	v5 =	vsel vm14, v5, v32;
	v6 =	vsel vm14, v6, v33  }
0x10a: {  	(xrf1) =	vsort.ascd.msk.f32 $0xffff, v5, v6  }
0x10b: {  	(xrf1) =	vsort.dscd.msk.f32 $0xffff, v30, v31;
	_ =	sdelay $0xb  }
0x10c: {  	v34 =	vld [tilespmem:$0x170]  }
0x10d: {  	v35 =	vld [tilespmem:$0x970];
	v5, v6, _ =	vpop (xrf1)  }
0x10e: {  	v36, v37, _ =	vpop (xrf1)  }
0x10f: {  	vm15 =	vle.f32 v5, v36  }
0x110: {  	v5 =	vsel vm15, v5, v36;
	v6 =	vsel vm15, v6, v37  }
0x111: {  	(xrf1) =	vsort.ascd.msk.f32 $0xffff, v5, v6  }
0x112: {  	(xrf1) =	vsort.dscd.msk.f32 $0xffff, v34, v35;
	_ =	sdelay $0xb  }
0x113: {  	v38 =	vld [tilespmem:$0x500]  }
0x114: {  	v39 =	vld [tilespmem:$0xD00];
	v5, v6, _ =	vpop (xrf1)  }
0x115: {  	v40, v41, _ =	vpop (xrf1)  }
0x116: {  	vm4 =	vle.f32 v5, v40  }
0x117: {  	v5 =	vsel vm4, v5, v40;
	v6 =	vsel vm4, v6, v41  }
0x118: {  	(xrf1) =	vsort.ascd.msk.f32 $0xffff, v5, v6  }
0x119: {  	(xrf1) =	vsort.dscd.msk.f32 $0xffff, v38, v39;
	_ =	sdelay $0xb  }
0x11a: {  	v42 =	vld [tilespmem:$0x510]  }
0x11b: {  	v43 =	vld [tilespmem:$0xD10];
	v5, v6, _ =	vpop (xrf1)  }
0x11c: {  	v44, v45, _ =	vpop (xrf1)  }
0x11d: {  	vm5 =	vle.f32 v5, v44  }
0x11e: {  	v5 =	vsel vm5, v5, v44;
	v6 =	vsel vm5, v6, v45  }
0x11f: {  	(xrf1) =	vsort.ascd.msk.f32 $0xffff, v5, v6  }
0x120: {  	(xrf1) =	vsort.dscd.msk.f32 $0xffff, v42, v43;
	_ =	sdelay $0xb  }
0x121: {  	v46 =	vld [tilespmem:$0x520]  }
0x122: {  	v47 =	vld [tilespmem:$0xD20];
	v5, v6, _ =	vpop (xrf1)  }
0x123: {  	v48, v49, _ =	vpop (xrf1)  }
0x124: {  	vm6 =	vle.f32 v5, v48  }
0x125: {  	v5 =	vsel vm6, v5, v48;
	v6 =	vsel vm6, v6, v49  }
0x126: {  	(xrf1) =	vsort.ascd.msk.f32 $0xffff, v5, v6  }
0x127: {  	(xrf1) =	vsort.dscd.msk.f32 $0xffff, v46, v47;
	_ =	sdelay $0xb  }
0x128: {  	v50 =	vld [tilespmem:$0x530]  }
0x129: {  	v51 =	vld [tilespmem:$0xD30];
	v5, v6, _ =	vpop (xrf1)  }
0x12a: {  	v52, v53, _ =	vpop (xrf1)  }
0x12b: {  	vm7 =	vle.f32 v5, v52  }
0x12c: {  	v5 =	vsel vm7, v5, v52;
	v6 =	vsel vm7, v6, v53  }
0x12d: {  	(xrf1) =	vsort.ascd.msk.f32 $0xffff, v5, v6  }
0x12e: {  	(xrf1) =	vsort.dscd.msk.f32 $0xffff, v50, v51;
	_ =	sdelay $0xc  }
0x12f: {  	v54, v5, _ =	vpop (xrf1)  }
0x130: {  	v55, v7, _ =	vpop (xrf1)  }
0x131: {  	vm8 =	vle.f32 v54, v55  }
0x132: {  	v4 =	vsel vm8, v54, v55;
	v5 =	vsel vm8, v5, v7  }
0x133: {  	(xrf1) =	vsort.ascd.msk.f32 $0xffff, v4, v5  }
0x134: {  	v4 =	vld [tilespmem:$0x540]  }
0x135: {  	v5 =	vld [tilespmem:$0xD40];
	_ =	sdelay $0x4  }
0x136: {  	(xrf1) =	vsort.dscd.msk.f32 $0xffff, v4, v5;
	_ =	sdelay $0xb  }
0x137: {  	v56 =	vld [tilespmem:$0x550]  }
0x138: {  	v59 =	vld [tilespmem:$0xD50];
	v58, v57, _ =	vpop (xrf1)  }
0x139: {  	v60, v61, _ =	vpop (xrf1)  }
0x13a: {  	vm9 =	vle.f32 v58, v60  }
0x13b: {  	v5 =	vsel vm9, v58, v60;
	v6 =	vsel vm9, v57, v61  }
0x13c: {  	(xrf1) =	vsort.ascd.msk.f32 $0xffff, v5, v6  }
0x13d: {  	(xrf1) =	vsort.dscd.msk.f32 $0xffff, v56, v59;
	_ =	sdelay $0xb  }
0x13e: {  	v62 =	vld [tilespmem:$0x560]  }
0x13f: {  	v63 =	vld [tilespmem:$0xD60];
	v5, v6, _ =	vpop (xrf1)  }
0x140: {  	v12, v13, _ =	vpop (xrf1)  }
0x141: {  	vm10 =	vle.f32 v5, v12  }
0x142: {  	v5 =	vsel vm10, v5, v12;
	v6 =	vsel vm10, v6, v13  }
0x143: {  	(xrf1) =	vsort.ascd.msk.f32 $0xffff, v5, v6  }
0x144: {  	(xrf1) =	vsort.dscd.msk.f32 $0xffff, v62, v63;
	_ =	sdelay $0xb  }
0x145: {  	v14 =	vld [tilespmem:$0x570]  }
0x146: {  	v15 =	vld [tilespmem:$0xD70];
	v5, v6, _ =	vpop (xrf1)  }
0x147: {  	v16, v17, _ =	vpop (xrf1)  }
0x148: {  	vm11 =	vle.f32 v5, v16  }
0x149: {  	v5 =	vsel vm11, v5, v16;
	v6 =	vsel vm11, v6, v17  }
0x14a: {  	(xrf1) =	vsort.ascd.msk.f32 $0xffff, v5, v6  }
0x14b: {  	(xrf1) =	vsort.dscd.msk.f32 $0xffff, v14, v15;
	_ =	sdelay $0xa  }
0x14c: {  	v18 =	vld [tilespmem:$0x180]  }
0x14d: {  	v19 =	vld [tilespmem:$0x980]  }
0x14e: {  	v21 =	vld [tilespmem:$0x190];
	v6, v20, _ =	vpop (xrf1)  }
0x14f: {  	v11 =	vld [tilespmem:$0x990];
	v22, v10, _ =	vpop (xrf1)  }
0x150: {  	vm12 =	vle.f32 v6, v22  }
0x151: {  	v6 =	vsel vm12, v6, v22;
	v7 =	vsel vm12, v20, v10  }
0x152: {  	(xrf1) =	vsort.ascd.msk.f32 $0xffff, v6, v7  }
0x153: {  	(xrf1) =	vsort.ascd.msk.f32 $0xffff, v18, v19  }
0x154: {  	(xrf1) =	vsort.dscd.msk.f32 $0xffff, v21, v11;
	_ =	sdelay $0xb  }
0x155: {  	v23 =	vld [tilespmem:$0x1A0];
	v4, v5, _ =	vpop (xrf1)  }
0x156: {  	v26 =	vld [tilespmem:$0x9A0];
	v24, v25, _ =	vpop (xrf1)  }
0x157: {  	v27, v11, _ =	vpop (xrf1)  }
0x158: {  	vm13 =	vle.f32 v24, v27  }
0x159: {  	v7 =	vsel vm13, v24, v27;
	v8 =	vsel vm13, v25, v11  }
0x15a: {  	(xrf1) =	vsort.ascd.msk.f32 $0xffff, v7, v8  }
0x15b: {  	(xrf1) =	vsort.dscd.msk.f32 $0xffff, v23, v26;
	_ =	sdelay $0xb  }
0x15c: {  	v28 =	vld [tilespmem:$0x1B0]  }
0x15d: {  	v29 =	vld [tilespmem:$0x9B0];
	v7, v8, _ =	vpop (xrf1)  }
0x15e: {  	v30, v31, _ =	vpop (xrf1)  }
0x15f: {  	vm14 =	vle.f32 v7, v30  }
0x160: {  	v7 =	vsel vm14, v7, v30;
	v8 =	vsel vm14, v8, v31  }
0x161: {  	(xrf1) =	vsort.ascd.msk.f32 $0xffff, v7, v8  }
0x162: {  	(xrf1) =	vsort.dscd.msk.f32 $0xffff, v28, v29;
	_ =	sdelay $0xb  }
0x163: {  	v32 =	vld [tilespmem:$0x1C0]  }
0x164: {  	v33 =	vld [tilespmem:$0x9C0];
	v7, v8, _ =	vpop (xrf1)  }
0x165: {  	v34, v35, _ =	vpop (xrf1)  }
0x166: {  	vm15 =	vle.f32 v7, v34  }
0x167: {  	v7 =	vsel vm15, v7, v34;
	v8 =	vsel vm15, v8, v35  }
0x168: {  	(xrf1) =	vsort.ascd.msk.f32 $0xffff, v7, v8  }
0x169: {  	(xrf1) =	vsort.dscd.msk.f32 $0xffff, v32, v33;
	_ =	sdelay $0xb  }
0x16a: {  	v36 =	vld [tilespmem:$0x1D0]  }
0x16b: {  	v37 =	vld [tilespmem:$0x9D0];
	v7, v8, _ =	vpop (xrf1)  }
0x16c: {  	v38, v39, _ =	vpop (xrf1)  }
0x16d: {  	vm4 =	vle.f32 v7, v38  }
0x16e: {  	v7 =	vsel vm4, v7, v38;
	v8 =	vsel vm4, v8, v39  }
0x16f: {  	(xrf1) =	vsort.ascd.msk.f32 $0xffff, v7, v8  }
0x170: {  	(xrf1) =	vsort.dscd.msk.f32 $0xffff, v36, v37;
	_ =	sdelay $0xb  }
0x171: {  	v40 =	vld [tilespmem:$0x1E0]  }
0x172: {  	v41 =	vld [tilespmem:$0x9E0];
	v7, v8, _ =	vpop (xrf1)  }
0x173: {  	v42, v43, _ =	vpop (xrf1)  }
0x174: {  	vm5 =	vle.f32 v7, v42  }
0x175: {  	v7 =	vsel vm5, v7, v42;
	v8 =	vsel vm5, v8, v43  }
0x176: {  	(xrf1) =	vsort.ascd.msk.f32 $0xffff, v7, v8  }
0x177: {  	(xrf1) =	vsort.dscd.msk.f32 $0xffff, v40, v41;
	_ =	sdelay $0xb  }
0x178: {  	v44 =	vld [tilespmem:$0x1F0]  }
0x179: {  	v45 =	vld [tilespmem:$0x9F0];
	v7, v8, _ =	vpop (xrf1)  }
0x17a: {  	v46, v47, _ =	vpop (xrf1)  }
0x17b: {  	vm6 =	vle.f32 v7, v46  }
0x17c: {  	v7 =	vsel vm6, v7, v46;
	v8 =	vsel vm6, v8, v47  }
0x17d: {  	(xrf1) =	vsort.ascd.msk.f32 $0xffff, v7, v8  }
0x17e: {  	(xrf1) =	vsort.dscd.msk.f32 $0xffff, v44, v45;
	_ =	sdelay $0xb  }
0x17f: {  	v48 =	vld [tilespmem:$0x580]  }
0x180: {  	v49 =	vld [tilespmem:$0xD80];
	v7, v8, _ =	vpop (xrf1)  }
0x181: {  	v50, v51, _ =	vpop (xrf1)  }
0x182: {  	vm7 =	vle.f32 v7, v50  }
0x183: {  	v7 =	vsel vm7, v7, v50;
	v8 =	vsel vm7, v8, v51  }
0x184: {  	(xrf1) =	vsort.ascd.msk.f32 $0xffff, v7, v8  }
0x185: {  	(xrf1) =	vsort.dscd.msk.f32 $0xffff, v48, v49;
	_ =	sdelay $0xb  }
0x186: {  	v52 =	vld [tilespmem:$0x590]  }
0x187: {  	v53 =	vld [tilespmem:$0xD90];
	v7, v8, _ =	vpop (xrf1)  }
0x188: {  	v54, v55, _ =	vpop (xrf1)  }
0x189: {  	vm8 =	vle.f32 v7, v54  }
0x18a: {  	v7 =	vsel vm8, v7, v54;
	v8 =	vsel vm8, v8, v55  }
0x18b: {  	(xrf1) =	vsort.ascd.msk.f32 $0xffff, v7, v8  }
0x18c: {  	(xrf1) =	vsort.dscd.msk.f32 $0xffff, v52, v53;
	_ =	sdelay $0xb  }
0x18d: {  	v57 =	vld [tilespmem:$0xDA0]  }
0x18e: {  	v56 =	vld [tilespmem:$0x5A0];
	v7, v8, _ =	vpop (xrf1)  }
0x18f: {  	v58, v59, _ =	vpop (xrf1)  }
0x190: {  	vm9 =	vle.f32 v7, v58  }
0x191: {  	v7 =	vsel vm9, v7, v58;
	v8 =	vsel vm9, v8, v59  }
0x192: {  	(xrf1) =	vsort.ascd.msk.f32 $0xffff, v7, v8  }
0x193: {  	(xrf1) =	vsort.dscd.msk.f32 $0xffff, v56, v57;
	_ =	sdelay $0xb  }
0x194: {  	v60 =	vld [tilespmem:$0x5B0]  }
0x195: {  	v61 =	vld [tilespmem:$0xDB0];
	v7, v8, _ =	vpop (xrf1)  }
0x196: {  	v62, v63, _ =	vpop (xrf1)  }
0x197: {  	vm10 =	vle.f32 v7, v62  }
0x198: {  	v7 =	vsel vm10, v7, v62;
	v8 =	vsel vm10, v8, v63  }
0x199: {  	(xrf1) =	vsort.ascd.msk.f32 $0xffff, v7, v8  }
0x19a: {  	(xrf1) =	vsort.dscd.msk.f32 $0xffff, v60, v61;
	_ =	sdelay $0xb  }
0x19b: {  	v12 =	vld [tilespmem:$0x5C0]  }
0x19c: {  	v13 =	vld [tilespmem:$0xDC0];
	v7, v8, _ =	vpop (xrf1)  }
0x19d: {  	v14, v15, _ =	vpop (xrf1)  }
0x19e: {  	vm11 =	vle.f32 v7, v14  }
0x19f: {  	v7 =	vsel vm11, v7, v14;
	v8 =	vsel vm11, v8, v15  }
0x1a0: {  	(xrf1) =	vsort.ascd.msk.f32 $0xffff, v7, v8  }
0x1a1: {  	(xrf1) =	vsort.dscd.msk.f32 $0xffff, v12, v13;
	_ =	sdelay $0xb  }
0x1a2: {  	v16 =	vld [tilespmem:$0x5D0]  }
0x1a3: {  	v17 =	vld [tilespmem:$0xDD0];
	v7, v8, _ =	vpop (xrf1)  }
0x1a4: {  	v18, v19, _ =	vpop (xrf1)  }
0x1a5: {  	vm12 =	vle.f32 v7, v18  }
0x1a6: {  	v7 =	vsel vm12, v7, v18;
	v8 =	vsel vm12, v8, v19  }
0x1a7: {  	(xrf1) =	vsort.ascd.msk.f32 $0xffff, v7, v8  }
0x1a8: {  	(xrf1) =	vsort.dscd.msk.f32 $0xffff, v16, v17;
	_ =	sdelay $0xb  }
0x1a9: {  	v20 =	vld [tilespmem:$0x5E0]  }
0x1aa: {  	v21 =	vld [tilespmem:$0xDE0];
	v7, v8, _ =	vpop (xrf1)  }
0x1ab: {  	v22, v23, _ =	vpop (xrf1)  }
0x1ac: {  	vm13 =	vle.f32 v7, v22  }
0x1ad: {  	v7 =	vsel vm13, v7, v22;
	v8 =	vsel vm13, v8, v23  }
0x1ae: {  	(xrf1) =	vsort.ascd.msk.f32 $0xffff, v7, v8  }
0x1af: {  	(xrf1) =	vsort.dscd.msk.f32 $0xffff, v20, v21;
	_ =	sdelay $0xb  }
0x1b0: {  	v24 =	vld [tilespmem:$0x5F0]  }
0x1b1: {  	v25 =	vld [tilespmem:$0xDF0];
	v7, v8, _ =	vpop (xrf1)  }
0x1b2: {  	v26, v27, _ =	vpop (xrf1)  }
0x1b3: {  	vm14 =	vle.f32 v7, v26  }
0x1b4: {  	v7 =	vsel vm14, v7, v26;
	v8 =	vsel vm14, v8, v27  }
0x1b5: {  	(xrf1) =	vsort.ascd.msk.f32 $0xffff, v7, v8  }
0x1b6: {  	(xrf1) =	vsort.dscd.msk.f32 $0xffff, v24, v25;
	_ =	sdelay $0xa  }
0x1b7: {  	v31 =	vld [tilespmem:$0x210]  }
0x1b8: {  	v28 =	vld [tilespmem:$0x200]  }
0x1b9: {  	v29 =	vld [tilespmem:$0xA00];
	v8, v30, _ =	vpop (xrf1)  }
0x1ba: {  	v13 =	vld [tilespmem:$0xA10];
	v32, v12, _ =	vpop (xrf1)  }
0x1bb: {  	vm15 =	vle.f32 v8, v32  }
0x1bc: {  	v8 =	vsel vm15, v8, v32;
	v9 =	vsel vm15, v30, v12  }
0x1bd: {  	(xrf1) =	vsort.ascd.msk.f32 $0xffff, v8, v9  }
0x1be: {  	(xrf1) =	vsort.ascd.msk.f32 $0xffff, v28, v29  }
0x1bf: {  	(xrf1) =	vsort.dscd.msk.f32 $0xffff, v31, v13;
	_ =	sdelay $0xb  }
0x1c0: {  	v33 =	vld [tilespmem:$0x220];
	v6, v7, _ =	vpop (xrf1)  }
0x1c1: {  	v36 =	vld [tilespmem:$0xA20];
	v34, v35, _ =	vpop (xrf1)  }
0x1c2: {  	v37, v13, _ =	vpop (xrf1)  }
0x1c3: {  	vm4 =	vle.f32 v34, v37  }
0x1c4: {  	v9 =	vsel vm4, v34, v37;
	v10 =	vsel vm4, v35, v13  }
0x1c5: {  	(xrf1) =	vsort.ascd.msk.f32 $0xffff, v9, v10  }
0x1c6: {  	(xrf1) =	vsort.dscd.msk.f32 $0xffff, v33, v36;
	_ =	sdelay $0xb  }
0x1c7: {  	v38 =	vld [tilespmem:$0x230]  }
0x1c8: {  	v39 =	vld [tilespmem:$0xA30];
	v9, v10, _ =	vpop (xrf1)  }
0x1c9: {  	v40, v41, _ =	vpop (xrf1)  }
0x1ca: {  	vm5 =	vle.f32 v9, v40  }
0x1cb: {  	v9 =	vsel vm5, v9, v40;
	v10 =	vsel vm5, v10, v41  }
0x1cc: {  	(xrf1) =	vsort.ascd.msk.f32 $0xffff, v9, v10  }
0x1cd: {  	(xrf1) =	vsort.dscd.msk.f32 $0xffff, v38, v39;
	_ =	sdelay $0xb  }
0x1ce: {  	v42 =	vld [tilespmem:$0x240]  }
0x1cf: {  	v43 =	vld [tilespmem:$0xA40];
	v9, v10, _ =	vpop (xrf1)  }
0x1d0: {  	v44, v45, _ =	vpop (xrf1)  }
0x1d1: {  	vm6 =	vle.f32 v9, v44  }
0x1d2: {  	v9 =	vsel vm6, v9, v44;
	v10 =	vsel vm6, v10, v45  }
0x1d3: {  	(xrf1) =	vsort.ascd.msk.f32 $0xffff, v9, v10  }
0x1d4: {  	(xrf1) =	vsort.dscd.msk.f32 $0xffff, v42, v43;
	_ =	sdelay $0xb  }
0x1d5: {  	v46 =	vld [tilespmem:$0x250]  }
0x1d6: {  	v47 =	vld [tilespmem:$0xA50];
	v9, v10, _ =	vpop (xrf1)  }
0x1d7: {  	v48, v49, _ =	vpop (xrf1)  }
0x1d8: {  	vm7 =	vle.f32 v9, v48  }
0x1d9: {  	v9 =	vsel vm7, v9, v48;
	v10 =	vsel vm7, v10, v49  }
0x1da: {  	(xrf1) =	vsort.ascd.msk.f32 $0xffff, v9, v10  }
0x1db: {  	(xrf1) =	vsort.dscd.msk.f32 $0xffff, v46, v47;
	_ =	sdelay $0xb  }
0x1dc: {  	v50 =	vld [tilespmem:$0x260]  }
0x1dd: {  	v51 =	vld [tilespmem:$0xA60];
	v9, v10, _ =	vpop (xrf1)  }
0x1de: {  	v52, v53, _ =	vpop (xrf1)  }
0x1df: {  	vm8 =	vle.f32 v9, v52  }
0x1e0: {  	v9 =	vsel vm8, v9, v52;
	v10 =	vsel vm8, v10, v53  }
0x1e1: {  	(xrf1) =	vsort.ascd.msk.f32 $0xffff, v9, v10  }
0x1e2: {  	(xrf1) =	vsort.dscd.msk.f32 $0xffff, v50, v51;
	_ =	sdelay $0xb  }
0x1e3: {  	v54 =	vld [tilespmem:$0x270]  }
0x1e4: {  	v55 =	vld [tilespmem:$0xA70];
	v9, v10, _ =	vpop (xrf1)  }
0x1e5: {  	v56, v57, _ =	vpop (xrf1)  }
0x1e6: {  	vm9 =	vle.f32 v9, v56  }
0x1e7: {  	v9 =	vsel vm9, v9, v56;
	v10 =	vsel vm9, v10, v57  }
0x1e8: {  	(xrf1) =	vsort.ascd.msk.f32 $0xffff, v9, v10  }
0x1e9: {  	(xrf1) =	vsort.dscd.msk.f32 $0xffff, v54, v55;
	_ =	sdelay $0xb  }
0x1ea: {  	v58 =	vld [tilespmem:$0x600]  }
0x1eb: {  	v59 =	vld [tilespmem:$0xE00];
	v9, v10, _ =	vpop (xrf1)  }
0x1ec: {  	v60, v61, _ =	vpop (xrf1)  }
0x1ed: {  	vm10 =	vle.f32 v9, v60  }
0x1ee: {  	v9 =	vsel vm10, v9, v60;
	v10 =	vsel vm10, v10, v61  }
0x1ef: {  	(xrf1) =	vsort.ascd.msk.f32 $0xffff, v9, v10  }
0x1f0: {  	(xrf1) =	vsort.dscd.msk.f32 $0xffff, v58, v59;
	_ =	sdelay $0xb  }
0x1f1: {  	v62 =	vld [tilespmem:$0x610]  }
0x1f2: {  	v63 =	vld [tilespmem:$0xE10];
	v9, v10, _ =	vpop (xrf1)  }
0x1f3: {  	v16, v17, _ =	vpop (xrf1)  }
0x1f4: {  	vm11 =	vle.f32 v9, v16  }
0x1f5: {  	v9 =	vsel vm11, v9, v16;
	v10 =	vsel vm11, v10, v17  }
0x1f6: {  	(xrf1) =	vsort.ascd.msk.f32 $0xffff, v9, v10  }
0x1f7: {  	(xrf1) =	vsort.dscd.msk.f32 $0xffff, v62, v63;
	_ =	sdelay $0xb  }
0x1f8: {  	v18 =	vld [tilespmem:$0x620]  }
0x1f9: {  	v19 =	vld [tilespmem:$0xE20];
	v9, v10, _ =	vpop (xrf1)  }
0x1fa: {  	v20, v21, _ =	vpop (xrf1)  }
0x1fb: {  	vm12 =	vle.f32 v9, v20  }
0x1fc: {  	v9 =	vsel vm12, v9, v20;
	v10 =	vsel vm12, v10, v21  }
0x1fd: {  	(xrf1) =	vsort.ascd.msk.f32 $0xffff, v9, v10  }
0x1fe: {  	(xrf1) =	vsort.dscd.msk.f32 $0xffff, v18, v19;
	_ =	sdelay $0xb  }
0x1ff: {  	v22 =	vld [tilespmem:$0x630]  }
0x200: {  	v23 =	vld [tilespmem:$0xE30];
	v9, v10, _ =	vpop (xrf1)  }
0x201: {  	v24, v25, _ =	vpop (xrf1)  }
0x202: {  	vm13 =	vle.f32 v9, v24  }
0x203: {  	v9 =	vsel vm13, v9, v24;
	v10 =	vsel vm13, v10, v25  }
0x204: {  	(xrf1) =	vsort.ascd.msk.f32 $0xffff, v9, v10  }
0x205: {  	(xrf1) =	vsort.dscd.msk.f32 $0xffff, v22, v23;
	_ =	sdelay $0xb  }
0x206: {  	v26 =	vld [tilespmem:$0x640]  }
0x207: {  	v27 =	vld [tilespmem:$0xE40];
	v9, v10, _ =	vpop (xrf1)  }
0x208: {  	v28, v29, _ =	vpop (xrf1)  }
0x209: {  	vm14 =	vle.f32 v9, v28  }
0x20a: {  	v9 =	vsel vm14, v9, v28;
	v10 =	vsel vm14, v10, v29  }
0x20b: {  	(xrf1) =	vsort.ascd.msk.f32 $0xffff, v9, v10  }
0x20c: {  	(xrf1) =	vsort.dscd.msk.f32 $0xffff, v26, v27;
	_ =	sdelay $0xb  }
0x20d: {  	v30 =	vld [tilespmem:$0x650]  }
0x20e: {  	v31 =	vld [tilespmem:$0xE50];
	v9, v10, _ =	vpop (xrf1)  }
0x20f: {  	v32, v33, _ =	vpop (xrf1)  }
0x210: {  	vm15 =	vle.f32 v9, v32  }
0x211: {  	v9 =	vsel vm15, v9, v32;
	v10 =	vsel vm15, v10, v33  }
0x212: {  	(xrf1) =	vsort.ascd.msk.f32 $0xffff, v9, v10  }
0x213: {  	(xrf1) =	vsort.dscd.msk.f32 $0xffff, v30, v31;
	_ =	sdelay $0xb  }
0x214: {  	v34 =	vld [tilespmem:$0x660]  }
0x215: {  	v35 =	vld [tilespmem:$0xE60];
	v9, v10, _ =	vpop (xrf1)  }
0x216: {  	v36, v37, _ =	vpop (xrf1)  }
0x217: {  	vm4 =	vle.f32 v9, v36  }
0x218: {  	v9 =	vsel vm4, v9, v36;
	v10 =	vsel vm4, v10, v37  }
0x219: {  	(xrf1) =	vsort.ascd.msk.f32 $0xffff, v9, v10  }
0x21a: {  	(xrf1) =	vsort.dscd.msk.f32 $0xffff, v34, v35;
	_ =	sdelay $0xb  }
0x21b: {  	v38 =	vld [tilespmem:$0x670]  }
0x21c: {  	v39 =	vld [tilespmem:$0xE70];
	v9, v10, _ =	vpop (xrf1)  }
0x21d: {  	v40, v41, _ =	vpop (xrf1)  }
0x21e: {  	vm5 =	vle.f32 v9, v40  }
0x21f: {  	v9 =	vsel vm5, v9, v40;
	v10 =	vsel vm5, v10, v41  }
0x220: {  	(xrf1) =	vsort.ascd.msk.f32 $0xffff, v9, v10  }
0x221: {  	(xrf1) =	vsort.dscd.msk.f32 $0xffff, v38, v39;
	_ =	sdelay $0xa  }
0x222: {  	v15 =	vld [tilespmem:$0xA90]  }
0x223: {  	v42 =	vld [tilespmem:$0x280]  }
0x224: {  	v43 =	vld [tilespmem:$0xA80];
	v10, v44, _ =	vpop (xrf1)  }
0x225: {  	v45 =	vld [tilespmem:$0x290];
	v46, v14, _ =	vpop (xrf1)  }
0x226: {  	vm6 =	vle.f32 v10, v46  }
0x227: {  	v10 =	vsel vm6, v10, v46;
	v11 =	vsel vm6, v44, v14  }
0x228: {  	(xrf1) =	vsort.ascd.msk.f32 $0xffff, v10, v11  }
0x229: {  	(xrf1) =	vsort.ascd.msk.f32 $0xffff, v42, v43  }
0x22a: {  	(xrf1) =	vsort.dscd.msk.f32 $0xffff, v45, v15;
	_ =	sdelay $0xb  }
0x22b: {  	v47 =	vld [tilespmem:$0x2A0];
	v8, v9, _ =	vpop (xrf1)  }
0x22c: {  	v50 =	vld [tilespmem:$0xAA0];
	v48, v49, _ =	vpop (xrf1)  }
0x22d: {  	v51, v15, _ =	vpop (xrf1)  }
0x22e: {  	vm7 =	vle.f32 v48, v51  }
0x22f: {  	v11 =	vsel vm7, v48, v51;
	v12 =	vsel vm7, v49, v15  }
0x230: {  	(xrf1) =	vsort.ascd.msk.f32 $0xffff, v11, v12  }
0x231: {  	(xrf1) =	vsort.dscd.msk.f32 $0xffff, v47, v50;
	_ =	sdelay $0xb  }
0x232: {  	v52 =	vld [tilespmem:$0x2B0]  }
0x233: {  	v53 =	vld [tilespmem:$0xAB0];
	v11, v12, _ =	vpop (xrf1)  }
0x234: {  	v54, v55, _ =	vpop (xrf1)  }
0x235: {  	vm8 =	vle.f32 v11, v54  }
0x236: {  	v11 =	vsel vm8, v11, v54;
	v12 =	vsel vm8, v12, v55  }
0x237: {  	(xrf1) =	vsort.ascd.msk.f32 $0xffff, v11, v12  }
0x238: {  	(xrf1) =	vsort.dscd.msk.f32 $0xffff, v52, v53;
	_ =	sdelay $0xb  }
0x239: {  	v56 =	vld [tilespmem:$0x2C0]  }
0x23a: {  	v57 =	vld [tilespmem:$0xAC0];
	v11, v12, _ =	vpop (xrf1)  }
0x23b: {  	v58, v59, _ =	vpop (xrf1)  }
0x23c: {  	vm9 =	vle.f32 v11, v58  }
0x23d: {  	v11 =	vsel vm9, v11, v58;
	v12 =	vsel vm9, v12, v59  }
0x23e: {  	(xrf1) =	vsort.ascd.msk.f32 $0xffff, v11, v12  }
0x23f: {  	(xrf1) =	vsort.dscd.msk.f32 $0xffff, v56, v57;
	_ =	sdelay $0xb  }
0x240: {  	v60 =	vld [tilespmem:$0x2D0]  }
0x241: {  	v61 =	vld [tilespmem:$0xAD0];
	v11, v12, _ =	vpop (xrf1)  }
0x242: {  	v62, v63, _ =	vpop (xrf1)  }
0x243: {  	vm10 =	vle.f32 v11, v62  }
0x244: {  	v11 =	vsel vm10, v11, v62;
	v12 =	vsel vm10, v12, v63  }
0x245: {  	(xrf1) =	vsort.ascd.msk.f32 $0xffff, v11, v12  }
0x246: {  	(xrf1) =	vsort.dscd.msk.f32 $0xffff, v60, v61;
	_ =	sdelay $0xb  }
0x247: {  	v18 =	vld [tilespmem:$0x2E0]  }
0x248: {  	v19 =	vld [tilespmem:$0xAE0];
	v11, v12, _ =	vpop (xrf1)  }
0x249: {  	v20, v21, _ =	vpop (xrf1)  }
0x24a: {  	vm11 =	vle.f32 v11, v20  }
0x24b: {  	v11 =	vsel vm11, v11, v20;
	v12 =	vsel vm11, v12, v21  }
0x24c: {  	(xrf1) =	vsort.ascd.msk.f32 $0xffff, v11, v12  }
0x24d: {  	(xrf1) =	vsort.dscd.msk.f32 $0xffff, v18, v19;
	_ =	sdelay $0xb  }
0x24e: {  	v22 =	vld [tilespmem:$0x2F0]  }
0x24f: {  	v23 =	vld [tilespmem:$0xAF0];
	v11, v12, _ =	vpop (xrf1)  }
0x250: {  	v24, v25, _ =	vpop (xrf1)  }
0x251: {  	vm12 =	vle.f32 v11, v24  }
0x252: {  	v11 =	vsel vm12, v11, v24;
	v12 =	vsel vm12, v12, v25  }
0x253: {  	(xrf1) =	vsort.ascd.msk.f32 $0xffff, v11, v12  }
0x254: {  	(xrf1) =	vsort.dscd.msk.f32 $0xffff, v22, v23;
	_ =	sdelay $0xb  }
0x255: {  	v26 =	vld [tilespmem:$0x680]  }
0x256: {  	v27 =	vld [tilespmem:$0xE80];
	v11, v12, _ =	vpop (xrf1)  }
0x257: {  	v28, v29, _ =	vpop (xrf1)  }
0x258: {  	vm13 =	vle.f32 v11, v28  }
0x259: {  	v11 =	vsel vm13, v11, v28;
	v12 =	vsel vm13, v12, v29  }
0x25a: {  	(xrf1) =	vsort.ascd.msk.f32 $0xffff, v11, v12  }
0x25b: {  	(xrf1) =	vsort.dscd.msk.f32 $0xffff, v26, v27;
	_ =	sdelay $0xb  }
0x25c: {  	v30 =	vld [tilespmem:$0x690]  }
0x25d: {  	v31 =	vld [tilespmem:$0xE90];
	v11, v12, _ =	vpop (xrf1)  }
0x25e: {  	v32, v33, _ =	vpop (xrf1)  }
0x25f: {  	vm14 =	vle.f32 v11, v32  }
0x260: {  	v11 =	vsel vm14, v11, v32;
	v12 =	vsel vm14, v12, v33  }
0x261: {  	(xrf1) =	vsort.ascd.msk.f32 $0xffff, v11, v12  }
0x262: {  	(xrf1) =	vsort.dscd.msk.f32 $0xffff, v30, v31;
	_ =	sdelay $0xb  }
0x263: {  	v34 =	vld [tilespmem:$0x6A0]  }
0x264: {  	v35 =	vld [tilespmem:$0xEA0];
	v11, v12, _ =	vpop (xrf1)  }
0x265: {  	v36, v37, _ =	vpop (xrf1)  }
0x266: {  	vm15 =	vle.f32 v11, v36  }
0x267: {  	v11 =	vsel vm15, v11, v36;
	v12 =	vsel vm15, v12, v37  }
0x268: {  	(xrf1) =	vsort.ascd.msk.f32 $0xffff, v11, v12  }
0x269: {  	(xrf1) =	vsort.dscd.msk.f32 $0xffff, v34, v35;
	_ =	sdelay $0xb  }
0x26a: {  	v38 =	vld [tilespmem:$0x6B0]  }
0x26b: {  	v39 =	vld [tilespmem:$0xEB0];
	v11, v12, _ =	vpop (xrf1)  }
0x26c: {  	v40, v41, _ =	vpop (xrf1)  }
0x26d: {  	vm4 =	vle.f32 v11, v40  }
0x26e: {  	v11 =	vsel vm4, v11, v40;
	v12 =	vsel vm4, v12, v41  }
0x26f: {  	(xrf1) =	vsort.ascd.msk.f32 $0xffff, v11, v12  }
0x270: {  	(xrf1) =	vsort.dscd.msk.f32 $0xffff, v38, v39;
	_ =	sdelay $0xb  }
0x271: {  	v42 =	vld [tilespmem:$0x6C0]  }
0x272: {  	v43 =	vld [tilespmem:$0xEC0];
	v11, v12, _ =	vpop (xrf1)  }
0x273: {  	v44, v45, _ =	vpop (xrf1)  }
0x274: {  	vm5 =	vle.f32 v11, v44  }
0x275: {  	v11 =	vsel vm5, v11, v44;
	v12 =	vsel vm5, v12, v45  }
0x276: {  	(xrf1) =	vsort.ascd.msk.f32 $0xffff, v11, v12  }
0x277: {  	(xrf1) =	vsort.dscd.msk.f32 $0xffff, v42, v43;
	_ =	sdelay $0xb  }
0x278: {  	v46 =	vld [tilespmem:$0x6D0]  }
0x279: {  	v47 =	vld [tilespmem:$0xED0];
	v11, v12, _ =	vpop (xrf1)  }
0x27a: {  	v48, v49, _ =	vpop (xrf1)  }
0x27b: {  	vm6 =	vle.f32 v11, v48  }
0x27c: {  	v11 =	vsel vm6, v11, v48;
	v12 =	vsel vm6, v12, v49  }
0x27d: {  	(xrf1) =	vsort.ascd.msk.f32 $0xffff, v11, v12  }
0x27e: {  	(xrf1) =	vsort.dscd.msk.f32 $0xffff, v46, v47;
	_ =	sdelay $0xb  }
0x27f: {  	v51 =	vld [tilespmem:$0xEE0]  }
0x280: {  	v50 =	vld [tilespmem:$0x6E0];
	v11, v12, _ =	vpop (xrf1)  }
0x281: {  	v52, v53, _ =	vpop (xrf1)  }
0x282: {  	vm7 =	vle.f32 v11, v52  }
0x283: {  	v11 =	vsel vm7, v11, v52;
	v12 =	vsel vm7, v12, v53  }
0x284: {  	(xrf1) =	vsort.ascd.msk.f32 $0xffff, v11, v12  }
0x285: {  	(xrf1) =	vsort.dscd.msk.f32 $0xffff, v50, v51;
	_ =	sdelay $0xb  }
0x286: {  	v54 =	vld [tilespmem:$0x6F0]  }
0x287: {  	v55 =	vld [tilespmem:$0xEF0];
	v11, v12, _ =	vpop (xrf1)  }
0x288: {  	v56, v57, _ =	vpop (xrf1)  }
0x289: {  	vm8 =	vle.f32 v11, v56  }
0x28a: {  	v11 =	vsel vm8, v11, v56;
	v12 =	vsel vm8, v12, v57  }
0x28b: {  	(xrf1) =	vsort.ascd.msk.f32 $0xffff, v11, v12  }
0x28c: {  	(xrf1) =	vsort.dscd.msk.f32 $0xffff, v54, v55;
	_ =	sdelay $0xa  }
0x28d: {  	v17 =	vld [tilespmem:$0xB10]  }
0x28e: {  	v58 =	vld [tilespmem:$0x300]  }
0x28f: {  	v59 =	vld [tilespmem:$0xB00];
	v12, v60, _ =	vpop (xrf1)  }
0x290: {  	v61 =	vld [tilespmem:$0x310];
	v62, v16, _ =	vpop (xrf1)  }
0x291: {  	vm9 =	vle.f32 v12, v62  }
0x292: {  	v12 =	vsel vm9, v12, v62;
	v13 =	vsel vm9, v60, v16  }
0x293: {  	(xrf1) =	vsort.ascd.msk.f32 $0xffff, v12, v13  }
0x294: {  	(xrf1) =	vsort.ascd.msk.f32 $0xffff, v58, v59  }
0x295: {  	(xrf1) =	vsort.dscd.msk.f32 $0xffff, v61, v17;
	_ =	sdelay $0xb  }
0x296: {  	v63 =	vld [tilespmem:$0x320];
	v10, v11, _ =	vpop (xrf1)  }
0x297: {  	v22 =	vld [tilespmem:$0xB20];
	v20, v21, _ =	vpop (xrf1)  }
0x298: {  	v23, v17, _ =	vpop (xrf1)  }
0x299: {  	vm10 =	vle.f32 v20, v23  }
0x29a: {  	v13 =	vsel vm10, v20, v23;
	v14 =	vsel vm10, v21, v17  }
0x29b: {  	(xrf1) =	vsort.ascd.msk.f32 $0xffff, v13, v14  }
0x29c: {  	(xrf1) =	vsort.dscd.msk.f32 $0xffff, v63, v22;
	_ =	sdelay $0xb  }
0x29d: {  	v24 =	vld [tilespmem:$0x330]  }
0x29e: {  	v25 =	vld [tilespmem:$0xB30];
	v13, v14, _ =	vpop (xrf1)  }
0x29f: {  	v26, v27, _ =	vpop (xrf1)  }
0x2a0: {  	vm11 =	vle.f32 v13, v26  }
0x2a1: {  	v13 =	vsel vm11, v13, v26;
	v14 =	vsel vm11, v14, v27  }
0x2a2: {  	(xrf1) =	vsort.ascd.msk.f32 $0xffff, v13, v14  }
0x2a3: {  	(xrf1) =	vsort.dscd.msk.f32 $0xffff, v24, v25;
	_ =	sdelay $0xb  }
0x2a4: {  	v28 =	vld [tilespmem:$0x340]  }
0x2a5: {  	v29 =	vld [tilespmem:$0xB40];
	v13, v14, _ =	vpop (xrf1)  }
0x2a6: {  	v30, v31, _ =	vpop (xrf1)  }
0x2a7: {  	vm12 =	vle.f32 v13, v30  }
0x2a8: {  	v13 =	vsel vm12, v13, v30;
	v14 =	vsel vm12, v14, v31  }
0x2a9: {  	(xrf1) =	vsort.ascd.msk.f32 $0xffff, v13, v14  }
0x2aa: {  	(xrf1) =	vsort.dscd.msk.f32 $0xffff, v28, v29;
	_ =	sdelay $0xb  }
0x2ab: {  	v32 =	vld [tilespmem:$0x350]  }
0x2ac: {  	v33 =	vld [tilespmem:$0xB50];
	v13, v14, _ =	vpop (xrf1)  }
0x2ad: {  	v34, v35, _ =	vpop (xrf1)  }
0x2ae: {  	vm13 =	vle.f32 v13, v34  }
0x2af: {  	v13 =	vsel vm13, v13, v34;
	v14 =	vsel vm13, v14, v35  }
0x2b0: {  	(xrf1) =	vsort.ascd.msk.f32 $0xffff, v13, v14  }
0x2b1: {  	(xrf1) =	vsort.dscd.msk.f32 $0xffff, v32, v33;
	_ =	sdelay $0xb  }
0x2b2: {  	v36 =	vld [tilespmem:$0x360]  }
0x2b3: {  	v37 =	vld [tilespmem:$0xB60];
	v13, v14, _ =	vpop (xrf1)  }
0x2b4: {  	v38, v39, _ =	vpop (xrf1)  }
0x2b5: {  	vm14 =	vle.f32 v13, v38  }
0x2b6: {  	v13 =	vsel vm14, v13, v38;
	v14 =	vsel vm14, v14, v39  }
0x2b7: {  	(xrf1) =	vsort.ascd.msk.f32 $0xffff, v13, v14  }
0x2b8: {  	(xrf1) =	vsort.dscd.msk.f32 $0xffff, v36, v37;
	_ =	sdelay $0xb  }
0x2b9: {  	v40 =	vld [tilespmem:$0x370]  }
0x2ba: {  	v41 =	vld [tilespmem:$0xB70];
	v13, v14, _ =	vpop (xrf1)  }
0x2bb: {  	v42, v43, _ =	vpop (xrf1)  }
0x2bc: {  	vm15 =	vle.f32 v13, v42  }
0x2bd: {  	v13 =	vsel vm15, v13, v42;
	v14 =	vsel vm15, v14, v43  }
0x2be: {  	(xrf1) =	vsort.ascd.msk.f32 $0xffff, v13, v14  }
0x2bf: {  	(xrf1) =	vsort.dscd.msk.f32 $0xffff, v40, v41;
	_ =	sdelay $0xb  }
0x2c0: {  	v44 =	vld [tilespmem:$0x700]  }
0x2c1: {  	v45 =	vld [tilespmem:$0xF00];
	v13, v14, _ =	vpop (xrf1)  }
0x2c2: {  	v46, v47, _ =	vpop (xrf1)  }
0x2c3: {  	vm4 =	vle.f32 v13, v46  }
0x2c4: {  	v13 =	vsel vm4, v13, v46;
	v14 =	vsel vm4, v14, v47  }
0x2c5: {  	(xrf1) =	vsort.ascd.msk.f32 $0xffff, v13, v14  }
0x2c6: {  	(xrf1) =	vsort.dscd.msk.f32 $0xffff, v44, v45;
	_ =	sdelay $0xb  }
0x2c7: {  	v48 =	vld [tilespmem:$0x710]  }
0x2c8: {  	v49 =	vld [tilespmem:$0xF10];
	v13, v14, _ =	vpop (xrf1)  }
0x2c9: {  	v50, v51, _ =	vpop (xrf1)  }
0x2ca: {  	vm5 =	vle.f32 v13, v50  }
0x2cb: {  	v13 =	vsel vm5, v13, v50;
	v14 =	vsel vm5, v14, v51  }
0x2cc: {  	(xrf1) =	vsort.ascd.msk.f32 $0xffff, v13, v14  }
0x2cd: {  	(xrf1) =	vsort.dscd.msk.f32 $0xffff, v48, v49;
	_ =	sdelay $0xb  }
0x2ce: {  	v52 =	vld [tilespmem:$0x720]  }
0x2cf: {  	v53 =	vld [tilespmem:$0xF20];
	v13, v14, _ =	vpop (xrf1)  }
0x2d0: {  	v54, v55, _ =	vpop (xrf1)  }
0x2d1: {  	vm6 =	vle.f32 v13, v54  }
0x2d2: {  	v13 =	vsel vm6, v13, v54;
	v14 =	vsel vm6, v14, v55  }
0x2d3: {  	(xrf1) =	vsort.ascd.msk.f32 $0xffff, v13, v14  }
0x2d4: {  	(xrf1) =	vsort.dscd.msk.f32 $0xffff, v52, v53;
	_ =	sdelay $0xb  }
0x2d5: {  	v56 =	vld [tilespmem:$0x730]  }
0x2d6: {  	v57 =	vld [tilespmem:$0xF30];
	v13, v14, _ =	vpop (xrf1)  }
0x2d7: {  	v58, v59, _ =	vpop (xrf1)  }
0x2d8: {  	vm7 =	vle.f32 v13, v58  }
0x2d9: {  	v13 =	vsel vm7, v13, v58;
	v14 =	vsel vm7, v14, v59  }
0x2da: {  	(xrf1) =	vsort.ascd.msk.f32 $0xffff, v13, v14  }
0x2db: {  	(xrf1) =	vsort.dscd.msk.f32 $0xffff, v56, v57;
	_ =	sdelay $0xb  }
0x2dc: {  	v60 =	vld [tilespmem:$0x740]  }
0x2dd: {  	v61 =	vld [tilespmem:$0xF40];
	v13, v14, _ =	vpop (xrf1)  }
0x2de: {  	v62, v63, _ =	vpop (xrf1)  }
0x2df: {  	vm8 =	vle.f32 v13, v62  }
0x2e0: {  	v13 =	vsel vm8, v13, v62;
	v14 =	vsel vm8, v14, v63  }
0x2e1: {  	(xrf1) =	vsort.ascd.msk.f32 $0xffff, v13, v14  }
0x2e2: {  	(xrf1) =	vsort.dscd.msk.f32 $0xffff, v60, v61;
	_ =	sdelay $0xb  }
0x2e3: {  	v20 =	vld [tilespmem:$0x750]  }
0x2e4: {  	v21 =	vld [tilespmem:$0xF50];
	v13, v14, _ =	vpop (xrf1)  }
0x2e5: {  	v22, v23, _ =	vpop (xrf1)  }
0x2e6: {  	vm9 =	vle.f32 v13, v22  }
0x2e7: {  	v13 =	vsel vm9, v13, v22;
	v14 =	vsel vm9, v14, v23  }
0x2e8: {  	(xrf1) =	vsort.ascd.msk.f32 $0xffff, v13, v14  }
0x2e9: {  	(xrf1) =	vsort.dscd.msk.f32 $0xffff, v20, v21;
	_ =	sdelay $0xb  }
0x2ea: {  	v24 =	vld [tilespmem:$0x760]  }
0x2eb: {  	v25 =	vld [tilespmem:$0xF60];
	v13, v14, _ =	vpop (xrf1)  }
0x2ec: {  	v26, v27, _ =	vpop (xrf1)  }
0x2ed: {  	vm10 =	vle.f32 v13, v26  }
0x2ee: {  	v13 =	vsel vm10, v13, v26;
	v14 =	vsel vm10, v14, v27  }
0x2ef: {  	(xrf1) =	vsort.ascd.msk.f32 $0xffff, v13, v14  }
0x2f0: {  	(xrf1) =	vsort.dscd.msk.f32 $0xffff, v24, v25;
	_ =	sdelay $0xb  }
0x2f1: {  	v28 =	vld [tilespmem:$0x770]  }
0x2f2: {  	v29 =	vld [tilespmem:$0xF70];
	v13, v14, _ =	vpop (xrf1)  }
0x2f3: {  	v30, v31, _ =	vpop (xrf1)  }
0x2f4: {  	vm11 =	vle.f32 v13, v30  }
0x2f5: {  	v13 =	vsel vm11, v13, v30;
	v14 =	vsel vm11, v14, v31  }
0x2f6: {  	(xrf1) =	vsort.ascd.msk.f32 $0xffff, v13, v14  }
0x2f7: {  	(xrf1) =	vsort.dscd.msk.f32 $0xffff, v28, v29;
	_ =	sdelay $0xa  }
0x2f8: {  	v19 =	vld [tilespmem:$0xB90]  }
0x2f9: {  	v32 =	vld [tilespmem:$0x380]  }
0x2fa: {  	v33 =	vld [tilespmem:$0xB80];
	v14, v34, _ =	vpop (xrf1)  }
0x2fb: {  	v35 =	vld [tilespmem:$0x390];
	v36, v18, _ =	vpop (xrf1)  }
0x2fc: {  	vm12 =	vle.f32 v14, v36  }
0x2fd: {  	v14 =	vsel vm12, v14, v36;
	v15 =	vsel vm12, v34, v18  }
0x2fe: {  	(xrf1) =	vsort.ascd.msk.f32 $0xffff, v14, v15  }
0x2ff: {  	(xrf1) =	vsort.ascd.msk.f32 $0xffff, v32, v33  }
0x300: {  	(xrf1) =	vsort.dscd.msk.f32 $0xffff, v35, v19;
	_ =	sdelay $0xb  }
0x301: {  	v37 =	vld [tilespmem:$0x3A0];
	v12, v13, _ =	vpop (xrf1)  }
0x302: {  	v40 =	vld [tilespmem:$0xBA0];
	v38, v39, _ =	vpop (xrf1)  }
0x303: {  	v41, v19, _ =	vpop (xrf1)  }
0x304: {  	vm13 =	vle.f32 v38, v41  }
0x305: {  	v15 =	vsel vm13, v38, v41;
	v16 =	vsel vm13, v39, v19  }
0x306: {  	(xrf1) =	vsort.ascd.msk.f32 $0xffff, v15, v16  }
0x307: {  	(xrf1) =	vsort.dscd.msk.f32 $0xffff, v37, v40;
	_ =	sdelay $0xb  }
0x308: {  	v42 =	vld [tilespmem:$0x3B0]  }
0x309: {  	v43 =	vld [tilespmem:$0xBB0];
	v15, v16, _ =	vpop (xrf1)  }
0x30a: {  	v44, v45, _ =	vpop (xrf1)  }
0x30b: {  	vm14 =	vle.f32 v15, v44  }
0x30c: {  	v15 =	vsel vm14, v15, v44;
	v16 =	vsel vm14, v16, v45  }
0x30d: {  	(xrf1) =	vsort.ascd.msk.f32 $0xffff, v15, v16  }
0x30e: {  	(xrf1) =	vsort.dscd.msk.f32 $0xffff, v42, v43;
	_ =	sdelay $0xb  }
0x30f: {  	v46 =	vld [tilespmem:$0x3C0]  }
0x310: {  	v47 =	vld [tilespmem:$0xBC0];
	v15, v16, _ =	vpop (xrf1)  }
0x311: {  	v48, v49, _ =	vpop (xrf1)  }
0x312: {  	vm15 =	vle.f32 v15, v48  }
0x313: {  	v15 =	vsel vm15, v15, v48;
	v16 =	vsel vm15, v16, v49  }
0x314: {  	(xrf1) =	vsort.ascd.msk.f32 $0xffff, v15, v16  }
0x315: {  	(xrf1) =	vsort.dscd.msk.f32 $0xffff, v46, v47;
	_ =	sdelay $0xb  }
0x316: {  	v50 =	vld [tilespmem:$0x3D0]  }
0x317: {  	v51 =	vld [tilespmem:$0xBD0];
	v15, v16, _ =	vpop (xrf1)  }
0x318: {  	v52, v53, _ =	vpop (xrf1)  }
0x319: {  	vm4 =	vle.f32 v15, v52  }
0x31a: {  	v15 =	vsel vm4, v15, v52;
	v16 =	vsel vm4, v16, v53  }
0x31b: {  	(xrf1) =	vsort.ascd.msk.f32 $0xffff, v15, v16  }
0x31c: {  	(xrf1) =	vsort.dscd.msk.f32 $0xffff, v50, v51;
	_ =	sdelay $0xb  }
0x31d: {  	v54 =	vld [tilespmem:$0x3E0]  }
0x31e: {  	v55 =	vld [tilespmem:$0xBE0];
	v15, v16, _ =	vpop (xrf1)  }
0x31f: {  	v56, v57, _ =	vpop (xrf1)  }
0x320: {  	vm5 =	vle.f32 v15, v56  }
0x321: {  	v15 =	vsel vm5, v15, v56;
	v16 =	vsel vm5, v16, v57  }
0x322: {  	(xrf1) =	vsort.ascd.msk.f32 $0xffff, v15, v16  }
0x323: {  	(xrf1) =	vsort.dscd.msk.f32 $0xffff, v54, v55;
	_ =	sdelay $0xb  }
0x324: {  	v58 =	vld [tilespmem:$0x3F0]  }
0x325: {  	v59 =	vld [tilespmem:$0xBF0];
	v15, v16, _ =	vpop (xrf1)  }
0x326: {  	v60, v61, _ =	vpop (xrf1)  }
0x327: {  	vm6 =	vle.f32 v15, v60  }
0x328: {  	v15 =	vsel vm6, v15, v60;
	v16 =	vsel vm6, v16, v61  }
0x329: {  	(xrf1) =	vsort.ascd.msk.f32 $0xffff, v15, v16  }
0x32a: {  	(xrf1) =	vsort.dscd.msk.f32 $0xffff, v58, v59;
	_ =	sdelay $0xb  }
0x32b: {  	v62 =	vld [tilespmem:$0x780]  }
0x32c: {  	v63 =	vld [tilespmem:$0xF80];
	v15, v16, _ =	vpop (xrf1)  }
0x32d: {  	v21, v22, _ =	vpop (xrf1)  }
0x32e: {  	vm7 =	vle.f32 v15, v21  }
0x32f: {  	v15 =	vsel vm7, v15, v21;
	v16 =	vsel vm7, v16, v22  }
0x330: {  	(xrf1) =	vsort.ascd.msk.f32 $0xffff, v15, v16  }
0x331: {  	(xrf1) =	vsort.dscd.msk.f32 $0xffff, v62, v63;
	_ =	sdelay $0xb  }
0x332: {  	v23 =	vld [tilespmem:$0x790]  }
0x333: {  	v24 =	vld [tilespmem:$0xF90];
	v15, v16, _ =	vpop (xrf1)  }
0x334: {  	v25, v26, _ =	vpop (xrf1)  }
0x335: {  	vm8 =	vle.f32 v15, v25  }
0x336: {  	v15 =	vsel vm8, v15, v25;
	v16 =	vsel vm8, v16, v26  }
0x337: {  	(xrf1) =	vsort.ascd.msk.f32 $0xffff, v15, v16  }
0x338: {  	(xrf1) =	vsort.dscd.msk.f32 $0xffff, v23, v24;
	_ =	sdelay $0xb  }
0x339: {  	v27 =	vld [tilespmem:$0x7A0]  }
0x33a: {  	v28 =	vld [tilespmem:$0xFA0];
	v15, v16, _ =	vpop (xrf1)  }
0x33b: {  	v29, v30, _ =	vpop (xrf1)  }
0x33c: {  	vm9 =	vle.f32 v15, v29  }
0x33d: {  	v15 =	vsel vm9, v15, v29;
	v16 =	vsel vm9, v16, v30  }
0x33e: {  	(xrf1) =	vsort.ascd.msk.f32 $0xffff, v15, v16  }
0x33f: {  	(xrf1) =	vsort.dscd.msk.f32 $0xffff, v27, v28;
	_ =	sdelay $0xb  }
0x340: {  	v31 =	vld [tilespmem:$0x7B0]  }
0x341: {  	v32 =	vld [tilespmem:$0xFB0];
	v15, v16, _ =	vpop (xrf1)  }
0x342: {  	v33, v34, _ =	vpop (xrf1)  }
0x343: {  	vm10 =	vle.f32 v15, v33  }
0x344: {  	v15 =	vsel vm10, v15, v33;
	v16 =	vsel vm10, v16, v34  }
0x345: {  	(xrf1) =	vsort.ascd.msk.f32 $0xffff, v15, v16  }
0x346: {  	(xrf1) =	vsort.dscd.msk.f32 $0xffff, v31, v32;
	_ =	sdelay $0xb  }
0x347: {  	v36 =	vld [tilespmem:$0xFC0]  }
0x348: {  	v35 =	vld [tilespmem:$0x7C0];
	v15, v16, _ =	vpop (xrf1)  }
0x349: {  	v37, v38, _ =	vpop (xrf1)  }
0x34a: {  	vm11 =	vle.f32 v15, v37  }
0x34b: {  	v15 =	vsel vm11, v15, v37;
	v16 =	vsel vm11, v16, v38  }
0x34c: {  	(xrf1) =	vsort.ascd.msk.f32 $0xffff, v15, v16  }
0x34d: {  	(xrf1) =	vsort.dscd.msk.f32 $0xffff, v35, v36;
	_ =	sdelay $0xb  }
0x34e: {  	v39 =	vld [tilespmem:$0x7D0]  }
0x34f: {  	v40 =	vld [tilespmem:$0xFD0];
	v15, v16, _ =	vpop (xrf1)  }
0x350: {  	v41, v42, _ =	vpop (xrf1)  }
0x351: {  	vm12 =	vle.f32 v15, v41  }
0x352: {  	v15 =	vsel vm12, v15, v41;
	v16 =	vsel vm12, v16, v42  }
0x353: {  	(xrf1) =	vsort.ascd.msk.f32 $0xffff, v15, v16  }
0x354: {  	(xrf1) =	vsort.dscd.msk.f32 $0xffff, v39, v40;
	_ =	sdelay $0xb  }
0x355: {  	v44 =	vld [tilespmem:$0xFE0]  }
0x356: {  	v43 =	vld [tilespmem:$0x7E0];
	v15, v16, _ =	vpop (xrf1)  }
0x357: {  	v45, v46, _ =	vpop (xrf1)  }
0x358: {  	vm13 =	vle.f32 v15, v45  }
0x359: {  	v15 =	vsel vm13, v15, v45;
	v16 =	vsel vm13, v16, v46  }
0x35a: {  	(xrf1) =	vsort.ascd.msk.f32 $0xffff, v15, v16  }
0x35b: {  	(xrf1) =	vsort.dscd.msk.f32 $0xffff, v43, v44;
	_ =	sdelay $0xb  }
0x35c: {  	v48 =	vld [tilespmem:$0xFF0]  }
0x35d: {  	v47 =	vld [tilespmem:$0x7F0];
	v15, v16, _ =	vpop (xrf1)  }
0x35e: {  	v49, v50, _ =	vpop (xrf1)  }
0x35f: {  	vm14 =	vle.f32 v15, v49  }
0x360: {  	v15 =	vsel vm14, v15, v49;
	v16 =	vsel vm14, v16, v50  }
0x361: {  	(xrf1) =	vsort.ascd.msk.f32 $0xffff, v15, v16  }
0x362: {  	(xrf1) =	vsort.dscd.msk.f32 $0xffff, v47, v48;
	_ =	sdelay $0xc  }
0x363: {  	v51, v15, _ =	vpop (xrf1)  }
0x364: {  	v52, v17, _ =	vpop (xrf1)  }
0x365: {  	vm15 =	vle.f32 v51, v52  }
0x366: {  	v14 =	vsel vm15, v51, v52;
	v15 =	vsel vm15, v15, v17  }
0x367: {  	(xrf1) =	vsort.ascd.msk.f32 $0xffff, v14, v15;
	_ =	sdelay $0x2  }
0x368: {  	v0 =	vsub.f32 v0, v1;
	v53 =	vsub.f32 v2, v3;
	_ =	sdelay $0x1  }
0x369: {  	v0 =	vmul.f32 v0, v0;
	v1 =	vmul.f32 v53, v53;
	v54 =	vsub.f32 v4, v5;
	_ =	sdelay $0x1  }
0x36a: {  	v0 =	vadd.f32 v1, v0;
	v55 =	vsub.f32 v6, v7;
	v2 =	vmul.f32 v54, v54;
	_ =	sdelay $0x1  }
0x36b: {  	v56 =	vsub.f32 v8, v9;
	v1 =	vmul.f32 v55, v55;
	v0 =	vadd.f32 v2, v0;
	_ =	sdelay $0x1  }
0x36c: {  	v57 =	vsub.f32 v10, v11;
	v2 =	vmul.f32 v56, v56;
	v0 =	vadd.f32 v1, v0;
	_ =	sdelay $0x1  }
0x36d: {  	v1 =	vmul.f32 v57, v57;
	v0 =	vadd.f32 v2, v0;
	v58 =	vsub.f32 v12, v13  }
0x36e: {  	v59, v60, _ =	vpop (xrf1)  }
0x36f: {  	v0 =	vadd.f32 v1, v0;
	v61 =	vmul.f32 v58, v58;
	v62 =	vsub.f32 v59, v60;
	_ =	sdelay $0x1  }
0x370: {  	v0 =	vadd.f32 v61, v0;
	v63 =	vmul.f32 v62, v62;
	_ =	sdelay $0x1  }
0x371: {  	v0 =	vadd.f32 v63, v0  }
0x372: {  	p0 =	sne.s32 s5, $0x1  }
.Ltmp0:
0x373: {  	[tilespmem:$0x1000] =	vst v0;
	(pc) =	sbr.rel @p0 .LBB2_1-.Ltmp0, $4  }
0x374: {  	[hbm4b:s4+s2] =	stream.linear.scatter [tilespmem:s7], [sflag:$0x1], $0x80, $0x38;
	[tilespmem:$0x1080] =	vst v63  }
0x375: {  	_ =	swait.ge [sflag:s6], $0x80  }
0x376: {  	[sflag:s6] =	ssyncset.done $0x0  }
0x377: {  	s5 =	sadd.s32 $0xFFFFFFFF, s5;
	[sflag:s6] =	ssyncadd.s32 $0xFFFFFF80  }
0x378: {  	_ =	sfence.sel $0x180000  }
0x379: {  	[bflag:$0x0] =	sbarrier.arrive $0xFFFF  }
0x37a: {  	p0 =	sne.s32 s1, $0x0;
	_ =	strace $0x90000047  }
0x37b: {  	s0 =	sadd.s32 @!p0 $0x100000, s0;
	[bflag:$0x2] =	sbarrier.arrive $0xFFFF  }
0x37c: {  	[sflag:s0] =	ssyncadd.tile.s32 @!p0 $0x1;
	_ =	shalt  }
.Lfunc_end2:
_tile_overlayer_lowered:
.L_overlay_start_2:
0x37d: {  	(tag) =	ssettag $0x2  }
0x37e: {  	s0 =	rddreg [dreg:$0x0];
	s2 =	stileid.u32  }
0x37f: {  	s1 =	rddreg [dreg:$0x1];
	p0 =	sne.s32 s2, $0x0  }
0x380: {  	s3 =	rddreg [dreg:$0x2];
	[bflag:$0x3] =	sbarrier.arrive $0xFFFF;
	s2 =	simm.s32 @!p0 $0x1C01  }
0x381: {  	[timem:s3], [sflag:s2] =	dma.local @!p0 [hbm:s0], s1  }
0x382: {  	s0 =	simm.s32 @!p0 $0x1  }
0x383: {  	_ =	swait.ge @!p0 [sflag:s0], s1  }
0x384: {  	s1 =	ssub.s32 @!p0 $0x0, s1;
	[sflag:s0] =	ssyncset.done @!p0 $0x0  }
0x385: {  	[sflag:s0] =	ssyncadd.s32 @!p0 s1  }
0x386: {  	[bflag:$0x3] =	sbarrier.arrive $0xFFFF  }
0x387: {  	_ =	shalt  }

</sc_bundles>
